<compile_context>
chip_gen: v7x
topology: tpu7x:2x2x1
jax: 0.10.2.dev20260603
libtpu: 0.0.44.dev20260713+nightly
codegen_flags: <defaults>
</compile_context>

<pallas_src>
import functools

import jax
import jax.numpy as jnp
from jax import lax
from jax.experimental import pallas as pl
from jax.experimental.pallas import tpu as pltpu
from jax.experimental.pallas import tpu_sc as plsc

C = 19
NB = 2048
CSTR = 2 * NB
NW = 32
CH = 512
PLANE = 512 * 512
P = 4 * PLANE
PPW = P // NW
NCH = PPW // CH
ROWS_PW = PPW // 512
HSZ = ((C * CSTR + 15) // 16) * 16
PLO = 5.5e-4
PHI = 0.99945
BLO = PLO * NB
BHI = PHI * NB


def _sc_hist_body(x_hbm, tgt_hbm, out_hbm, xbuf, tbuf, hist, sem0, sem1):
    cid = lax.axis_index("c")
    sid = lax.axis_index("s")
    wid = cid * 16 + sid
    b = wid // 8
    row0 = (wid % 8) * ROWS_PW

    sems = (sem0, sem1)

    def make_copies(k, slot):
        hrow = row0 + k
        return (
            pltpu.make_async_copy(
                x_hbm.at[b, :, hrow, :], xbuf.at[slot], sems[slot]
            ),
            pltpu.make_async_copy(
                tgt_hbm.at[b, hrow, :], tbuf.at[slot], sems[slot]
            ),
        )

    def issue(k, slot):
        for cp in make_copies(k, slot):
            cp.start()

    def drain(k, slot):
        for cp in make_copies(k, slot):
            cp.wait()

    zeros16 = jnp.zeros((16,), jnp.int32)

    @plsc.parallel_loop(0, HSZ // 16, unroll=8)
    def _(i):
        hist[pl.ds(i * 16, 16)] = zeros16

    lane = lax.iota(jnp.int32, 16)
    ones16 = jnp.ones((16,), jnp.int32)

    def process(slot):
        @plsc.parallel_loop(0, CH // 16, unroll=4)
        def _(j):
            base = j * 16
            tv = tbuf[slot, pl.ds(base, 16)]
            es = [jnp.exp(xbuf[slot, c, pl.ds(base, 16)]) for c in range(C)]
            s = es[0]
            for c in range(1, C):
                s = s + es[c]
            invnb = float(NB) / s
            for c in range(C):
                pb = es[c] * invnb
                pc = jnp.maximum(jnp.minimum(pb, BHI), BLO)
                fg = tv == c
                u = jnp.where(fg, float(2 * NB) - pc, pc)
                bi = u.astype(jnp.int32)
                plsc.addupdate_scatter(
                    hist.at[pl.ds(c * CSTR, 2 * NB)], [bi], ones16
                )

    issue(0, 0)

    def chunk_body(k2, _):
        k = k2 * 2
        drain(k, 0)
        issue(k + 1, 1)
        process(0)
        drain(k + 1, 1)

        @pl.when(k + 2 < NCH)
        def _():
            issue(k + 2, 0)

        process(1)
        return 0

    lax.fori_loop(0, NCH // 2, chunk_body, 0)
    pltpu.sync_copy(hist, out_hbm.at[wid])


_sc_hist = functools.partial(
    pl.kernel,
    out_type=jax.ShapeDtypeStruct((NW, HSZ), jnp.int32),
    mesh=plsc.VectorSubcoreMesh(
        core_axis_name="c", subcore_axis_name="s", num_cores=2, num_subcores=16
    ),
    scratch_types=[
        pltpu.VMEM((2, C, CH), jnp.float32),
        pltpu.VMEM((2, CH), jnp.int32),
        pltpu.VMEM((HSZ,), jnp.int32),
        pltpu.SemaphoreType.DMA,
        pltpu.SemaphoreType.DMA,
    ],
    compiler_params=pltpu.CompilerParams(needs_layout_passes=False),
)(_sc_hist_body)


def _tc_finish_body(h_ref, o_ref):
    h = h_ref[...].astype(jnp.float32)
    hs = jnp.sum(h, axis=0, keepdims=True)
    bg = jnp.concatenate(
        [hs[:, c * CSTR: c * CSTR + NB] for c in range(C)], axis=0
    )
    fgc = jnp.concatenate(
        [hs[:, c * CSTR + NB: (c + 1) * CSTR] for c in range(C)], axis=0
    )
    cnt = bg + fgc
    rows = lax.broadcasted_iota(jnp.int32, (NB, NB), 0)
    cols = lax.broadcasted_iota(jnp.int32, (NB, NB), 1)
    tri = (rows >= cols).astype(jnp.float32)
    num = jnp.dot(cnt, tri, precision=lax.Precision.HIGHEST,
                  preferred_element_type=jnp.float32)
    cf = jnp.dot(fgc, tri, precision=lax.Precision.HIGHEST,
                 preferred_element_type=jnp.float32)
    gts = cf[:, 0:1]
    jac = 1.0 - (gts - cf) / jnp.maximum(gts + num - cf, 1.0)
    jsum = jnp.sum(jac, axis=1, keepdims=True)
    losses = (jsum - 0.5 * jac[:, 0:1]) * (1.0 / NB)
    present = (gts > 0.0).astype(jnp.float32)
    val = jnp.sum(losses * present) / jnp.maximum(jnp.sum(present), 1.0)
    o_ref[...] = jnp.broadcast_to(val, (1, 1))


def kernel(output, target):
    tgt = target.astype(jnp.int32)
    hist = _sc_hist(output, tgt)
    loss = pl.pallas_call(
        _tc_finish_body,
        out_shape=jax.ShapeDtypeStruct((1, 1), jnp.float32),
    )(hist)
    return loss.reshape(())

# --- scband reference (transcript-rebuilt; emitter-appended) ---
"""Pipeline reference for scband-lovasz-loss-37967510897444 (READ-ONLY COPY).

The authoritative reference and input builder live on the scoring server;
editing this copy changes nothing except your own understanding.
"""

import jax, jax.numpy as jnp
import numpy as np


def _lovasz_grad(gt_sorted):
    gts = jnp.sum(gt_sorted)
    intersection = gts - jnp.cumsum(gt_sorted)
    union = gts + jnp.cumsum(1.0 - gt_sorted)
    jaccard = 1.0 - intersection / union
    return jnp.concatenate([jaccard[:1], jaccard[1:] - jaccard[:-1]])


def _lovasz_softmax(probs, labels):
    # probs: [B, C, H, W], labels: [B, H, W]
    B, C, H, W = probs.shape
    probas = jnp.moveaxis(probs, 1, -1).reshape(-1, C)  # [P, C]
    lab = labels.reshape(-1)  # [P]
    losses = []
    presents = []
    for c in range(C):
        fg = (lab == c).astype(jnp.float32)
        errors = jnp.abs(fg - probas[:, c])
        perm = jnp.argsort(-errors)  # descending sort
        errors_sorted = errors[perm]
        fg_sorted = fg[perm]
        grad = _lovasz_grad(fg_sorted)
        losses.append(jnp.dot(errors_sorted, grad))
        presents.append(jnp.sum(fg) > 0)
    losses = jnp.stack(losses)
    present = jnp.stack(presents).astype(jnp.float32)
    # 'present' classes variant: mean over classes appearing in labels
    return jnp.sum(losses * present) / jnp.maximum(jnp.sum(present), 1.0)


def setup_inputs(seed: int = 0) -> dict:
    key = jax.random.key(seed)
    k1, k2 = jax.random.split(key)
    output = jax.random.normal(k1, (4, 19, 512, 512), dtype=jnp.float32)
    target = jax.random.randint(k2, (4, 512, 512), 0, 19, dtype=jnp.int64)
    return {"output": output, "target": target}


def reference(output, target):
    probs = jax.nn.softmax(output, axis=1)
    return _lovasz_softmax(probs, target)

if __name__ == "__main__":
    import jax
    _d = setup_inputs()
    print(jax.jit(kernel)(*tuple(_d.values())))

</pallas_src>

<mosaic_0001>
#map = affine_map<(d0, d1) -> (0, 0, 0, 0)>
#map1 = affine_map<(d0, d1) -> (0, 0, 0)>
#map2 = affine_map<(d0, d1) -> (0, 0)>
module attributes {stable_mosaic.version = 14 : i64} {
  func.func @_sc_hist_body(%arg0: i32, %arg1: i32, %arg2: memref<4x19x512x512xf32, #tpu.memory_space<hbm>>, %arg3: memref<4x512x512xi32, #tpu.memory_space<hbm>>, %arg4: memref<32x77824xi32, #tpu.memory_space<hbm>>, %arg5: memref<2x19x512xf32, #tpu.memory_space<vmem>>, %arg6: memref<2x512xi32, #tpu.memory_space<vmem>>, %arg7: memref<77824xi32, #tpu.memory_space<vmem>>, %arg8: memref<!tpu.dma_semaphore, #tpu.memory_space<semaphore_mem>>, %arg9: memref<!tpu.dma_semaphore, #tpu.memory_space<semaphore_mem>>) attributes {dimension_semantics = [#tpu.dimension_semantics<core_parallel>, #tpu.dimension_semantics<subcore_parallel>], iteration_bounds = array<i64: 2, 16>, scalar_prefetch = 0 : i64, scratch_operands = 5 : i64, tpu.core_type = #tpu.core_type<sc_vector_subcore>, window_params = [{transform_indices = #map}, {transform_indices = #map1}, {transform_indices = #map2}]} {
    %mul3A = arith.constant 16 : i32
    %mul3A_0 = arith.muli %arg0, %mul3A : i32
    %add3A = arith.addi %mul3A_0, %arg1 : i32
    %jit3A = arith.constant 8 : i32
    %div3A = arith.divsi %add3A, %jit3A : i32
    %sign3A = arith.constant 0 : i32
    %sign3A_1 = arith.cmpi sgt, %add3A, %sign3A : i32
    %sign3A_2 = arith.extui %sign3A_1 : i1 to i32
    %sign3A_3 = arith.constant 0 : i32
    %sign3A_4 = arith.cmpi slt, %add3A, %sign3A_3 : i32
    %sign3A_5 = arith.extui %sign3A_4 : i1 to i32
    %sign3A_6 = arith.subi %sign3A_2, %sign3A_5 : i32
    %sign3A_7 = arith.constant 0 : i32
    %sign3A_8 = arith.cmpi sgt, %jit3A, %sign3A_7 : i32
    %sign3A_9 = arith.extui %sign3A_8 : i1 to i32
    %sign3A_10 = arith.constant 0 : i32
    %sign3A_11 = arith.cmpi slt, %jit3A, %sign3A_10 : i32
    %sign3A_12 = arith.extui %sign3A_11 : i1 to i32
    %sign3A_13 = arith.subi %sign3A_9, %sign3A_12 : i32
    %ne3A = arith.cmpi ne, %sign3A_6, %sign3A_13 : i32
    %rem3A = arith.remsi %add3A, %jit3A : i32
    %ne3A_14 = arith.constant 0 : i32
    %ne3A_15 = arith.cmpi ne, %rem3A, %ne3A_14 : i32
    %and3A = arith.andi %ne3A, %ne3A_15 : i1
    %sub3A = arith.constant 1 : i32
    %sub3A_16 = arith.subi %div3A, %sub3A : i32
    %select_n3A = arith.select %and3A, %sub3A_16, %div3A : i32
    %jit3A_17 = arith.constant 8 : i32
    %eq3A = arith.constant 0 : i32
    %eq3A_18 = arith.cmpi eq, %jit3A_17, %eq3A : i32
    %jit3A_19 = arith.constant 1 : i32
    %select_n3A_20 = arith.select %eq3A_18, %jit3A_19, %jit3A_17 : i32
    %rem3A_21 = arith.remsi %add3A, %select_n3A_20 : i32
    %ne3A_22 = arith.constant 0 : i32
    %ne3A_23 = arith.cmpi ne, %rem3A_21, %ne3A_22 : i32
    %lt3A = arith.constant 0 : i32
    %lt3A_24 = arith.cmpi slt, %rem3A_21, %lt3A : i32
    %lt3A_25 = arith.constant 0 : i32
    %lt3A_26 = arith.cmpi slt, %select_n3A_20, %lt3A_25 : i32
    %ne3A_27 = arith.xori %lt3A_24, %lt3A_26 : i1
    %and3A_28 = arith.andi %ne3A_27, %ne3A_23 : i1
    %add3A_29 = arith.addi %rem3A_21, %select_n3A_20 : i32
    %select_n3A_30 = arith.select %and3A_28, %add3A_29, %rem3A_21 : i32
    %mul3A_31 = arith.constant 64 : i32
    %mul3A_32 = arith.muli %select_n3A_30, %mul3A_31 : i32
    %broadcast_in_dim3A = arith.constant 0 : i32
    %broadcast_in_dim3A_33 = vector.broadcast %broadcast_in_dim3A : i32 to vector<16xi32>
    %parallel_loop3A = arith.constant 0 : i32
    %parallel_loop3A_34 = arith.constant 4864 : i32
    %parallel_loop3A_35 = arith.constant 1 : i32
    scf.for %parallel_loop3A_75 = %parallel_loop3A to %parallel_loop3A_34 step %parallel_loop3A_35  : i32 {
      %parallel_loop3A_76 = arith.constant 16 : i32
      %parallel_loop3A_77 = arith.muli %parallel_loop3A_75, %parallel_loop3A_76 : i32
      %parallel_loop3A_78 = arith.index_cast %parallel_loop3A_77 : i32 to index
      %parallel_loop3A_79 = tpu.vector_load %arg7[%parallel_loop3A_78] {strides = array<i32>} : memref<77824xi32, #tpu.memory_space<vmem>>, vector<16xi32>,
      tpu.vector_store %arg7[%parallel_loop3A_78], %broadcast_in_dim3A_33 {strides = array<i32>} : memref<77824xi32, #tpu.memory_space<vmem>>, vector<16xi32>,
    } {sc.loop_unroll_factor = 8 : i64, sc.parallel_access}
    %iota3A = tpu.iota {dimensions = array<i32: 0>} : vector<16xi32>
    %broadcast_in_dim3A_36 = arith.constant 1 : i32
    %broadcast_in_dim3A_37 = vector.broadcast %broadcast_in_dim3A_36 : i32 to vector<16xi32>
    %add3A_38 = arith.constant 0 : i32
    %add3A_39 = arith.addi %mul3A_32, %add3A_38 : i32
    %dma_start3A = arith.constant 0 : i32
    %dma_start3A_40 = arith.constant 0 : i32
    %dma_start3A_41 = arith.constant 0 : i32
    %dma_start3A_42 = tpu.memref_slice %arg5[%dma_start3A, %dma_start3A_40, %dma_start3A_41] : memref<2x19x512xf32, #tpu.memory_space<vmem>> -> memref<1x19x512xf32, #tpu.memory_space<vmem>>
    %dma_start3A_43 = tpu.memref_squeeze %dma_start3A_42 : memref<1x19x512xf32, #tpu.memory_space<vmem>> -> memref<19x512xf32, #tpu.memory_space<vmem>>
    %dma_start3A_44 = arith.constant 0 : i32
    %dma_start3A_45 = arith.constant 0 : i32
    %dma_start3A_46 = tpu.memref_slice %arg2[%select_n3A, %dma_start3A_44, %add3A_39, %dma_start3A_45] : memref<4x19x512x512xf32, #tpu.memory_space<hbm>> -> memref<1x19x1x512xf32, #tpu.memory_space<hbm>>
    %dma_start3A_47 = tpu.memref_squeeze %dma_start3A_46 : memref<1x19x1x512xf32, #tpu.memory_space<hbm>> -> memref<19x512xf32, #tpu.memory_space<hbm>>
    %dma_start3A_48 = arith.constant 0 : i32
    %dma_start3A_49 = arith.constant 0 : i32
    %dma_start3A_50 = tpu.memref_slice %arg5[%dma_start3A, %dma_start3A_48, %dma_start3A_49] : memref<2x19x512xf32, #tpu.memory_space<vmem>> -> memref<1x19x512xf32, #tpu.memory_space<vmem>>
    %dma_start3A_51 = tpu.memref_squeeze %dma_start3A_50 : memref<1x19x512xf32, #tpu.memory_space<vmem>> -> memref<19x512xf32, #tpu.memory_space<vmem>>
    %dma_start3A_52 = arith.constant 0 : i32
    %dma_start3A_53 = arith.constant 0 : i32
    %dma_start3A_54 = tpu.memref_slice %arg2[%select_n3A, %dma_start3A_52, %add3A_39, %dma_start3A_53] : memref<4x19x512x512xf32, #tpu.memory_space<hbm>> -> memref<1x19x1x512xf32, #tpu.memory_space<hbm>>
    %dma_start3A_55 = tpu.memref_squeeze %dma_start3A_54 : memref<1x19x1x512xf32, #tpu.memory_space<hbm>> -> memref<19x512xf32, #tpu.memory_space<hbm>>
    tpu.enqueue_dma source(%dma_start3A_55 : memref<19x512xf32, #tpu.memory_space<hbm>>) target(%dma_start3A_51 : memref<19x512xf32, #tpu.memory_space<vmem>>) target_semaphore(%arg8 : memref<!tpu.dma_semaphore, #tpu.memory_space<semaphore_mem>>)
    %dma_start3A_56 = arith.constant 0 : i32
    %dma_start3A_57 = arith.constant 0 : i32
    %dma_start3A_58 = tpu.memref_slice %arg6[%dma_start3A_56, %dma_start3A_57] : memref<2x512xi32, #tpu.memory_space<vmem>> -> memref<1x512xi32, #tpu.memory_space<vmem>>
    %dma_start3A_59 = tpu.memref_squeeze %dma_start3A_58 : memref<1x512xi32, #tpu.memory_space<vmem>> -> memref<512xi32, #tpu.memory_space<vmem>>
    %dma_start3A_60 = arith.constant 0 : i32
    %dma_start3A_61 = tpu.memref_slice %arg3[%select_n3A, %add3A_39, %dma_start3A_60] : memref<4x512x512xi32, #tpu.memory_space<hbm>> -> memref<1x1x512xi32, #tpu.memory_space<hbm>>
    %dma_start3A_62 = tpu.memref_squeeze %dma_start3A_61 : memref<1x1x512xi32, #tpu.memory_space<hbm>> -> memref<512xi32, #tpu.memory_space<hbm>>
    %dma_start3A_63 = arith.constant 0 : i32
    %dma_start3A_64 = tpu.memref_slice %arg6[%dma_start3A_56, %dma_start3A_63] : memref<2x512xi32, #tpu.memory_space<vmem>> -> memref<1x512xi32, #tpu.memory_space<vmem>>
    %dma_start3A_65 = tpu.memref_squeeze %dma_start3A_64 : memref<1x512xi32, #tpu.memory_space<vmem>> -> memref<512xi32, #tpu.memory_space<vmem>>
    %dma_start3A_66 = arith.constant 0 : i32
    %dma_start3A_67 = tpu.memref_slice %arg3[%select_n3A, %add3A_39, %dma_start3A_66] : memref<4x512x512xi32, #tpu.memory_space<hbm>> -> memref<1x1x512xi32, #tpu.memory_space<hbm>>
    %dma_start3A_68 = tpu.memref_squeeze %dma_start3A_67 : memref<1x1x512xi32, #tpu.memory_space<hbm>> -> memref<512xi32, #tpu.memory_space<hbm>>
    tpu.enqueue_dma source(%dma_start3A_68 : memref<512xi32, #tpu.memory_space<hbm>>) target(%dma_start3A_65 : memref<512xi32, #tpu.memory_space<vmem>>) target_semaphore(%arg8 : memref<!tpu.dma_semaphore, #tpu.memory_space<semaphore_mem>>)
    %scan3A = arith.constant 0 : i32
    %scan3A_69 = arith.constant 0 : i32
    %scan3A_70 = arith.constant 32 : i32
    %scan3A_71 = arith.addi %scan3A_69, %scan3A_70 : i32
    %scan3A_72 = arith.constant 1 : i32
    %scan3A_73 = scf.for %scan3A_75 = %scan3A_69 to %scan3A_71 step %scan3A_72 iter_args(%scan3A_76 = %scan3A) -> (i32)  : i32 {
      %mul3A_77 = arith.constant 2 : i32
      %mul3A_78 = arith.muli %scan3A_75, %mul3A_77 : i32
      %add3A_79 = arith.addi %mul3A_32, %mul3A_78 : i32
      %dma_wait3A = arith.constant 0 : i32
      %dma_wait3A_80 = arith.constant 0 : i32
      %dma_wait3A_81 = arith.constant 0 : i32
      %dma_wait3A_82 = tpu.memref_slice %arg5[%dma_wait3A, %dma_wait3A_80, %dma_wait3A_81] : memref<2x19x512xf32, #tpu.memory_space<vmem>> -> memref<1x19x512xf32, #tpu.memory_space<vmem>>
      %dma_wait3A_83 = tpu.memref_squeeze %dma_wait3A_82 : memref<1x19x512xf32, #tpu.memory_space<vmem>> -> memref<19x512xf32, #tpu.memory_space<vmem>>
      %dma_wait3A_84 = arith.constant 0 : i32
      %dma_wait3A_85 = arith.constant 0 : i32
      %dma_wait3A_86 = tpu.memref_slice %arg2[%select_n3A, %dma_wait3A_84, %add3A_79, %dma_wait3A_85] : memref<4x19x512x512xf32, #tpu.memory_space<hbm>> -> memref<1x19x1x512xf32, #tpu.memory_space<hbm>>
      %dma_wait3A_87 = tpu.memref_squeeze %dma_wait3A_86 : memref<1x19x1x512xf32, #tpu.memory_space<hbm>> -> memref<19x512xf32, #tpu.memory_space<hbm>>
      %dma_wait3A_88 = arith.constant 0 : i32
      %dma_wait3A_89 = arith.constant 0 : i32
      %dma_wait3A_90 = tpu.memref_slice %arg5[%dma_wait3A, %dma_wait3A_88, %dma_wait3A_89] : memref<2x19x512xf32, #tpu.memory_space<vmem>> -> memref<1x19x512xf32, #tpu.memory_space<vmem>>
      %dma_wait3A_91 = tpu.memref_squeeze %dma_wait3A_90 : memref<1x19x512xf32, #tpu.memory_space<vmem>> -> memref<19x512xf32, #tpu.memory_space<vmem>>
      %dma_wait3A_92 = arith.constant 0 : i32
      %dma_wait3A_93 = arith.constant 0 : i32
      %dma_wait3A_94 = tpu.memref_slice %arg2[%select_n3A, %dma_wait3A_92, %add3A_79, %dma_wait3A_93] : memref<4x19x512x512xf32, #tpu.memory_space<hbm>> -> memref<1x19x1x512xf32, #tpu.memory_space<hbm>>
      %dma_wait3A_95 = tpu.memref_squeeze %dma_wait3A_94 : memref<1x19x1x512xf32, #tpu.memory_space<hbm>> -> memref<19x512xf32, #tpu.memory_space<hbm>>
      tpu.wait_dma2 semaphore(%arg8 : memref<!tpu.dma_semaphore, #tpu.memory_space<semaphore_mem>>) src(%dma_wait3A_95 : memref<19x512xf32, #tpu.memory_space<hbm>>) dst(%dma_wait3A_91 : memref<19x512xf32, #tpu.memory_space<vmem>>)
      %dma_wait3A_96 = arith.constant 0 : i32
      %dma_wait3A_97 = arith.constant 0 : i32
      %dma_wait3A_98 = tpu.memref_slice %arg6[%dma_wait3A_96, %dma_wait3A_97] : memref<2x512xi32, #tpu.memory_space<vmem>> -> memref<1x512xi32, #tpu.memory_space<vmem>>
      %dma_wait3A_99 = tpu.memref_squeeze %dma_wait3A_98 : memref<1x512xi32, #tpu.memory_space<vmem>> -> memref<512xi32, #tpu.memory_space<vmem>>
      %dma_wait3A_100 = arith.constant 0 : i32
      %dma_wait3A_101 = tpu.memref_slice %arg3[%select_n3A, %add3A_79, %dma_wait3A_100] : memref<4x512x512xi32, #tpu.memory_space<hbm>> -> memref<1x1x512xi32, #tpu.memory_space<hbm>>
      %dma_wait3A_102 = tpu.memref_squeeze %dma_wait3A_101 : memref<1x1x512xi32, #tpu.memory_space<hbm>> -> memref<512xi32, #tpu.memory_space<hbm>>
      %dma_wait3A_103 = arith.constant 0 : i32
      %dma_wait3A_104 = tpu.memref_slice %arg6[%dma_wait3A_96, %dma_wait3A_103] : memref<2x512xi32, #tpu.memory_space<vmem>> -> memref<1x512xi32, #tpu.memory_space<vmem>>
      %dma_wait3A_105 = tpu.memref_squeeze %dma_wait3A_104 : memref<1x512xi32, #tpu.memory_space<vmem>> -> memref<512xi32, #tpu.memory_space<vmem>>
      %dma_wait3A_106 = arith.constant 0 : i32
      %dma_wait3A_107 = tpu.memref_slice %arg3[%select_n3A, %add3A_79, %dma_wait3A_106] : memref<4x512x512xi32, #tpu.memory_space<hbm>> -> memref<1x1x512xi32, #tpu.memory_space<hbm>>
      %dma_wait3A_108 = tpu.memref_squeeze %dma_wait3A_107 : memref<1x1x512xi32, #tpu.memory_space<hbm>> -> memref<512xi32, #tpu.memory_space<hbm>>
      tpu.wait_dma2 semaphore(%arg8 : memref<!tpu.dma_semaphore, #tpu.memory_space<semaphore_mem>>) src(%dma_wait3A_108 : memref<512xi32, #tpu.memory_space<hbm>>) dst(%dma_wait3A_105 : memref<512xi32, #tpu.memory_space<vmem>>)
      %add3A_109 = arith.constant 1 : i32
      %add3A_110 = arith.addi %mul3A_78, %add3A_109 : i32
      %add3A_111 = arith.addi %mul3A_32, %add3A_110 : i32
      %dma_start3A_112 = arith.constant 1 : i32
      %dma_start3A_113 = arith.constant 0 : i32
      %dma_start3A_114 = arith.constant 0 : i32
      %dma_start3A_115 = tpu.memref_slice %arg5[%dma_start3A_112, %dma_start3A_113, %dma_start3A_114] : memref<2x19x512xf32, #tpu.memory_space<vmem>> -> memref<1x19x512xf32, #tpu.memory_space<vmem>>
      %dma_start3A_116 = tpu.memref_squeeze %dma_start3A_115 : memref<1x19x512xf32, #tpu.memory_space<vmem>> -> memref<19x512xf32, #tpu.memory_space<vmem>>
      %dma_start3A_117 = arith.constant 0 : i32
      %dma_start3A_118 = arith.constant 0 : i32
      %dma_start3A_119 = tpu.memref_slice %arg2[%select_n3A, %dma_start3A_117, %add3A_111, %dma_start3A_118] : memref<4x19x512x512xf32, #tpu.memory_space<hbm>> -> memref<1x19x1x512xf32, #tpu.memory_space<hbm>>
      %dma_start3A_120 = tpu.memref_squeeze %dma_start3A_119 : memref<1x19x1x512xf32, #tpu.memory_space<hbm>> -> memref<19x512xf32, #tpu.memory_space<hbm>>
      %dma_start3A_121 = arith.constant 0 : i32
      %dma_start3A_122 = arith.constant 0 : i32
      %dma_start3A_123 = tpu.memref_slice %arg5[%dma_start3A_112, %dma_start3A_121, %dma_start3A_122] : memref<2x19x512xf32, #tpu.memory_space<vmem>> -> memref<1x19x512xf32, #tpu.memory_space<vmem>>
      %dma_start3A_124 = tpu.memref_squeeze %dma_start3A_123 : memref<1x19x512xf32, #tpu.memory_space<vmem>> -> memref<19x512xf32, #tpu.memory_space<vmem>>
      %dma_start3A_125 = arith.constant 0 : i32
      %dma_start3A_126 = arith.constant 0 : i32
      %dma_start3A_127 = tpu.memref_slice %arg2[%select_n3A, %dma_start3A_125, %add3A_111, %dma_start3A_126] : memref<4x19x512x512xf32, #tpu.memory_space<hbm>> -> memref<1x19x1x512xf32, #tpu.memory_space<hbm>>
      %dma_start3A_128 = tpu.memref_squeeze %dma_start3A_127 : memref<1x19x1x512xf32, #tpu.memory_space<hbm>> -> memref<19x512xf32, #tpu.memory_space<hbm>>
      tpu.enqueue_dma source(%dma_start3A_128 : memref<19x512xf32, #tpu.memory_space<hbm>>) target(%dma_start3A_124 : memref<19x512xf32, #tpu.memory_space<vmem>>) target_semaphore(%arg9 : memref<!tpu.dma_semaphore, #tpu.memory_space<semaphore_mem>>)
      %dma_start3A_129 = arith.constant 1 : i32
      %dma_start3A_130 = arith.constant 0 : i32
      %dma_start3A_131 = tpu.memref_slice %arg6[%dma_start3A_129, %dma_start3A_130] : memref<2x512xi32, #tpu.memory_space<vmem>> -> memref<1x512xi32, #tpu.memory_space<vmem>>
      %dma_start3A_132 = tpu.memref_squeeze %dma_start3A_131 : memref<1x512xi32, #tpu.memory_space<vmem>> -> memref<512xi32, #tpu.memory_space<vmem>>
      %dma_start3A_133 = arith.constant 0 : i32
      %dma_start3A_134 = tpu.memref_slice %arg3[%select_n3A, %add3A_111, %dma_start3A_133] : memref<4x512x512xi32, #tpu.memory_space<hbm>> -> memref<1x1x512xi32, #tpu.memory_space<hbm>>
      %dma_start3A_135 = tpu.memref_squeeze %dma_start3A_134 : memref<1x1x512xi32, #tpu.memory_space<hbm>> -> memref<512xi32, #tpu.memory_space<hbm>>
      %dma_start3A_136 = arith.constant 0 : i32
      %dma_start3A_137 = tpu.memref_slice %arg6[%dma_start3A_129, %dma_start3A_136] : memref<2x512xi32, #tpu.memory_space<vmem>> -> memref<1x512xi32, #tpu.memory_space<vmem>>
      %dma_start3A_138 = tpu.memref_squeeze %dma_start3A_137 : memref<1x512xi32, #tpu.memory_space<vmem>> -> memref<512xi32, #tpu.memory_space<vmem>>
      %dma_start3A_139 = arith.constant 0 : i32
      %dma_start3A_140 = tpu.memref_slice %arg3[%select_n3A, %add3A_111, %dma_start3A_139] : memref<4x512x512xi32, #tpu.memory_space<hbm>> -> memref<1x1x512xi32, #tpu.memory_space<hbm>>
      %dma_start3A_141 = tpu.memref_squeeze %dma_start3A_140 : memref<1x1x512xi32, #tpu.memory_space<hbm>> -> memref<512xi32, #tpu.memory_space<hbm>>
      tpu.enqueue_dma source(%dma_start3A_141 : memref<512xi32, #tpu.memory_space<hbm>>) target(%dma_start3A_138 : memref<512xi32, #tpu.memory_space<vmem>>) target_semaphore(%arg9 : memref<!tpu.dma_semaphore, #tpu.memory_space<semaphore_mem>>)
      %parallel_loop3A_142 = arith.constant 0 : i32
      %parallel_loop3A_143 = arith.constant 32 : i32
      %parallel_loop3A_144 = arith.constant 1 : i32
      scf.for %parallel_loop3A_187 = %parallel_loop3A_142 to %parallel_loop3A_143 step %parallel_loop3A_144  : i32 {
        %parallel_loop3A_188 = arith.constant 16 : i32
        %parallel_loop3A_189 = arith.muli %parallel_loop3A_187, %parallel_loop3A_188 : i32
        %parallel_loop3A_190 = arith.constant 0 : i32
        %parallel_loop3A_191 = arith.index_cast %parallel_loop3A_190 : i32 to index
        %parallel_loop3A_192 = arith.index_cast %parallel_loop3A_189 : i32 to index
        %parallel_loop3A_193 = tpu.vector_load %arg6[%parallel_loop3A_191, %parallel_loop3A_192] {strides = array<i32>} : memref<2x512xi32, #tpu.memory_space<vmem>>, vector<16xi32>,
        %parallel_loop3A_194 = arith.constant 0 : i32
        %parallel_loop3A_195 = arith.constant 0 : i32
        %parallel_loop3A_196 = arith.index_cast %parallel_loop3A_194 : i32 to index
        %parallel_loop3A_197 = arith.index_cast %parallel_loop3A_195 : i32 to index
        %parallel_loop3A_198 = arith.index_cast %parallel_loop3A_189 : i32 to index
        %parallel_loop3A_199 = tpu.vector_load %arg5[%parallel_loop3A_196, %parallel_loop3A_197, %parallel_loop3A_198] {strides = array<i32>} : memref<2x19x512xf32, #tpu.memory_space<vmem>>, vector<16xf32>,
        %parallel_loop3A_200 = math.exp %parallel_loop3A_199 : vector<16xf32>
        %parallel_loop3A_201 = arith.constant 0 : i32
        %parallel_loop3A_202 = arith.constant 1 : i32
        %parallel_loop3A_203 = arith.index_cast %parallel_loop3A_201 : i32 to index
        %parallel_loop3A_204 = arith.index_cast %parallel_loop3A_202 : i32 to index
        %parallel_loop3A_205 = arith.index_cast %parallel_loop3A_189 : i32 to index
        %parallel_loop3A_206 = tpu.vector_load %arg5[%parallel_loop3A_203, %parallel_loop3A_204, %parallel_loop3A_205] {strides = array<i32>} : memref<2x19x512xf32, #tpu.memory_space<vmem>>, vector<16xf32>,
        %parallel_loop3A_207 = math.exp %parallel_loop3A_206 : vector<16xf32>
        %parallel_loop3A_208 = arith.constant 0 : i32
        %parallel_loop3A_209 = arith.constant 2 : i32
        %parallel_loop3A_210 = arith.index_cast %parallel_loop3A_208 : i32 to index
        %parallel_loop3A_211 = arith.index_cast %parallel_loop3A_209 : i32 to index
        %parallel_loop3A_212 = arith.index_cast %parallel_loop3A_189 : i32 to index
        %parallel_loop3A_213 = tpu.vector_load %arg5[%parallel_loop3A_210, %parallel_loop3A_211, %parallel_loop3A_212] {strides = array<i32>} : memref<2x19x512xf32, #tpu.memory_space<vmem>>, vector<16xf32>,
        %parallel_loop3A_214 = math.exp %parallel_loop3A_213 : vector<16xf32>
        %parallel_loop3A_215 = arith.constant 0 : i32
        %parallel_loop3A_216 = arith.constant 3 : i32
        %parallel_loop3A_217 = arith.index_cast %parallel_loop3A_215 : i32 to index
        %parallel_loop3A_218 = arith.index_cast %parallel_loop3A_216 : i32 to index
        %parallel_loop3A_219 = arith.index_cast %parallel_loop3A_189 : i32 to index
        %parallel_loop3A_220 = tpu.vector_load %arg5[%parallel_loop3A_217, %parallel_loop3A_218, %parallel_loop3A_219] {strides = array<i32>} : memref<2x19x512xf32, #tpu.memory_space<vmem>>, vector<16xf32>,
        %parallel_loop3A_221 = math.exp %parallel_loop3A_220 : vector<16xf32>
        %parallel_loop3A_222 = arith.constant 0 : i32
        %parallel_loop3A_223 = arith.constant 4 : i32
        %parallel_loop3A_224 = arith.index_cast %parallel_loop3A_222 : i32 to index
        %parallel_loop3A_225 = arith.index_cast %parallel_loop3A_223 : i32 to index
        %parallel_loop3A_226 = arith.index_cast %parallel_loop3A_189 : i32 to index
        %parallel_loop3A_227 = tpu.vector_load %arg5[%parallel_loop3A_224, %parallel_loop3A_225, %parallel_loop3A_226] {strides = array<i32>} : memref<2x19x512xf32, #tpu.memory_space<vmem>>, vector<16xf32>,
        %parallel_loop3A_228 = math.exp %parallel_loop3A_227 : vector<16xf32>
        %parallel_loop3A_229 = arith.constant 0 : i32
        %parallel_loop3A_230 = arith.constant 5 : i32
        %parallel_loop3A_231 = arith.index_cast %parallel_loop3A_229 : i32 to index
        %parallel_loop3A_232 = arith.index_cast %parallel_loop3A_230 : i32 to index
        %parallel_loop3A_233 = arith.index_cast %parallel_loop3A_189 : i32 to index
        %parallel_loop3A_234 = tpu.vector_load %arg5[%parallel_loop3A_231, %parallel_loop3A_232, %parallel_loop3A_233] {strides = array<i32>} : memref<2x19x512xf32, #tpu.memory_space<vmem>>, vector<16xf32>,
        %parallel_loop3A_235 = math.exp %parallel_loop3A_234 : vector<16xf32>
        %parallel_loop3A_236 = arith.constant 0 : i32
        %parallel_loop3A_237 = arith.constant 6 : i32
        %parallel_loop3A_238 = arith.index_cast %parallel_loop3A_236 : i32 to index
        %parallel_loop3A_239 = arith.index_cast %parallel_loop3A_237 : i32 to index
        %parallel_loop3A_240 = arith.index_cast %parallel_loop3A_189 : i32 to index
        %parallel_loop3A_241 = tpu.vector_load %arg5[%parallel_loop3A_238, %parallel_loop3A_239, %parallel_loop3A_240] {strides = array<i32>} : memref<2x19x512xf32, #tpu.memory_space<vmem>>, vector<16xf32>,
        %parallel_loop3A_242 = math.exp %parallel_loop3A_241 : vector<16xf32>
        %parallel_loop3A_243 = arith.constant 0 : i32
        %parallel_loop3A_244 = arith.constant 7 : i32
        %parallel_loop3A_245 = arith.index_cast %parallel_loop3A_243 : i32 to index
        %parallel_loop3A_246 = arith.index_cast %parallel_loop3A_244 : i32 to index
        %parallel_loop3A_247 = arith.index_cast %parallel_loop3A_189 : i32 to index
        %parallel_loop3A_248 = tpu.vector_load %arg5[%parallel_loop3A_245, %parallel_loop3A_246, %parallel_loop3A_247] {strides = array<i32>} : memref<2x19x512xf32, #tpu.memory_space<vmem>>, vector<16xf32>,
        %parallel_loop3A_249 = math.exp %parallel_loop3A_248 : vector<16xf32>
        %parallel_loop3A_250 = arith.constant 0 : i32
        %parallel_loop3A_251 = arith.constant 8 : i32
        %parallel_loop3A_252 = arith.index_cast %parallel_loop3A_250 : i32 to index
        %parallel_loop3A_253 = arith.index_cast %parallel_loop3A_251 : i32 to index
        %parallel_loop3A_254 = arith.index_cast %parallel_loop3A_189 : i32 to index
        %parallel_loop3A_255 = tpu.vector_load %arg5[%parallel_loop3A_252, %parallel_loop3A_253, %parallel_loop3A_254] {strides = array<i32>} : memref<2x19x512xf32, #tpu.memory_space<vmem>>, vector<16xf32>,
        %parallel_loop3A_256 = math.exp %parallel_loop3A_255 : vector<16xf32>
        %parallel_loop3A_257 = arith.constant 0 : i32
        %parallel_loop3A_258 = arith.constant 9 : i32
        %parallel_loop3A_259 = arith.index_cast %parallel_loop3A_257 : i32 to index
        %parallel_loop3A_260 = arith.index_cast %parallel_loop3A_258 : i32 to index
        %parallel_loop3A_261 = arith.index_cast %parallel_loop3A_189 : i32 to index
        %parallel_loop3A_262 = tpu.vector_load %arg5[%parallel_loop3A_259, %parallel_loop3A_260, %parallel_loop3A_261] {strides = array<i32>} : memref<2x19x512xf32, #tpu.memory_space<vmem>>, vector<16xf32>,
        %parallel_loop3A_263 = math.exp %parallel_loop3A_262 : vector<16xf32>
        %parallel_loop3A_264 = arith.constant 0 : i32
        %parallel_loop3A_265 = arith.constant 10 : i32
        %parallel_loop3A_266 = arith.index_cast %parallel_loop3A_264 : i32 to index
        %parallel_loop3A_267 = arith.index_cast %parallel_loop3A_265 : i32 to index
        %parallel_loop3A_268 = arith.index_cast %parallel_loop3A_189 : i32 to index
        %parallel_loop3A_269 = tpu.vector_load %arg5[%parallel_loop3A_266, %parallel_loop3A_267, %parallel_loop3A_268] {strides = array<i32>} : memref<2x19x512xf32, #tpu.memory_space<vmem>>, vector<16xf32>,
        %parallel_loop3A_270 = math.exp %parallel_loop3A_269 : vector<16xf32>
        %parallel_loop3A_271 = arith.constant 0 : i32
        %parallel_loop3A_272 = arith.constant 11 : i32
        %parallel_loop3A_273 = arith.index_cast %parallel_loop3A_271 : i32 to index
        %parallel_loop3A_274 = arith.index_cast %parallel_loop3A_272 : i32 to index
        %parallel_loop3A_275 = arith.index_cast %parallel_loop3A_189 : i32 to index
        %parallel_loop3A_276 = tpu.vector_load %arg5[%parallel_loop3A_273, %parallel_loop3A_274, %parallel_loop3A_275] {strides = array<i32>} : memref<2x19x512xf32, #tpu.memory_space<vmem>>, vector<16xf32>,
        %parallel_loop3A_277 = math.exp %parallel_loop3A_276 : vector<16xf32>
        %parallel_loop3A_278 = arith.constant 0 : i32
        %parallel_loop3A_279 = arith.constant 12 : i32
        %parallel_loop3A_280 = arith.index_cast %parallel_loop3A_278 : i32 to index
        %parallel_loop3A_281 = arith.index_cast %parallel_loop3A_279 : i32 to index
        %parallel_loop3A_282 = arith.index_cast %parallel_loop3A_189 : i32 to index
        %parallel_loop3A_283 = tpu.vector_load %arg5[%parallel_loop3A_280, %parallel_loop3A_281, %parallel_loop3A_282] {strides = array<i32>} : memref<2x19x512xf32, #tpu.memory_space<vmem>>, vector<16xf32>,
        %parallel_loop3A_284 = math.exp %parallel_loop3A_283 : vector<16xf32>
        %parallel_loop3A_285 = arith.constant 0 : i32
        %parallel_loop3A_286 = arith.constant 13 : i32
        %parallel_loop3A_287 = arith.index_cast %parallel_loop3A_285 : i32 to index
        %parallel_loop3A_288 = arith.index_cast %parallel_loop3A_286 : i32 to index
        %parallel_loop3A_289 = arith.index_cast %parallel_loop3A_189 : i32 to index
        %parallel_loop3A_290 = tpu.vector_load %arg5[%parallel_loop3A_287, %parallel_loop3A_288, %parallel_loop3A_289] {strides = array<i32>} : memref<2x19x512xf32, #tpu.memory_space<vmem>>, vector<16xf32>,
        %parallel_loop3A_291 = math.exp %parallel_loop3A_290 : vector<16xf32>
        %parallel_loop3A_292 = arith.constant 0 : i32
        %parallel_loop3A_293 = arith.constant 14 : i32
        %parallel_loop3A_294 = arith.index_cast %parallel_loop3A_292 : i32 to index
        %parallel_loop3A_295 = arith.index_cast %parallel_loop3A_293 : i32 to index
        %parallel_loop3A_296 = arith.index_cast %parallel_loop3A_189 : i32 to index
        %parallel_loop3A_297 = tpu.vector_load %arg5[%parallel_loop3A_294, %parallel_loop3A_295, %parallel_loop3A_296] {strides = array<i32>} : memref<2x19x512xf32, #tpu.memory_space<vmem>>, vector<16xf32>,
        %parallel_loop3A_298 = math.exp %parallel_loop3A_297 : vector<16xf32>
        %parallel_loop3A_299 = arith.constant 0 : i32
        %parallel_loop3A_300 = arith.constant 15 : i32
        %parallel_loop3A_301 = arith.index_cast %parallel_loop3A_299 : i32 to index
        %parallel_loop3A_302 = arith.index_cast %parallel_loop3A_300 : i32 to index
        %parallel_loop3A_303 = arith.index_cast %parallel_loop3A_189 : i32 to index
        %parallel_loop3A_304 = tpu.vector_load %arg5[%parallel_loop3A_301, %parallel_loop3A_302, %parallel_loop3A_303] {strides = array<i32>} : memref<2x19x512xf32, #tpu.memory_space<vmem>>, vector<16xf32>,
        %parallel_loop3A_305 = math.exp %parallel_loop3A_304 : vector<16xf32>
        %parallel_loop3A_306 = arith.constant 0 : i32
        %parallel_loop3A_307 = arith.constant 16 : i32
        %parallel_loop3A_308 = arith.index_cast %parallel_loop3A_306 : i32 to index
        %parallel_loop3A_309 = arith.index_cast %parallel_loop3A_307 : i32 to index
        %parallel_loop3A_310 = arith.index_cast %parallel_loop3A_189 : i32 to index
        %parallel_loop3A_311 = tpu.vector_load %arg5[%parallel_loop3A_308, %parallel_loop3A_309, %parallel_loop3A_310] {strides = array<i32>} : memref<2x19x512xf32, #tpu.memory_space<vmem>>, vector<16xf32>,
        %parallel_loop3A_312 = math.exp %parallel_loop3A_311 : vector<16xf32>
        %parallel_loop3A_313 = arith.constant 0 : i32
        %parallel_loop3A_314 = arith.constant 17 : i32
        %parallel_loop3A_315 = arith.index_cast %parallel_loop3A_313 : i32 to index
        %parallel_loop3A_316 = arith.index_cast %parallel_loop3A_314 : i32 to index
        %parallel_loop3A_317 = arith.index_cast %parallel_loop3A_189 : i32 to index
        %parallel_loop3A_318 = tpu.vector_load %arg5[%parallel_loop3A_315, %parallel_loop3A_316, %parallel_loop3A_317] {strides = array<i32>} : memref<2x19x512xf32, #tpu.memory_space<vmem>>, vector<16xf32>,
        %parallel_loop3A_319 = math.exp %parallel_loop3A_318 : vector<16xf32>
        %parallel_loop3A_320 = arith.constant 0 : i32
        %parallel_loop3A_321 = arith.constant 18 : i32
        %parallel_loop3A_322 = arith.index_cast %parallel_loop3A_320 : i32 to index
        %parallel_loop3A_323 = arith.index_cast %parallel_loop3A_321 : i32 to index
        %parallel_loop3A_324 = arith.index_cast %parallel_loop3A_189 : i32 to index
        %parallel_loop3A_325 = tpu.vector_load %arg5[%parallel_loop3A_322, %parallel_loop3A_323, %parallel_loop3A_324] {strides = array<i32>} : memref<2x19x512xf32, #tpu.memory_space<vmem>>, vector<16xf32>,
        %parallel_loop3A_326 = math.exp %parallel_loop3A_325 : vector<16xf32>
        %parallel_loop3A_327 = arith.addf %parallel_loop3A_200, %parallel_loop3A_207 : vector<16xf32>
        %parallel_loop3A_328 = arith.addf %parallel_loop3A_327, %parallel_loop3A_214 : vector<16xf32>
        %parallel_loop3A_329 = arith.addf %parallel_loop3A_328, %parallel_loop3A_221 : vector<16xf32>
        %parallel_loop3A_330 = arith.addf %parallel_loop3A_329, %parallel_loop3A_228 : vector<16xf32>
        %parallel_loop3A_331 = arith.addf %parallel_loop3A_330, %parallel_loop3A_235 : vector<16xf32>
        %parallel_loop3A_332 = arith.addf %parallel_loop3A_331, %parallel_loop3A_242 : vector<16xf32>
        %parallel_loop3A_333 = arith.addf %parallel_loop3A_332, %parallel_loop3A_249 : vector<16xf32>
        %parallel_loop3A_334 = arith.addf %parallel_loop3A_333, %parallel_loop3A_256 : vector<16xf32>
        %parallel_loop3A_335 = arith.addf %parallel_loop3A_334, %parallel_loop3A_263 : vector<16xf32>
        %parallel_loop3A_336 = arith.addf %parallel_loop3A_335, %parallel_loop3A_270 : vector<16xf32>
        %parallel_loop3A_337 = arith.addf %parallel_loop3A_336, %parallel_loop3A_277 : vector<16xf32>
        %parallel_loop3A_338 = arith.addf %parallel_loop3A_337, %parallel_loop3A_284 : vector<16xf32>
        %parallel_loop3A_339 = arith.addf %parallel_loop3A_338, %parallel_loop3A_291 : vector<16xf32>
        %parallel_loop3A_340 = arith.addf %parallel_loop3A_339, %parallel_loop3A_298 : vector<16xf32>
        %parallel_loop3A_341 = arith.addf %parallel_loop3A_340, %parallel_loop3A_305 : vector<16xf32>
        %parallel_loop3A_342 = arith.addf %parallel_loop3A_341, %parallel_loop3A_312 : vector<16xf32>
        %parallel_loop3A_343 = arith.addf %parallel_loop3A_342, %parallel_loop3A_319 : vector<16xf32>
        %parallel_loop3A_344 = arith.addf %parallel_loop3A_343, %parallel_loop3A_326 : vector<16xf32>
        %parallel_loop3A_345 = arith.constant 2.048000e+03 : f32
        %parallel_loop3A_346 = vector.broadcast %parallel_loop3A_345 : f32 to vector<16xf32>
        %parallel_loop3A_347 = arith.divf %parallel_loop3A_346, %parallel_loop3A_344 : vector<16xf32>
        %parallel_loop3A_348 = arith.mulf %parallel_loop3A_200, %parallel_loop3A_347 : vector<16xf32>
        %parallel_loop3A_349 = arith.constant 2046.87366 : f32
        %parallel_loop3A_350 = vector.broadcast %parallel_loop3A_349 : f32 to vector<16xf32>
        %parallel_loop3A_351 = arith.minimumf %parallel_loop3A_348, %parallel_loop3A_350 : vector<16xf32>
        %parallel_loop3A_352 = arith.constant 1.126400e+00 : f32
        %parallel_loop3A_353 = vector.broadcast %parallel_loop3A_352 : f32 to vector<16xf32>
        %parallel_loop3A_354 = arith.maximumf %parallel_loop3A_351, %parallel_loop3A_353 : vector<16xf32>
        %parallel_loop3A_355 = arith.constant 0 : i32
        %parallel_loop3A_356 = vector.broadcast %parallel_loop3A_355 : i32 to vector<16xi32>
        %parallel_loop3A_357 = arith.cmpi eq, %parallel_loop3A_193, %parallel_loop3A_356 : vector<16xi32>
        %parallel_loop3A_358 = arith.constant 4.096000e+03 : f32
        %parallel_loop3A_359 = vector.broadcast %parallel_loop3A_358 : f32 to vector<16xf32>
        %parallel_loop3A_360 = arith.subf %parallel_loop3A_359, %parallel_loop3A_354 : vector<16xf32>
        %parallel_loop3A_361 = arith.select %parallel_loop3A_357, %parallel_loop3A_360, %parallel_loop3A_354 : vector<16xi1>, vector<16xf32>
        %parallel_loop3A_362 = arith.fptosi %parallel_loop3A_361 : vector<16xf32> to vector<16xi32>
        %parallel_loop3A_363 = arith.constant 0 : i32
        %parallel_loop3A_364 = tpu.memref_slice %arg7[%parallel_loop3A_363] : memref<77824xi32, #tpu.memory_space<vmem>> -> memref<4096xi32, #tpu.memory_space<vmem>>
        tpu.vector_store_idx %parallel_loop3A_364[%parallel_loop3A_362], %broadcast_in_dim3A_37 {add = true} : memref<4096xi32, #tpu.memory_space<vmem>>[vector<16xi32>], vector<16xi32>,
        %parallel_loop3A_365 = arith.mulf %parallel_loop3A_207, %parallel_loop3A_347 : vector<16xf32>
        %parallel_loop3A_366 = arith.constant 2046.87366 : f32
        %parallel_loop3A_367 = vector.broadcast %parallel_loop3A_366 : f32 to vector<16xf32>
        %parallel_loop3A_368 = arith.minimumf %parallel_loop3A_365, %parallel_loop3A_367 : vector<16xf32>
        %parallel_loop3A_369 = arith.constant 1.126400e+00 : f32
        %parallel_loop3A_370 = vector.broadcast %parallel_loop3A_369 : f32 to vector<16xf32>
        %parallel_loop3A_371 = arith.maximumf %parallel_loop3A_368, %parallel_loop3A_370 : vector<16xf32>
        %parallel_loop3A_372 = arith.constant 1 : i32
        %parallel_loop3A_373 = vector.broadcast %parallel_loop3A_372 : i32 to vector<16xi32>
        %parallel_loop3A_374 = arith.cmpi eq, %parallel_loop3A_193, %parallel_loop3A_373 : vector<16xi32>
        %parallel_loop3A_375 = arith.constant 4.096000e+03 : f32
        %parallel_loop3A_376 = vector.broadcast %parallel_loop3A_375 : f32 to vector<16xf32>
        %parallel_loop3A_377 = arith.subf %parallel_loop3A_376, %parallel_loop3A_371 : vector<16xf32>
        %parallel_loop3A_378 = arith.select %parallel_loop3A_374, %parallel_loop3A_377, %parallel_loop3A_371 : vector<16xi1>, vector<16xf32>
        %parallel_loop3A_379 = arith.fptosi %parallel_loop3A_378 : vector<16xf32> to vector<16xi32>
        %parallel_loop3A_380 = arith.constant 4096 : i32
        %parallel_loop3A_381 = tpu.memref_slice %arg7[%parallel_loop3A_380] : memref<77824xi32, #tpu.memory_space<vmem>> -> memref<4096xi32, #tpu.memory_space<vmem>>
        tpu.vector_store_idx %parallel_loop3A_381[%parallel_loop3A_379], %broadcast_in_dim3A_37 {add = true} : memref<4096xi32, #tpu.memory_space<vmem>>[vector<16xi32>], vector<16xi32>,
        %parallel_loop3A_382 = arith.mulf %parallel_loop3A_214, %parallel_loop3A_347 : vector<16xf32>
        %parallel_loop3A_383 = arith.constant 2046.87366 : f32
        %parallel_loop3A_384 = vector.broadcast %parallel_loop3A_383 : f32 to vector<16xf32>
        %parallel_loop3A_385 = arith.minimumf %parallel_loop3A_382, %parallel_loop3A_384 : vector<16xf32>
        %parallel_loop3A_386 = arith.constant 1.126400e+00 : f32
        %parallel_loop3A_387 = vector.broadcast %parallel_loop3A_386 : f32 to vector<16xf32>
        %parallel_loop3A_388 = arith.maximumf %parallel_loop3A_385, %parallel_loop3A_387 : vector<16xf32>
        %parallel_loop3A_389 = arith.constant 2 : i32
        %parallel_loop3A_390 = vector.broadcast %parallel_loop3A_389 : i32 to vector<16xi32>
        %parallel_loop3A_391 = arith.cmpi eq, %parallel_loop3A_193, %parallel_loop3A_390 : vector<16xi32>
        %parallel_loop3A_392 = arith.constant 4.096000e+03 : f32
        %parallel_loop3A_393 = vector.broadcast %parallel_loop3A_392 : f32 to vector<16xf32>
        %parallel_loop3A_394 = arith.subf %parallel_loop3A_393, %parallel_loop3A_388 : vector<16xf32>
        %parallel_loop3A_395 = arith.select %parallel_loop3A_391, %parallel_loop3A_394, %parallel_loop3A_388 : vector<16xi1>, vector<16xf32>
        %parallel_loop3A_396 = arith.fptosi %parallel_loop3A_395 : vector<16xf32> to vector<16xi32>
        %parallel_loop3A_397 = arith.constant 8192 : i32
        %parallel_loop3A_398 = tpu.memref_slice %arg7[%parallel_loop3A_397] : memref<77824xi32, #tpu.memory_space<vmem>> -> memref<4096xi32, #tpu.memory_space<vmem>>
        tpu.vector_store_idx %parallel_loop3A_398[%parallel_loop3A_396], %broadcast_in_dim3A_37 {add = true} : memref<4096xi32, #tpu.memory_space<vmem>>[vector<16xi32>], vector<16xi32>,
        %parallel_loop3A_399 = arith.mulf %parallel_loop3A_221, %parallel_loop3A_347 : vector<16xf32>
        %parallel_loop3A_400 = arith.constant 2046.87366 : f32
        %parallel_loop3A_401 = vector.broadcast %parallel_loop3A_400 : f32 to vector<16xf32>
        %parallel_loop3A_402 = arith.minimumf %parallel_loop3A_399, %parallel_loop3A_401 : vector<16xf32>
        %parallel_loop3A_403 = arith.constant 1.126400e+00 : f32
        %parallel_loop3A_404 = vector.broadcast %parallel_loop3A_403 : f32 to vector<16xf32>
        %parallel_loop3A_405 = arith.maximumf %parallel_loop3A_402, %parallel_loop3A_404 : vector<16xf32>
        %parallel_loop3A_406 = arith.constant 3 : i32
        %parallel_loop3A_407 = vector.broadcast %parallel_loop3A_406 : i32 to vector<16xi32>
        %parallel_loop3A_408 = arith.cmpi eq, %parallel_loop3A_193, %parallel_loop3A_407 : vector<16xi32>
        %parallel_loop3A_409 = arith.constant 4.096000e+03 : f32
        %parallel_loop3A_410 = vector.broadcast %parallel_loop3A_409 : f32 to vector<16xf32>
        %parallel_loop3A_411 = arith.subf %parallel_loop3A_410, %parallel_loop3A_405 : vector<16xf32>
        %parallel_loop3A_412 = arith.select %parallel_loop3A_408, %parallel_loop3A_411, %parallel_loop3A_405 : vector<16xi1>, vector<16xf32>
        %parallel_loop3A_413 = arith.fptosi %parallel_loop3A_412 : vector<16xf32> to vector<16xi32>
        %parallel_loop3A_414 = arith.constant 12288 : i32
        %parallel_loop3A_415 = tpu.memref_slice %arg7[%parallel_loop3A_414] : memref<77824xi32, #tpu.memory_space<vmem>> -> memref<4096xi32, #tpu.memory_space<vmem>>
        tpu.vector_store_idx %parallel_loop3A_415[%parallel_loop3A_413], %broadcast_in_dim3A_37 {add = true} : memref<4096xi32, #tpu.memory_space<vmem>>[vector<16xi32>], vector<16xi32>,
        %parallel_loop3A_416 = arith.mulf %parallel_loop3A_228, %parallel_loop3A_347 : vector<16xf32>
        %parallel_loop3A_417 = arith.constant 2046.87366 : f32
        %parallel_loop3A_418 = vector.broadcast %parallel_loop3A_417 : f32 to vector<16xf32>
        %parallel_loop3A_419 = arith.minimumf %parallel_loop3A_416, %parallel_loop3A_418 : vector<16xf32>
        %parallel_loop3A_420 = arith.constant 1.126400e+00 : f32
        %parallel_loop3A_421 = vector.broadcast %parallel_loop3A_420 : f32 to vector<16xf32>
        %parallel_loop3A_422 = arith.maximumf %parallel_loop3A_419, %parallel_loop3A_421 : vector<16xf32>
        %parallel_loop3A_423 = arith.constant 4 : i32
        %parallel_loop3A_424 = vector.broadcast %parallel_loop3A_423 : i32 to vector<16xi32>
        %parallel_loop3A_425 = arith.cmpi eq, %parallel_loop3A_193, %parallel_loop3A_424 : vector<16xi32>
        %parallel_loop3A_426 = arith.constant 4.096000e+03 : f32
        %parallel_loop3A_427 = vector.broadcast %parallel_loop3A_426 : f32 to vector<16xf32>
        %parallel_loop3A_428 = arith.subf %parallel_loop3A_427, %parallel_loop3A_422 : vector<16xf32>
        %parallel_loop3A_429 = arith.select %parallel_loop3A_425, %parallel_loop3A_428, %parallel_loop3A_422 : vector<16xi1>, vector<16xf32>
        %parallel_loop3A_430 = arith.fptosi %parallel_loop3A_429 : vector<16xf32> to vector<16xi32>
        %parallel_loop3A_431 = arith.constant 16384 : i32
        %parallel_loop3A_432 = tpu.memref_slice %arg7[%parallel_loop3A_431] : memref<77824xi32, #tpu.memory_space<vmem>> -> memref<4096xi32, #tpu.memory_space<vmem>>
        tpu.vector_store_idx %parallel_loop3A_432[%parallel_loop3A_430], %broadcast_in_dim3A_37 {add = true} : memref<4096xi32, #tpu.memory_space<vmem>>[vector<16xi32>], vector<16xi32>,
        %parallel_loop3A_433 = arith.mulf %parallel_loop3A_235, %parallel_loop3A_347 : vector<16xf32>
        %parallel_loop3A_434 = arith.constant 2046.87366 : f32
        %parallel_loop3A_435 = vector.broadcast %parallel_loop3A_434 : f32 to vector<16xf32>
        %parallel_loop3A_436 = arith.minimumf %parallel_loop3A_433, %parallel_loop3A_435 : vector<16xf32>
        %parallel_loop3A_437 = arith.constant 1.126400e+00 : f32
        %parallel_loop3A_438 = vector.broadcast %parallel_loop3A_437 : f32 to vector<16xf32>
        %parallel_loop3A_439 = arith.maximumf %parallel_loop3A_436, %parallel_loop3A_438 : vector<16xf32>
        %parallel_loop3A_440 = arith.constant 5 : i32
        %parallel_loop3A_441 = vector.broadcast %parallel_loop3A_440 : i32 to vector<16xi32>
        %parallel_loop3A_442 = arith.cmpi eq, %parallel_loop3A_193, %parallel_loop3A_441 : vector<16xi32>
        %parallel_loop3A_443 = arith.constant 4.096000e+03 : f32
        %parallel_loop3A_444 = vector.broadcast %parallel_loop3A_443 : f32 to vector<16xf32>
        %parallel_loop3A_445 = arith.subf %parallel_loop3A_444, %parallel_loop3A_439 : vector<16xf32>
        %parallel_loop3A_446 = arith.select %parallel_loop3A_442, %parallel_loop3A_445, %parallel_loop3A_439 : vector<16xi1>, vector<16xf32>
        %parallel_loop3A_447 = arith.fptosi %parallel_loop3A_446 : vector<16xf32> to vector<16xi32>
        %parallel_loop3A_448 = arith.constant 20480 : i32
        %parallel_loop3A_449 = tpu.memref_slice %arg7[%parallel_loop3A_448] : memref<77824xi32, #tpu.memory_space<vmem>> -> memref<4096xi32, #tpu.memory_space<vmem>>
        tpu.vector_store_idx %parallel_loop3A_449[%parallel_loop3A_447], %broadcast_in_dim3A_37 {add = true} : memref<4096xi32, #tpu.memory_space<vmem>>[vector<16xi32>], vector<16xi32>,
        %parallel_loop3A_450 = arith.mulf %parallel_loop3A_242, %parallel_loop3A_347 : vector<16xf32>
        %parallel_loop3A_451 = arith.constant 2046.87366 : f32
        %parallel_loop3A_452 = vector.broadcast %parallel_loop3A_451 : f32 to vector<16xf32>
        %parallel_loop3A_453 = arith.minimumf %parallel_loop3A_450, %parallel_loop3A_452 : vector<16xf32>
        %parallel_loop3A_454 = arith.constant 1.126400e+00 : f32
        %parallel_loop3A_455 = vector.broadcast %parallel_loop3A_454 : f32 to vector<16xf32>
        %parallel_loop3A_456 = arith.maximumf %parallel_loop3A_453, %parallel_loop3A_455 : vector<16xf32>
        %parallel_loop3A_457 = arith.constant 6 : i32
        %parallel_loop3A_458 = vector.broadcast %parallel_loop3A_457 : i32 to vector<16xi32>
        %parallel_loop3A_459 = arith.cmpi eq, %parallel_loop3A_193, %parallel_loop3A_458 : vector<16xi32>
        %parallel_loop3A_460 = arith.constant 4.096000e+03 : f32
        %parallel_loop3A_461 = vector.broadcast %parallel_loop3A_460 : f32 to vector<16xf32>
        %parallel_loop3A_462 = arith.subf %parallel_loop3A_461, %parallel_loop3A_456 : vector<16xf32>
        %parallel_loop3A_463 = arith.select %parallel_loop3A_459, %parallel_loop3A_462, %parallel_loop3A_456 : vector<16xi1>, vector<16xf32>
        %parallel_loop3A_464 = arith.fptosi %parallel_loop3A_463 : vector<16xf32> to vector<16xi32>
        %parallel_loop3A_465 = arith.constant 24576 : i32
        %parallel_loop3A_466 = tpu.memref_slice %arg7[%parallel_loop3A_465] : memref<77824xi32, #tpu.memory_space<vmem>> -> memref<4096xi32, #tpu.memory_space<vmem>>
        tpu.vector_store_idx %parallel_loop3A_466[%parallel_loop3A_464], %broadcast_in_dim3A_37 {add = true} : memref<4096xi32, #tpu.memory_space<vmem>>[vector<16xi32>], vector<16xi32>,
        %parallel_loop3A_467 = arith.mulf %parallel_loop3A_249, %parallel_loop3A_347 : vector<16xf32>
        %parallel_loop3A_468 = arith.constant 2046.87366 : f32
        %parallel_loop3A_469 = vector.broadcast %parallel_loop3A_468 : f32 to vector<16xf32>
        %parallel_loop3A_470 = arith.minimumf %parallel_loop3A_467, %parallel_loop3A_469 : vector<16xf32>
        %parallel_loop3A_471 = arith.constant 1.126400e+00 : f32
        %parallel_loop3A_472 = vector.broadcast %parallel_loop3A_471 : f32 to vector<16xf32>
        %parallel_loop3A_473 = arith.maximumf %parallel_loop3A_470, %parallel_loop3A_472 : vector<16xf32>
        %parallel_loop3A_474 = arith.constant 7 : i32
        %parallel_loop3A_475 = vector.broadcast %parallel_loop3A_474 : i32 to vector<16xi32>
        %parallel_loop3A_476 = arith.cmpi eq, %parallel_loop3A_193, %parallel_loop3A_475 : vector<16xi32>
        %parallel_loop3A_477 = arith.constant 4.096000e+03 : f32
        %parallel_loop3A_478 = vector.broadcast %parallel_loop3A_477 : f32 to vector<16xf32>
        %parallel_loop3A_479 = arith.subf %parallel_loop3A_478, %parallel_loop3A_473 : vector<16xf32>
        %parallel_loop3A_480 = arith.select %parallel_loop3A_476, %parallel_loop3A_479, %parallel_loop3A_473 : vector<16xi1>, vector<16xf32>
        %parallel_loop3A_481 = arith.fptosi %parallel_loop3A_480 : vector<16xf32> to vector<16xi32>
        %parallel_loop3A_482 = arith.constant 28672 : i32
        %parallel_loop3A_483 = tpu.memref_slice %arg7[%parallel_loop3A_482] : memref<77824xi32, #tpu.memory_space<vmem>> -> memref<4096xi32, #tpu.memory_space<vmem>>
        tpu.vector_store_idx %parallel_loop3A_483[%parallel_loop3A_481], %broadcast_in_dim3A_37 {add = true} : memref<4096xi32, #tpu.memory_space<vmem>>[vector<16xi32>], vector<16xi32>,
        %parallel_loop3A_484 = arith.mulf %parallel_loop3A_256, %parallel_loop3A_347 : vector<16xf32>
        %parallel_loop3A_485 = arith.constant 2046.87366 : f32
        %parallel_loop3A_486 = vector.broadcast %parallel_loop3A_485 : f32 to vector<16xf32>
        %parallel_loop3A_487 = arith.minimumf %parallel_loop3A_484, %parallel_loop3A_486 : vector<16xf32>
        %parallel_loop3A_488 = arith.constant 1.126400e+00 : f32
        %parallel_loop3A_489 = vector.broadcast %parallel_loop3A_488 : f32 to vector<16xf32>
        %parallel_loop3A_490 = arith.maximumf %parallel_loop3A_487, %parallel_loop3A_489 : vector<16xf32>
        %parallel_loop3A_491 = arith.constant 8 : i32
        %parallel_loop3A_492 = vector.broadcast %parallel_loop3A_491 : i32 to vector<16xi32>
        %parallel_loop3A_493 = arith.cmpi eq, %parallel_loop3A_193, %parallel_loop3A_492 : vector<16xi32>
        %parallel_loop3A_494 = arith.constant 4.096000e+03 : f32
        %parallel_loop3A_495 = vector.broadcast %parallel_loop3A_494 : f32 to vector<16xf32>
        %parallel_loop3A_496 = arith.subf %parallel_loop3A_495, %parallel_loop3A_490 : vector<16xf32>
        %parallel_loop3A_497 = arith.select %parallel_loop3A_493, %parallel_loop3A_496, %parallel_loop3A_490 : vector<16xi1>, vector<16xf32>
        %parallel_loop3A_498 = arith.fptosi %parallel_loop3A_497 : vector<16xf32> to vector<16xi32>
        %parallel_loop3A_499 = arith.constant 32768 : i32
        %parallel_loop3A_500 = tpu.memref_slice %arg7[%parallel_loop3A_499] : memref<77824xi32, #tpu.memory_space<vmem>> -> memref<4096xi32, #tpu.memory_space<vmem>>
        tpu.vector_store_idx %parallel_loop3A_500[%parallel_loop3A_498], %broadcast_in_dim3A_37 {add = true} : memref<4096xi32, #tpu.memory_space<vmem>>[vector<16xi32>], vector<16xi32>,
        %parallel_loop3A_501 = arith.mulf %parallel_loop3A_263, %parallel_loop3A_347 : vector<16xf32>
        %parallel_loop3A_502 = arith.constant 2046.87366 : f32
        %parallel_loop3A_503 = vector.broadcast %parallel_loop3A_502 : f32 to vector<16xf32>
        %parallel_loop3A_504 = arith.minimumf %parallel_loop3A_501, %parallel_loop3A_503 : vector<16xf32>
        %parallel_loop3A_505 = arith.constant 1.126400e+00 : f32
        %parallel_loop3A_506 = vector.broadcast %parallel_loop3A_505 : f32 to vector<16xf32>
        %parallel_loop3A_507 = arith.maximumf %parallel_loop3A_504, %parallel_loop3A_506 : vector<16xf32>
        %parallel_loop3A_508 = arith.constant 9 : i32
        %parallel_loop3A_509 = vector.broadcast %parallel_loop3A_508 : i32 to vector<16xi32>
        %parallel_loop3A_510 = arith.cmpi eq, %parallel_loop3A_193, %parallel_loop3A_509 : vector<16xi32>
        %parallel_loop3A_511 = arith.constant 4.096000e+03 : f32
        %parallel_loop3A_512 = vector.broadcast %parallel_loop3A_511 : f32 to vector<16xf32>
        %parallel_loop3A_513 = arith.subf %parallel_loop3A_512, %parallel_loop3A_507 : vector<16xf32>
        %parallel_loop3A_514 = arith.select %parallel_loop3A_510, %parallel_loop3A_513, %parallel_loop3A_507 : vector<16xi1>, vector<16xf32>
        %parallel_loop3A_515 = arith.fptosi %parallel_loop3A_514 : vector<16xf32> to vector<16xi32>
        %parallel_loop3A_516 = arith.constant 36864 : i32
        %parallel_loop3A_517 = tpu.memref_slice %arg7[%parallel_loop3A_516] : memref<77824xi32, #tpu.memory_space<vmem>> -> memref<4096xi32, #tpu.memory_space<vmem>>
        tpu.vector_store_idx %parallel_loop3A_517[%parallel_loop3A_515], %broadcast_in_dim3A_37 {add = true} : memref<4096xi32, #tpu.memory_space<vmem>>[vector<16xi32>], vector<16xi32>,
        %parallel_loop3A_518 = arith.mulf %parallel_loop3A_270, %parallel_loop3A_347 : vector<16xf32>
        %parallel_loop3A_519 = arith.constant 2046.87366 : f32
        %parallel_loop3A_520 = vector.broadcast %parallel_loop3A_519 : f32 to vector<16xf32>
        %parallel_loop3A_521 = arith.minimumf %parallel_loop3A_518, %parallel_loop3A_520 : vector<16xf32>
        %parallel_loop3A_522 = arith.constant 1.126400e+00 : f32
        %parallel_loop3A_523 = vector.broadcast %parallel_loop3A_522 : f32 to vector<16xf32>
        %parallel_loop3A_524 = arith.maximumf %parallel_loop3A_521, %parallel_loop3A_523 : vector<16xf32>
        %parallel_loop3A_525 = arith.constant 10 : i32
        %parallel_loop3A_526 = vector.broadcast %parallel_loop3A_525 : i32 to vector<16xi32>
        %parallel_loop3A_527 = arith.cmpi eq, %parallel_loop3A_193, %parallel_loop3A_526 : vector<16xi32>
        %parallel_loop3A_528 = arith.constant 4.096000e+03 : f32
        %parallel_loop3A_529 = vector.broadcast %parallel_loop3A_528 : f32 to vector<16xf32>
        %parallel_loop3A_530 = arith.subf %parallel_loop3A_529, %parallel_loop3A_524 : vector<16xf32>
        %parallel_loop3A_531 = arith.select %parallel_loop3A_527, %parallel_loop3A_530, %parallel_loop3A_524 : vector<16xi1>, vector<16xf32>
        %parallel_loop3A_532 = arith.fptosi %parallel_loop3A_531 : vector<16xf32> to vector<16xi32>
        %parallel_loop3A_533 = arith.constant 40960 : i32
        %parallel_loop3A_534 = tpu.memref_slice %arg7[%parallel_loop3A_533] : memref<77824xi32, #tpu.memory_space<vmem>> -> memref<4096xi32, #tpu.memory_space<vmem>>
        tpu.vector_store_idx %parallel_loop3A_534[%parallel_loop3A_532], %broadcast_in_dim3A_37 {add = true} : memref<4096xi32, #tpu.memory_space<vmem>>[vector<16xi32>], vector<16xi32>,
        %parallel_loop3A_535 = arith.mulf %parallel_loop3A_277, %parallel_loop3A_347 : vector<16xf32>
        %parallel_loop3A_536 = arith.constant 2046.87366 : f32
        %parallel_loop3A_537 = vector.broadcast %parallel_loop3A_536 : f32 to vector<16xf32>
        %parallel_loop3A_538 = arith.minimumf %parallel_loop3A_535, %parallel_loop3A_537 : vector<16xf32>
        %parallel_loop3A_539 = arith.constant 1.126400e+00 : f32
        %parallel_loop3A_540 = vector.broadcast %parallel_loop3A_539 : f32 to vector<16xf32>
        %parallel_loop3A_541 = arith.maximumf %parallel_loop3A_538, %parallel_loop3A_540 : vector<16xf32>
        %parallel_loop3A_542 = arith.constant 11 : i32
        %parallel_loop3A_543 = vector.broadcast %parallel_loop3A_542 : i32 to vector<16xi32>
        %parallel_loop3A_544 = arith.cmpi eq, %parallel_loop3A_193, %parallel_loop3A_543 : vector<16xi32>
        %parallel_loop3A_545 = arith.constant 4.096000e+03 : f32
        %parallel_loop3A_546 = vector.broadcast %parallel_loop3A_545 : f32 to vector<16xf32>
        %parallel_loop3A_547 = arith.subf %parallel_loop3A_546, %parallel_loop3A_541 : vector<16xf32>
        %parallel_loop3A_548 = arith.select %parallel_loop3A_544, %parallel_loop3A_547, %parallel_loop3A_541 : vector<16xi1>, vector<16xf32>
        %parallel_loop3A_549 = arith.fptosi %parallel_loop3A_548 : vector<16xf32> to vector<16xi32>
        %parallel_loop3A_550 = arith.constant 45056 : i32
        %parallel_loop3A_551 = tpu.memref_slice %arg7[%parallel_loop3A_550] : memref<77824xi32, #tpu.memory_space<vmem>> -> memref<4096xi32, #tpu.memory_space<vmem>>
        tpu.vector_store_idx %parallel_loop3A_551[%parallel_loop3A_549], %broadcast_in_dim3A_37 {add = true} : memref<4096xi32, #tpu.memory_space<vmem>>[vector<16xi32>], vector<16xi32>,
        %parallel_loop3A_552 = arith.mulf %parallel_loop3A_284, %parallel_loop3A_347 : vector<16xf32>
        %parallel_loop3A_553 = arith.constant 2046.87366 : f32
        %parallel_loop3A_554 = vector.broadcast %parallel_loop3A_553 : f32 to vector<16xf32>
        %parallel_loop3A_555 = arith.minimumf %parallel_loop3A_552, %parallel_loop3A_554 : vector<16xf32>
        %parallel_loop3A_556 = arith.constant 1.126400e+00 : f32
        %parallel_loop3A_557 = vector.broadcast %parallel_loop3A_556 : f32 to vector<16xf32>
        %parallel_loop3A_558 = arith.maximumf %parallel_loop3A_555, %parallel_loop3A_557 : vector<16xf32>
        %parallel_loop3A_559 = arith.constant 12 : i32
        %parallel_loop3A_560 = vector.broadcast %parallel_loop3A_559 : i32 to vector<16xi32>
        %parallel_loop3A_561 = arith.cmpi eq, %parallel_loop3A_193, %parallel_loop3A_560 : vector<16xi32>
        %parallel_loop3A_562 = arith.constant 4.096000e+03 : f32
        %parallel_loop3A_563 = vector.broadcast %parallel_loop3A_562 : f32 to vector<16xf32>
        %parallel_loop3A_564 = arith.subf %parallel_loop3A_563, %parallel_loop3A_558 : vector<16xf32>
        %parallel_loop3A_565 = arith.select %parallel_loop3A_561, %parallel_loop3A_564, %parallel_loop3A_558 : vector<16xi1>, vector<16xf32>
        %parallel_loop3A_566 = arith.fptosi %parallel_loop3A_565 : vector<16xf32> to vector<16xi32>
        %parallel_loop3A_567 = arith.constant 49152 : i32
        %parallel_loop3A_568 = tpu.memref_slice %arg7[%parallel_loop3A_567] : memref<77824xi32, #tpu.memory_space<vmem>> -> memref<4096xi32, #tpu.memory_space<vmem>>
        tpu.vector_store_idx %parallel_loop3A_568[%parallel_loop3A_566], %broadcast_in_dim3A_37 {add = true} : memref<4096xi32, #tpu.memory_space<vmem>>[vector<16xi32>], vector<16xi32>,
        %parallel_loop3A_569 = arith.mulf %parallel_loop3A_291, %parallel_loop3A_347 : vector<16xf32>
        %parallel_loop3A_570 = arith.constant 2046.87366 : f32
        %parallel_loop3A_571 = vector.broadcast %parallel_loop3A_570 : f32 to vector<16xf32>
        %parallel_loop3A_572 = arith.minimumf %parallel_loop3A_569, %parallel_loop3A_571 : vector<16xf32>
        %parallel_loop3A_573 = arith.constant 1.126400e+00 : f32
        %parallel_loop3A_574 = vector.broadcast %parallel_loop3A_573 : f32 to vector<16xf32>
        %parallel_loop3A_575 = arith.maximumf %parallel_loop3A_572, %parallel_loop3A_574 : vector<16xf32>
        %parallel_loop3A_576 = arith.constant 13 : i32
        %parallel_loop3A_577 = vector.broadcast %parallel_loop3A_576 : i32 to vector<16xi32>
        %parallel_loop3A_578 = arith.cmpi eq, %parallel_loop3A_193, %parallel_loop3A_577 : vector<16xi32>
        %parallel_loop3A_579 = arith.constant 4.096000e+03 : f32
        %parallel_loop3A_580 = vector.broadcast %parallel_loop3A_579 : f32 to vector<16xf32>
        %parallel_loop3A_581 = arith.subf %parallel_loop3A_580, %parallel_loop3A_575 : vector<16xf32>
        %parallel_loop3A_582 = arith.select %parallel_loop3A_578, %parallel_loop3A_581, %parallel_loop3A_575 : vector<16xi1>, vector<16xf32>
        %parallel_loop3A_583 = arith.fptosi %parallel_loop3A_582 : vector<16xf32> to vector<16xi32>
        %parallel_loop3A_584 = arith.constant 53248 : i32
        %parallel_loop3A_585 = tpu.memref_slice %arg7[%parallel_loop3A_584] : memref<77824xi32, #tpu.memory_space<vmem>> -> memref<4096xi32, #tpu.memory_space<vmem>>
        tpu.vector_store_idx %parallel_loop3A_585[%parallel_loop3A_583], %broadcast_in_dim3A_37 {add = true} : memref<4096xi32, #tpu.memory_space<vmem>>[vector<16xi32>], vector<16xi32>,
        %parallel_loop3A_586 = arith.mulf %parallel_loop3A_298, %parallel_loop3A_347 : vector<16xf32>
        %parallel_loop3A_587 = arith.constant 2046.87366 : f32
        %parallel_loop3A_588 = vector.broadcast %parallel_loop3A_587 : f32 to vector<16xf32>
        %parallel_loop3A_589 = arith.minimumf %parallel_loop3A_586, %parallel_loop3A_588 : vector<16xf32>
        %parallel_loop3A_590 = arith.constant 1.126400e+00 : f32
        %parallel_loop3A_591 = vector.broadcast %parallel_loop3A_590 : f32 to vector<16xf32>
        %parallel_loop3A_592 = arith.maximumf %parallel_loop3A_589, %parallel_loop3A_591 : vector<16xf32>
        %parallel_loop3A_593 = arith.constant 14 : i32
        %parallel_loop3A_594 = vector.broadcast %parallel_loop3A_593 : i32 to vector<16xi32>
        %parallel_loop3A_595 = arith.cmpi eq, %parallel_loop3A_193, %parallel_loop3A_594 : vector<16xi32>
        %parallel_loop3A_596 = arith.constant 4.096000e+03 : f32
        %parallel_loop3A_597 = vector.broadcast %parallel_loop3A_596 : f32 to vector<16xf32>
        %parallel_loop3A_598 = arith.subf %parallel_loop3A_597, %parallel_loop3A_592 : vector<16xf32>
        %parallel_loop3A_599 = arith.select %parallel_loop3A_595, %parallel_loop3A_598, %parallel_loop3A_592 : vector<16xi1>, vector<16xf32>
        %parallel_loop3A_600 = arith.fptosi %parallel_loop3A_599 : vector<16xf32> to vector<16xi32>
        %parallel_loop3A_601 = arith.constant 57344 : i32
        %parallel_loop3A_602 = tpu.memref_slice %arg7[%parallel_loop3A_601] : memref<77824xi32, #tpu.memory_space<vmem>> -> memref<4096xi32, #tpu.memory_space<vmem>>
        tpu.vector_store_idx %parallel_loop3A_602[%parallel_loop3A_600], %broadcast_in_dim3A_37 {add = true} : memref<4096xi32, #tpu.memory_space<vmem>>[vector<16xi32>], vector<16xi32>,
        %parallel_loop3A_603 = arith.mulf %parallel_loop3A_305, %parallel_loop3A_347 : vector<16xf32>
        %parallel_loop3A_604 = arith.constant 2046.87366 : f32
        %parallel_loop3A_605 = vector.broadcast %parallel_loop3A_604 : f32 to vector<16xf32>
        %parallel_loop3A_606 = arith.minimumf %parallel_loop3A_603, %parallel_loop3A_605 : vector<16xf32>
        %parallel_loop3A_607 = arith.constant 1.126400e+00 : f32
        %parallel_loop3A_608 = vector.broadcast %parallel_loop3A_607 : f32 to vector<16xf32>
        %parallel_loop3A_609 = arith.maximumf %parallel_loop3A_606, %parallel_loop3A_608 : vector<16xf32>
        %parallel_loop3A_610 = arith.constant 15 : i32
        %parallel_loop3A_611 = vector.broadcast %parallel_loop3A_610 : i32 to vector<16xi32>
        %parallel_loop3A_612 = arith.cmpi eq, %parallel_loop3A_193, %parallel_loop3A_611 : vector<16xi32>
        %parallel_loop3A_613 = arith.constant 4.096000e+03 : f32
        %parallel_loop3A_614 = vector.broadcast %parallel_loop3A_613 : f32 to vector<16xf32>
        %parallel_loop3A_615 = arith.subf %parallel_loop3A_614, %parallel_loop3A_609 : vector<16xf32>
        %parallel_loop3A_616 = arith.select %parallel_loop3A_612, %parallel_loop3A_615, %parallel_loop3A_609 : vector<16xi1>, vector<16xf32>
        %parallel_loop3A_617 = arith.fptosi %parallel_loop3A_616 : vector<16xf32> to vector<16xi32>
        %parallel_loop3A_618 = arith.constant 61440 : i32
        %parallel_loop3A_619 = tpu.memref_slice %arg7[%parallel_loop3A_618] : memref<77824xi32, #tpu.memory_space<vmem>> -> memref<4096xi32, #tpu.memory_space<vmem>>
        tpu.vector_store_idx %parallel_loop3A_619[%parallel_loop3A_617], %broadcast_in_dim3A_37 {add = true} : memref<4096xi32, #tpu.memory_space<vmem>>[vector<16xi32>], vector<16xi32>,
        %parallel_loop3A_620 = arith.mulf %parallel_loop3A_312, %parallel_loop3A_347 : vector<16xf32>
        %parallel_loop3A_621 = arith.constant 2046.87366 : f32
        %parallel_loop3A_622 = vector.broadcast %parallel_loop3A_621 : f32 to vector<16xf32>
        %parallel_loop3A_623 = arith.minimumf %parallel_loop3A_620, %parallel_loop3A_622 : vector<16xf32>
        %parallel_loop3A_624 = arith.constant 1.126400e+00 : f32
        %parallel_loop3A_625 = vector.broadcast %parallel_loop3A_624 : f32 to vector<16xf32>
        %parallel_loop3A_626 = arith.maximumf %parallel_loop3A_623, %parallel_loop3A_625 : vector<16xf32>
        %parallel_loop3A_627 = arith.constant 16 : i32
        %parallel_loop3A_628 = vector.broadcast %parallel_loop3A_627 : i32 to vector<16xi32>
        %parallel_loop3A_629 = arith.cmpi eq, %parallel_loop3A_193, %parallel_loop3A_628 : vector<16xi32>
        %parallel_loop3A_630 = arith.constant 4.096000e+03 : f32
        %parallel_loop3A_631 = vector.broadcast %parallel_loop3A_630 : f32 to vector<16xf32>
        %parallel_loop3A_632 = arith.subf %parallel_loop3A_631, %parallel_loop3A_626 : vector<16xf32>
        %parallel_loop3A_633 = arith.select %parallel_loop3A_629, %parallel_loop3A_632, %parallel_loop3A_626 : vector<16xi1>, vector<16xf32>
        %parallel_loop3A_634 = arith.fptosi %parallel_loop3A_633 : vector<16xf32> to vector<16xi32>
        %parallel_loop3A_635 = arith.constant 65536 : i32
        %parallel_loop3A_636 = tpu.memref_slice %arg7[%parallel_loop3A_635] : memref<77824xi32, #tpu.memory_space<vmem>> -> memref<4096xi32, #tpu.memory_space<vmem>>
        tpu.vector_store_idx %parallel_loop3A_636[%parallel_loop3A_634], %broadcast_in_dim3A_37 {add = true} : memref<4096xi32, #tpu.memory_space<vmem>>[vector<16xi32>], vector<16xi32>,
        %parallel_loop3A_637 = arith.mulf %parallel_loop3A_319, %parallel_loop3A_347 : vector<16xf32>
        %parallel_loop3A_638 = arith.constant 2046.87366 : f32
        %parallel_loop3A_639 = vector.broadcast %parallel_loop3A_638 : f32 to vector<16xf32>
        %parallel_loop3A_640 = arith.minimumf %parallel_loop3A_637, %parallel_loop3A_639 : vector<16xf32>
        %parallel_loop3A_641 = arith.constant 1.126400e+00 : f32
        %parallel_loop3A_642 = vector.broadcast %parallel_loop3A_641 : f32 to vector<16xf32>
        %parallel_loop3A_643 = arith.maximumf %parallel_loop3A_640, %parallel_loop3A_642 : vector<16xf32>
        %parallel_loop3A_644 = arith.constant 17 : i32
        %parallel_loop3A_645 = vector.broadcast %parallel_loop3A_644 : i32 to vector<16xi32>
        %parallel_loop3A_646 = arith.cmpi eq, %parallel_loop3A_193, %parallel_loop3A_645 : vector<16xi32>
        %parallel_loop3A_647 = arith.constant 4.096000e+03 : f32
        %parallel_loop3A_648 = vector.broadcast %parallel_loop3A_647 : f32 to vector<16xf32>
        %parallel_loop3A_649 = arith.subf %parallel_loop3A_648, %parallel_loop3A_643 : vector<16xf32>
        %parallel_loop3A_650 = arith.select %parallel_loop3A_646, %parallel_loop3A_649, %parallel_loop3A_643 : vector<16xi1>, vector<16xf32>
        %parallel_loop3A_651 = arith.fptosi %parallel_loop3A_650 : vector<16xf32> to vector<16xi32>
        %parallel_loop3A_652 = arith.constant 69632 : i32
        %parallel_loop3A_653 = tpu.memref_slice %arg7[%parallel_loop3A_652] : memref<77824xi32, #tpu.memory_space<vmem>> -> memref<4096xi32, #tpu.memory_space<vmem>>
        tpu.vector_store_idx %parallel_loop3A_653[%parallel_loop3A_651], %broadcast_in_dim3A_37 {add = true} : memref<4096xi32, #tpu.memory_space<vmem>>[vector<16xi32>], vector<16xi32>,
        %parallel_loop3A_654 = arith.mulf %parallel_loop3A_326, %parallel_loop3A_347 : vector<16xf32>
        %parallel_loop3A_655 = arith.constant 2046.87366 : f32
        %parallel_loop3A_656 = vector.broadcast %parallel_loop3A_655 : f32 to vector<16xf32>
        %parallel_loop3A_657 = arith.minimumf %parallel_loop3A_654, %parallel_loop3A_656 : vector<16xf32>
        %parallel_loop3A_658 = arith.constant 1.126400e+00 : f32
        %parallel_loop3A_659 = vector.broadcast %parallel_loop3A_658 : f32 to vector<16xf32>
        %parallel_loop3A_660 = arith.maximumf %parallel_loop3A_657, %parallel_loop3A_659 : vector<16xf32>
        %parallel_loop3A_661 = arith.constant 18 : i32
        %parallel_loop3A_662 = vector.broadcast %parallel_loop3A_661 : i32 to vector<16xi32>
        %parallel_loop3A_663 = arith.cmpi eq, %parallel_loop3A_193, %parallel_loop3A_662 : vector<16xi32>
        %parallel_loop3A_664 = arith.constant 4.096000e+03 : f32
        %parallel_loop3A_665 = vector.broadcast %parallel_loop3A_664 : f32 to vector<16xf32>
        %parallel_loop3A_666 = arith.subf %parallel_loop3A_665, %parallel_loop3A_660 : vector<16xf32>
        %parallel_loop3A_667 = arith.select %parallel_loop3A_663, %parallel_loop3A_666, %parallel_loop3A_660 : vector<16xi1>, vector<16xf32>
        %parallel_loop3A_668 = arith.fptosi %parallel_loop3A_667 : vector<16xf32> to vector<16xi32>
        %parallel_loop3A_669 = arith.constant 73728 : i32
        %parallel_loop3A_670 = tpu.memref_slice %arg7[%parallel_loop3A_669] : memref<77824xi32, #tpu.memory_space<vmem>> -> memref<4096xi32, #tpu.memory_space<vmem>>
        tpu.vector_store_idx %parallel_loop3A_670[%parallel_loop3A_668], %broadcast_in_dim3A_37 {add = true} : memref<4096xi32, #tpu.memory_space<vmem>>[vector<16xi32>], vector<16xi32>,
      } {sc.loop_unroll_factor = 4 : i64, sc.parallel_access}
      %add3A_145 = arith.constant 1 : i32
      %add3A_146 = arith.addi %mul3A_78, %add3A_145 : i32
      %add3A_147 = arith.addi %mul3A_32, %add3A_146 : i32
      %dma_wait3A_148 = arith.constant 1 : i32
      %dma_wait3A_149 = arith.constant 0 : i32
      %dma_wait3A_150 = arith.constant 0 : i32
      %dma_wait3A_151 = tpu.memref_slice %arg5[%dma_wait3A_148, %dma_wait3A_149, %dma_wait3A_150] : memref<2x19x512xf32, #tpu.memory_space<vmem>> -> memref<1x19x512xf32, #tpu.memory_space<vmem>>
      %dma_wait3A_152 = tpu.memref_squeeze %dma_wait3A_151 : memref<1x19x512xf32, #tpu.memory_space<vmem>> -> memref<19x512xf32, #tpu.memory_space<vmem>>
      %dma_wait3A_153 = arith.constant 0 : i32
      %dma_wait3A_154 = arith.constant 0 : i32
      %dma_wait3A_155 = tpu.memref_slice %arg2[%select_n3A, %dma_wait3A_153, %add3A_147, %dma_wait3A_154] : memref<4x19x512x512xf32, #tpu.memory_space<hbm>> -> memref<1x19x1x512xf32, #tpu.memory_space<hbm>>
      %dma_wait3A_156 = tpu.memref_squeeze %dma_wait3A_155 : memref<1x19x1x512xf32, #tpu.memory_space<hbm>> -> memref<19x512xf32, #tpu.memory_space<hbm>>
      %dma_wait3A_157 = arith.constant 0 : i32
      %dma_wait3A_158 = arith.constant 0 : i32
      %dma_wait3A_159 = tpu.memref_slice %arg5[%dma_wait3A_148, %dma_wait3A_157, %dma_wait3A_158] : memref<2x19x512xf32, #tpu.memory_space<vmem>> -> memref<1x19x512xf32, #tpu.memory_space<vmem>>
      %dma_wait3A_160 = tpu.memref_squeeze %dma_wait3A_159 : memref<1x19x512xf32, #tpu.memory_space<vmem>> -> memref<19x512xf32, #tpu.memory_space<vmem>>
      %dma_wait3A_161 = arith.constant 0 : i32
      %dma_wait3A_162 = arith.constant 0 : i32
      %dma_wait3A_163 = tpu.memref_slice %arg2[%select_n3A, %dma_wait3A_161, %add3A_147, %dma_wait3A_162] : memref<4x19x512x512xf32, #tpu.memory_space<hbm>> -> memref<1x19x1x512xf32, #tpu.memory_space<hbm>>
      %dma_wait3A_164 = tpu.memref_squeeze %dma_wait3A_163 : memref<1x19x1x512xf32, #tpu.memory_space<hbm>> -> memref<19x512xf32, #tpu.memory_space<hbm>>
      tpu.wait_dma2 semaphore(%arg9 : memref<!tpu.dma_semaphore, #tpu.memory_space<semaphore_mem>>) src(%dma_wait3A_164 : memref<19x512xf32, #tpu.memory_space<hbm>>) dst(%dma_wait3A_160 : memref<19x512xf32, #tpu.memory_space<vmem>>)
      %dma_wait3A_165 = arith.constant 1 : i32
      %dma_wait3A_166 = arith.constant 0 : i32
      %dma_wait3A_167 = tpu.memref_slice %arg6[%dma_wait3A_165, %dma_wait3A_166] : memref<2x512xi32, #tpu.memory_space<vmem>> -> memref<1x512xi32, #tpu.memory_space<vmem>>
      %dma_wait3A_168 = tpu.memref_squeeze %dma_wait3A_167 : memref<1x512xi32, #tpu.memory_space<vmem>> -> memref<512xi32, #tpu.memory_space<vmem>>
      %dma_wait3A_169 = arith.constant 0 : i32
      %dma_wait3A_170 = tpu.memref_slice %arg3[%select_n3A, %add3A_147, %dma_wait3A_169] : memref<4x512x512xi32, #tpu.memory_space<hbm>> -> memref<1x1x512xi32, #tpu.memory_space<hbm>>
      %dma_wait3A_171 = tpu.memref_squeeze %dma_wait3A_170 : memref<1x1x512xi32, #tpu.memory_space<hbm>> -> memref<512xi32, #tpu.memory_space<hbm>>
      %dma_wait3A_172 = arith.constant 0 : i32
      %dma_wait3A_173 = tpu.memref_slice %arg6[%dma_wait3A_165, %dma_wait3A_172] : memref<2x512xi32, #tpu.memory_space<vmem>> -> memref<1x512xi32, #tpu.memory_space<vmem>>
      %dma_wait3A_174 = tpu.memref_squeeze %dma_wait3A_173 : memref<1x512xi32, #tpu.memory_space<vmem>> -> memref<512xi32, #tpu.memory_space<vmem>>
      %dma_wait3A_175 = arith.constant 0 : i32
      %dma_wait3A_176 = tpu.memref_slice %arg3[%select_n3A, %add3A_147, %dma_wait3A_175] : memref<4x512x512xi32, #tpu.memory_space<hbm>> -> memref<1x1x512xi32, #tpu.memory_space<hbm>>
      %dma_wait3A_177 = tpu.memref_squeeze %dma_wait3A_176 : memref<1x1x512xi32, #tpu.memory_space<hbm>> -> memref<512xi32, #tpu.memory_space<hbm>>
      tpu.wait_dma2 semaphore(%arg9 : memref<!tpu.dma_semaphore, #tpu.memory_space<semaphore_mem>>) src(%dma_wait3A_177 : memref<512xi32, #tpu.memory_space<hbm>>) dst(%dma_wait3A_174 : memref<512xi32, #tpu.memory_space<vmem>>)
      %add3A_178 = arith.constant 2 : i32
      %add3A_179 = arith.addi %mul3A_78, %add3A_178 : i32
      %lt3A_180 = arith.constant 64 : i32
      %lt3A_181 = arith.cmpi slt, %add3A_179, %lt3A_180 : i32
      %convert_element_type3A = arith.extui %lt3A_181 : i1 to i32
      %cond3A = arith.constant 0 : i32
      %cond3A_182 = arith.cmpi ne, %convert_element_type3A, %cond3A : i32
      scf.if %cond3A_182 {
        %add3A_187 = arith.constant 2 : i32
        %add3A_188 = arith.addi %mul3A_78, %add3A_187 : i32
        %add3A_189 = arith.addi %mul3A_32, %add3A_188 : i32
        %dma_start3A_190 = arith.constant 0 : i32
        %dma_start3A_191 = arith.constant 0 : i32
        %dma_start3A_192 = arith.constant 0 : i32
        %dma_start3A_193 = tpu.memref_slice %arg5[%dma_start3A_190, %dma_start3A_191, %dma_start3A_192] : memref<2x19x512xf32, #tpu.memory_space<vmem>> -> memref<1x19x512xf32, #tpu.memory_space<vmem>>
        %dma_start3A_194 = tpu.memref_squeeze %dma_start3A_193 : memref<1x19x512xf32, #tpu.memory_space<vmem>> -> memref<19x512xf32, #tpu.memory_space<vmem>>
        %dma_start3A_195 = arith.constant 0 : i32
        %dma_start3A_196 = arith.constant 0 : i32
        %dma_start3A_197 = tpu.memref_slice %arg2[%select_n3A, %dma_start3A_195, %add3A_189, %dma_start3A_196] : memref<4x19x512x512xf32, #tpu.memory_space<hbm>> -> memref<1x19x1x512xf32, #tpu.memory_space<hbm>>
        %dma_start3A_198 = tpu.memref_squeeze %dma_start3A_197 : memref<1x19x1x512xf32, #tpu.memory_space<hbm>> -> memref<19x512xf32, #tpu.memory_space<hbm>>
        %dma_start3A_199 = arith.constant 0 : i32
        %dma_start3A_200 = arith.constant 0 : i32
        %dma_start3A_201 = tpu.memref_slice %arg5[%dma_start3A_190, %dma_start3A_199, %dma_start3A_200] : memref<2x19x512xf32, #tpu.memory_space<vmem>> -> memref<1x19x512xf32, #tpu.memory_space<vmem>>
        %dma_start3A_202 = tpu.memref_squeeze %dma_start3A_201 : memref<1x19x512xf32, #tpu.memory_space<vmem>> -> memref<19x512xf32, #tpu.memory_space<vmem>>
        %dma_start3A_203 = arith.constant 0 : i32
        %dma_start3A_204 = arith.constant 0 : i32
        %dma_start3A_205 = tpu.memref_slice %arg2[%select_n3A, %dma_start3A_203, %add3A_189, %dma_start3A_204] : memref<4x19x512x512xf32, #tpu.memory_space<hbm>> -> memref<1x19x1x512xf32, #tpu.memory_space<hbm>>
        %dma_start3A_206 = tpu.memref_squeeze %dma_start3A_205 : memref<1x19x1x512xf32, #tpu.memory_space<hbm>> -> memref<19x512xf32, #tpu.memory_space<hbm>>
        tpu.enqueue_dma source(%dma_start3A_206 : memref<19x512xf32, #tpu.memory_space<hbm>>) target(%dma_start3A_202 : memref<19x512xf32, #tpu.memory_space<vmem>>) target_semaphore(%arg8 : memref<!tpu.dma_semaphore, #tpu.memory_space<semaphore_mem>>)
        %dma_start3A_207 = arith.constant 0 : i32
        %dma_start3A_208 = arith.constant 0 : i32
        %dma_start3A_209 = tpu.memref_slice %arg6[%dma_start3A_207, %dma_start3A_208] : memref<2x512xi32, #tpu.memory_space<vmem>> -> memref<1x512xi32, #tpu.memory_space<vmem>>
        %dma_start3A_210 = tpu.memref_squeeze %dma_start3A_209 : memref<1x512xi32, #tpu.memory_space<vmem>> -> memref<512xi32, #tpu.memory_space<vmem>>
        %dma_start3A_211 = arith.constant 0 : i32
        %dma_start3A_212 = tpu.memref_slice %arg3[%select_n3A, %add3A_189, %dma_start3A_211] : memref<4x512x512xi32, #tpu.memory_space<hbm>> -> memref<1x1x512xi32, #tpu.memory_space<hbm>>
        %dma_start3A_213 = tpu.memref_squeeze %dma_start3A_212 : memref<1x1x512xi32, #tpu.memory_space<hbm>> -> memref<512xi32, #tpu.memory_space<hbm>>
        %dma_start3A_214 = arith.constant 0 : i32
        %dma_start3A_215 = tpu.memref_slice %arg6[%dma_start3A_207, %dma_start3A_214] : memref<2x512xi32, #tpu.memory_space<vmem>> -> memref<1x512xi32, #tpu.memory_space<vmem>>
        %dma_start3A_216 = tpu.memref_squeeze %dma_start3A_215 : memref<1x512xi32, #tpu.memory_space<vmem>> -> memref<512xi32, #tpu.memory_space<vmem>>
        %dma_start3A_217 = arith.constant 0 : i32
        %dma_start3A_218 = tpu.memref_slice %arg3[%select_n3A, %add3A_189, %dma_start3A_217] : memref<4x512x512xi32, #tpu.memory_space<hbm>> -> memref<1x1x512xi32, #tpu.memory_space<hbm>>
        %dma_start3A_219 = tpu.memref_squeeze %dma_start3A_218 : memref<1x1x512xi32, #tpu.memory_space<hbm>> -> memref<512xi32, #tpu.memory_space<hbm>>
        tpu.enqueue_dma source(%dma_start3A_219 : memref<512xi32, #tpu.memory_space<hbm>>) target(%dma_start3A_216 : memref<512xi32, #tpu.memory_space<vmem>>) target_semaphore(%arg8 : memref<!tpu.dma_semaphore, #tpu.memory_space<semaphore_mem>>)
      } else {
      }
      %parallel_loop3A_183 = arith.constant 0 : i32
      %parallel_loop3A_184 = arith.constant 32 : i32
      %parallel_loop3A_185 = arith.constant 1 : i32
      scf.for %parallel_loop3A_187 = %parallel_loop3A_183 to %parallel_loop3A_184 step %parallel_loop3A_185  : i32 {
        %parallel_loop3A_188 = arith.constant 16 : i32
        %parallel_loop3A_189 = arith.muli %parallel_loop3A_187, %parallel_loop3A_188 : i32
        %parallel_loop3A_190 = arith.constant 1 : i32
        %parallel_loop3A_191 = arith.index_cast %parallel_loop3A_190 : i32 to index
        %parallel_loop3A_192 = arith.index_cast %parallel_loop3A_189 : i32 to index
        %parallel_loop3A_193 = tpu.vector_load %arg6[%parallel_loop3A_191, %parallel_loop3A_192] {strides = array<i32>} : memref<2x512xi32, #tpu.memory_space<vmem>>, vector<16xi32>,
        %parallel_loop3A_194 = arith.constant 1 : i32
        %parallel_loop3A_195 = arith.constant 0 : i32
        %parallel_loop3A_196 = arith.index_cast %parallel_loop3A_194 : i32 to index
        %parallel_loop3A_197 = arith.index_cast %parallel_loop3A_195 : i32 to index
        %parallel_loop3A_198 = arith.index_cast %parallel_loop3A_189 : i32 to index
        %parallel_loop3A_199 = tpu.vector_load %arg5[%parallel_loop3A_196, %parallel_loop3A_197, %parallel_loop3A_198] {strides = array<i32>} : memref<2x19x512xf32, #tpu.memory_space<vmem>>, vector<16xf32>,
        %parallel_loop3A_200 = math.exp %parallel_loop3A_199 : vector<16xf32>
        %parallel_loop3A_201 = arith.constant 1 : i32
        %parallel_loop3A_202 = arith.constant 1 : i32
        %parallel_loop3A_203 = arith.index_cast %parallel_loop3A_201 : i32 to index
        %parallel_loop3A_204 = arith.index_cast %parallel_loop3A_202 : i32 to index
        %parallel_loop3A_205 = arith.index_cast %parallel_loop3A_189 : i32 to index
        %parallel_loop3A_206 = tpu.vector_load %arg5[%parallel_loop3A_203, %parallel_loop3A_204, %parallel_loop3A_205] {strides = array<i32>} : memref<2x19x512xf32, #tpu.memory_space<vmem>>, vector<16xf32>,
        %parallel_loop3A_207 = math.exp %parallel_loop3A_206 : vector<16xf32>
        %parallel_loop3A_208 = arith.constant 1 : i32
        %parallel_loop3A_209 = arith.constant 2 : i32
        %parallel_loop3A_210 = arith.index_cast %parallel_loop3A_208 : i32 to index
        %parallel_loop3A_211 = arith.index_cast %parallel_loop3A_209 : i32 to index
        %parallel_loop3A_212 = arith.index_cast %parallel_loop3A_189 : i32 to index
        %parallel_loop3A_213 = tpu.vector_load %arg5[%parallel_loop3A_210, %parallel_loop3A_211, %parallel_loop3A_212] {strides = array<i32>} : memref<2x19x512xf32, #tpu.memory_space<vmem>>, vector<16xf32>,
        %parallel_loop3A_214 = math.exp %parallel_loop3A_213 : vector<16xf32>
        %parallel_loop3A_215 = arith.constant 1 : i32
        %parallel_loop3A_216 = arith.constant 3 : i32
        %parallel_loop3A_217 = arith.index_cast %parallel_loop3A_215 : i32 to index
        %parallel_loop3A_218 = arith.index_cast %parallel_loop3A_216 : i32 to index
        %parallel_loop3A_219 = arith.index_cast %parallel_loop3A_189 : i32 to index
        %parallel_loop3A_220 = tpu.vector_load %arg5[%parallel_loop3A_217, %parallel_loop3A_218, %parallel_loop3A_219] {strides = array<i32>} : memref<2x19x512xf32, #tpu.memory_space<vmem>>, vector<16xf32>,
        %parallel_loop3A_221 = math.exp %parallel_loop3A_220 : vector<16xf32>
        %parallel_loop3A_222 = arith.constant 1 : i32
        %parallel_loop3A_223 = arith.constant 4 : i32
        %parallel_loop3A_224 = arith.index_cast %parallel_loop3A_222 : i32 to index
        %parallel_loop3A_225 = arith.index_cast %parallel_loop3A_223 : i32 to index
        %parallel_loop3A_226 = arith.index_cast %parallel_loop3A_189 : i32 to index
        %parallel_loop3A_227 = tpu.vector_load %arg5[%parallel_loop3A_224, %parallel_loop3A_225, %parallel_loop3A_226] {strides = array<i32>} : memref<2x19x512xf32, #tpu.memory_space<vmem>>, vector<16xf32>,
        %parallel_loop3A_228 = math.exp %parallel_loop3A_227 : vector<16xf32>
        %parallel_loop3A_229 = arith.constant 1 : i32
        %parallel_loop3A_230 = arith.constant 5 : i32
        %parallel_loop3A_231 = arith.index_cast %parallel_loop3A_229 : i32 to index
        %parallel_loop3A_232 = arith.index_cast %parallel_loop3A_230 : i32 to index
        %parallel_loop3A_233 = arith.index_cast %parallel_loop3A_189 : i32 to index
        %parallel_loop3A_234 = tpu.vector_load %arg5[%parallel_loop3A_231, %parallel_loop3A_232, %parallel_loop3A_233] {strides = array<i32>} : memref<2x19x512xf32, #tpu.memory_space<vmem>>, vector<16xf32>,
        %parallel_loop3A_235 = math.exp %parallel_loop3A_234 : vector<16xf32>
        %parallel_loop3A_236 = arith.constant 1 : i32
        %parallel_loop3A_237 = arith.constant 6 : i32
        %parallel_loop3A_238 = arith.index_cast %parallel_loop3A_236 : i32 to index
        %parallel_loop3A_239 = arith.index_cast %parallel_loop3A_237 : i32 to index
        %parallel_loop3A_240 = arith.index_cast %parallel_loop3A_189 : i32 to index
        %parallel_loop3A_241 = tpu.vector_load %arg5[%parallel_loop3A_238, %parallel_loop3A_239, %parallel_loop3A_240] {strides = array<i32>} : memref<2x19x512xf32, #tpu.memory_space<vmem>>, vector<16xf32>,
        %parallel_loop3A_242 = math.exp %parallel_loop3A_241 : vector<16xf32>
        %parallel_loop3A_243 = arith.constant 1 : i32
        %parallel_loop3A_244 = arith.constant 7 : i32
        %parallel_loop3A_245 = arith.index_cast %parallel_loop3A_243 : i32 to index
        %parallel_loop3A_246 = arith.index_cast %parallel_loop3A_244 : i32 to index
        %parallel_loop3A_247 = arith.index_cast %parallel_loop3A_189 : i32 to index
        %parallel_loop3A_248 = tpu.vector_load %arg5[%parallel_loop3A_245, %parallel_loop3A_246, %parallel_loop3A_247] {strides = array<i32>} : memref<2x19x512xf32, #tpu.memory_space<vmem>>, vector<16xf32>,
        %parallel_loop3A_249 = math.exp %parallel_loop3A_248 : vector<16xf32>
        %parallel_loop3A_250 = arith.constant 1 : i32
        %parallel_loop3A_251 = arith.constant 8 : i32
        %parallel_loop3A_252 = arith.index_cast %parallel_loop3A_250 : i32 to index
        %parallel_loop3A_253 = arith.index_cast %parallel_loop3A_251 : i32 to index
        %parallel_loop3A_254 = arith.index_cast %parallel_loop3A_189 : i32 to index
        %parallel_loop3A_255 = tpu.vector_load %arg5[%parallel_loop3A_252, %parallel_loop3A_253, %parallel_loop3A_254] {strides = array<i32>} : memref<2x19x512xf32, #tpu.memory_space<vmem>>, vector<16xf32>,
        %parallel_loop3A_256 = math.exp %parallel_loop3A_255 : vector<16xf32>
        %parallel_loop3A_257 = arith.constant 1 : i32
        %parallel_loop3A_258 = arith.constant 9 : i32
        %parallel_loop3A_259 = arith.index_cast %parallel_loop3A_257 : i32 to index
        %parallel_loop3A_260 = arith.index_cast %parallel_loop3A_258 : i32 to index
        %parallel_loop3A_261 = arith.index_cast %parallel_loop3A_189 : i32 to index
        %parallel_loop3A_262 = tpu.vector_load %arg5[%parallel_loop3A_259, %parallel_loop3A_260, %parallel_loop3A_261] {strides = array<i32>} : memref<2x19x512xf32, #tpu.memory_space<vmem>>, vector<16xf32>,
        %parallel_loop3A_263 = math.exp %parallel_loop3A_262 : vector<16xf32>
        %parallel_loop3A_264 = arith.constant 1 : i32
        %parallel_loop3A_265 = arith.constant 10 : i32
        %parallel_loop3A_266 = arith.index_cast %parallel_loop3A_264 : i32 to index
        %parallel_loop3A_267 = arith.index_cast %parallel_loop3A_265 : i32 to index
        %parallel_loop3A_268 = arith.index_cast %parallel_loop3A_189 : i32 to index
        %parallel_loop3A_269 = tpu.vector_load %arg5[%parallel_loop3A_266, %parallel_loop3A_267, %parallel_loop3A_268] {strides = array<i32>} : memref<2x19x512xf32, #tpu.memory_space<vmem>>, vector<16xf32>,
        %parallel_loop3A_270 = math.exp %parallel_loop3A_269 : vector<16xf32>
        %parallel_loop3A_271 = arith.constant 1 : i32
        %parallel_loop3A_272 = arith.constant 11 : i32
        %parallel_loop3A_273 = arith.index_cast %parallel_loop3A_271 : i32 to index
        %parallel_loop3A_274 = arith.index_cast %parallel_loop3A_272 : i32 to index
        %parallel_loop3A_275 = arith.index_cast %parallel_loop3A_189 : i32 to index
        %parallel_loop3A_276 = tpu.vector_load %arg5[%parallel_loop3A_273, %parallel_loop3A_274, %parallel_loop3A_275] {strides = array<i32>} : memref<2x19x512xf32, #tpu.memory_space<vmem>>, vector<16xf32>,
        %parallel_loop3A_277 = math.exp %parallel_loop3A_276 : vector<16xf32>
        %parallel_loop3A_278 = arith.constant 1 : i32
        %parallel_loop3A_279 = arith.constant 12 : i32
        %parallel_loop3A_280 = arith.index_cast %parallel_loop3A_278 : i32 to index
        %parallel_loop3A_281 = arith.index_cast %parallel_loop3A_279 : i32 to index
        %parallel_loop3A_282 = arith.index_cast %parallel_loop3A_189 : i32 to index
        %parallel_loop3A_283 = tpu.vector_load %arg5[%parallel_loop3A_280, %parallel_loop3A_281, %parallel_loop3A_282] {strides = array<i32>} : memref<2x19x512xf32, #tpu.memory_space<vmem>>, vector<16xf32>,
        %parallel_loop3A_284 = math.exp %parallel_loop3A_283 : vector<16xf32>
        %parallel_loop3A_285 = arith.constant 1 : i32
        %parallel_loop3A_286 = arith.constant 13 : i32
        %parallel_loop3A_287 = arith.index_cast %parallel_loop3A_285 : i32 to index
        %parallel_loop3A_288 = arith.index_cast %parallel_loop3A_286 : i32 to index
        %parallel_loop3A_289 = arith.index_cast %parallel_loop3A_189 : i32 to index
        %parallel_loop3A_290 = tpu.vector_load %arg5[%parallel_loop3A_287, %parallel_loop3A_288, %parallel_loop3A_289] {strides = array<i32>} : memref<2x19x512xf32, #tpu.memory_space<vmem>>, vector<16xf32>,
        %parallel_loop3A_291 = math.exp %parallel_loop3A_290 : vector<16xf32>
        %parallel_loop3A_292 = arith.constant 1 : i32
        %parallel_loop3A_293 = arith.constant 14 : i32
        %parallel_loop3A_294 = arith.index_cast %parallel_loop3A_292 : i32 to index
        %parallel_loop3A_295 = arith.index_cast %parallel_loop3A_293 : i32 to index
        %parallel_loop3A_296 = arith.index_cast %parallel_loop3A_189 : i32 to index
        %parallel_loop3A_297 = tpu.vector_load %arg5[%parallel_loop3A_294, %parallel_loop3A_295, %parallel_loop3A_296] {strides = array<i32>} : memref<2x19x512xf32, #tpu.memory_space<vmem>>, vector<16xf32>,
        %parallel_loop3A_298 = math.exp %parallel_loop3A_297 : vector<16xf32>
        %parallel_loop3A_299 = arith.constant 1 : i32
        %parallel_loop3A_300 = arith.constant 15 : i32
        %parallel_loop3A_301 = arith.index_cast %parallel_loop3A_299 : i32 to index
        %parallel_loop3A_302 = arith.index_cast %parallel_loop3A_300 : i32 to index
        %parallel_loop3A_303 = arith.index_cast %parallel_loop3A_189 : i32 to index
        %parallel_loop3A_304 = tpu.vector_load %arg5[%parallel_loop3A_301, %parallel_loop3A_302, %parallel_loop3A_303] {strides = array<i32>} : memref<2x19x512xf32, #tpu.memory_space<vmem>>, vector<16xf32>,
        %parallel_loop3A_305 = math.exp %parallel_loop3A_304 : vector<16xf32>
        %parallel_loop3A_306 = arith.constant 1 : i32
        %parallel_loop3A_307 = arith.constant 16 : i32
        %parallel_loop3A_308 = arith.index_cast %parallel_loop3A_306 : i32 to index
        %parallel_loop3A_309 = arith.index_cast %parallel_loop3A_307 : i32 to index
        %parallel_loop3A_310 = arith.index_cast %parallel_loop3A_189 : i32 to index
        %parallel_loop3A_311 = tpu.vector_load %arg5[%parallel_loop3A_308, %parallel_loop3A_309, %parallel_loop3A_310] {strides = array<i32>} : memref<2x19x512xf32, #tpu.memory_space<vmem>>, vector<16xf32>,
        %parallel_loop3A_312 = math.exp %parallel_loop3A_311 : vector<16xf32>
        %parallel_loop3A_313 = arith.constant 1 : i32
        %parallel_loop3A_314 = arith.constant 17 : i32
        %parallel_loop3A_315 = arith.index_cast %parallel_loop3A_313 : i32 to index
        %parallel_loop3A_316 = arith.index_cast %parallel_loop3A_314 : i32 to index
        %parallel_loop3A_317 = arith.index_cast %parallel_loop3A_189 : i32 to index
        %parallel_loop3A_318 = tpu.vector_load %arg5[%parallel_loop3A_315, %parallel_loop3A_316, %parallel_loop3A_317] {strides = array<i32>} : memref<2x19x512xf32, #tpu.memory_space<vmem>>, vector<16xf32>,
        %parallel_loop3A_319 = math.exp %parallel_loop3A_318 : vector<16xf32>
        %parallel_loop3A_320 = arith.constant 1 : i32
        %parallel_loop3A_321 = arith.constant 18 : i32
        %parallel_loop3A_322 = arith.index_cast %parallel_loop3A_320 : i32 to index
        %parallel_loop3A_323 = arith.index_cast %parallel_loop3A_321 : i32 to index
        %parallel_loop3A_324 = arith.index_cast %parallel_loop3A_189 : i32 to index
        %parallel_loop3A_325 = tpu.vector_load %arg5[%parallel_loop3A_322, %parallel_loop3A_323, %parallel_loop3A_324] {strides = array<i32>} : memref<2x19x512xf32, #tpu.memory_space<vmem>>, vector<16xf32>,
        %parallel_loop3A_326 = math.exp %parallel_loop3A_325 : vector<16xf32>
        %parallel_loop3A_327 = arith.addf %parallel_loop3A_200, %parallel_loop3A_207 : vector<16xf32>
        %parallel_loop3A_328 = arith.addf %parallel_loop3A_327, %parallel_loop3A_214 : vector<16xf32>
        %parallel_loop3A_329 = arith.addf %parallel_loop3A_328, %parallel_loop3A_221 : vector<16xf32>
        %parallel_loop3A_330 = arith.addf %parallel_loop3A_329, %parallel_loop3A_228 : vector<16xf32>
        %parallel_loop3A_331 = arith.addf %parallel_loop3A_330, %parallel_loop3A_235 : vector<16xf32>
        %parallel_loop3A_332 = arith.addf %parallel_loop3A_331, %parallel_loop3A_242 : vector<16xf32>
        %parallel_loop3A_333 = arith.addf %parallel_loop3A_332, %parallel_loop3A_249 : vector<16xf32>
        %parallel_loop3A_334 = arith.addf %parallel_loop3A_333, %parallel_loop3A_256 : vector<16xf32>
        %parallel_loop3A_335 = arith.addf %parallel_loop3A_334, %parallel_loop3A_263 : vector<16xf32>
        %parallel_loop3A_336 = arith.addf %parallel_loop3A_335, %parallel_loop3A_270 : vector<16xf32>
        %parallel_loop3A_337 = arith.addf %parallel_loop3A_336, %parallel_loop3A_277 : vector<16xf32>
        %parallel_loop3A_338 = arith.addf %parallel_loop3A_337, %parallel_loop3A_284 : vector<16xf32>
        %parallel_loop3A_339 = arith.addf %parallel_loop3A_338, %parallel_loop3A_291 : vector<16xf32>
        %parallel_loop3A_340 = arith.addf %parallel_loop3A_339, %parallel_loop3A_298 : vector<16xf32>
        %parallel_loop3A_341 = arith.addf %parallel_loop3A_340, %parallel_loop3A_305 : vector<16xf32>
        %parallel_loop3A_342 = arith.addf %parallel_loop3A_341, %parallel_loop3A_312 : vector<16xf32>
        %parallel_loop3A_343 = arith.addf %parallel_loop3A_342, %parallel_loop3A_319 : vector<16xf32>
        %parallel_loop3A_344 = arith.addf %parallel_loop3A_343, %parallel_loop3A_326 : vector<16xf32>
        %parallel_loop3A_345 = arith.constant 2.048000e+03 : f32
        %parallel_loop3A_346 = vector.broadcast %parallel_loop3A_345 : f32 to vector<16xf32>
        %parallel_loop3A_347 = arith.divf %parallel_loop3A_346, %parallel_loop3A_344 : vector<16xf32>
        %parallel_loop3A_348 = arith.mulf %parallel_loop3A_200, %parallel_loop3A_347 : vector<16xf32>
        %parallel_loop3A_349 = arith.constant 2046.87366 : f32
        %parallel_loop3A_350 = vector.broadcast %parallel_loop3A_349 : f32 to vector<16xf32>
        %parallel_loop3A_351 = arith.minimumf %parallel_loop3A_348, %parallel_loop3A_350 : vector<16xf32>
        %parallel_loop3A_352 = arith.constant 1.126400e+00 : f32
        %parallel_loop3A_353 = vector.broadcast %parallel_loop3A_352 : f32 to vector<16xf32>
        %parallel_loop3A_354 = arith.maximumf %parallel_loop3A_351, %parallel_loop3A_353 : vector<16xf32>
        %parallel_loop3A_355 = arith.constant 0 : i32
        %parallel_loop3A_356 = vector.broadcast %parallel_loop3A_355 : i32 to vector<16xi32>
        %parallel_loop3A_357 = arith.cmpi eq, %parallel_loop3A_193, %parallel_loop3A_356 : vector<16xi32>
        %parallel_loop3A_358 = arith.constant 4.096000e+03 : f32
        %parallel_loop3A_359 = vector.broadcast %parallel_loop3A_358 : f32 to vector<16xf32>
        %parallel_loop3A_360 = arith.subf %parallel_loop3A_359, %parallel_loop3A_354 : vector<16xf32>
        %parallel_loop3A_361 = arith.select %parallel_loop3A_357, %parallel_loop3A_360, %parallel_loop3A_354 : vector<16xi1>, vector<16xf32>
        %parallel_loop3A_362 = arith.fptosi %parallel_loop3A_361 : vector<16xf32> to vector<16xi32>
        %parallel_loop3A_363 = arith.constant 0 : i32
        %parallel_loop3A_364 = tpu.memref_slice %arg7[%parallel_loop3A_363] : memref<77824xi32, #tpu.memory_space<vmem>> -> memref<4096xi32, #tpu.memory_space<vmem>>
        tpu.vector_store_idx %parallel_loop3A_364[%parallel_loop3A_362], %broadcast_in_dim3A_37 {add = true} : memref<4096xi32, #tpu.memory_space<vmem>>[vector<16xi32>], vector<16xi32>,
        %parallel_loop3A_365 = arith.mulf %parallel_loop3A_207, %parallel_loop3A_347 : vector<16xf32>
        %parallel_loop3A_366 = arith.constant 2046.87366 : f32
        %parallel_loop3A_367 = vector.broadcast %parallel_loop3A_366 : f32 to vector<16xf32>
        %parallel_loop3A_368 = arith.minimumf %parallel_loop3A_365, %parallel_loop3A_367 : vector<16xf32>
        %parallel_loop3A_369 = arith.constant 1.126400e+00 : f32
        %parallel_loop3A_370 = vector.broadcast %parallel_loop3A_369 : f32 to vector<16xf32>
        %parallel_loop3A_371 = arith.maximumf %parallel_loop3A_368, %parallel_loop3A_370 : vector<16xf32>
        %parallel_loop3A_372 = arith.constant 1 : i32
        %parallel_loop3A_373 = vector.broadcast %parallel_loop3A_372 : i32 to vector<16xi32>
        %parallel_loop3A_374 = arith.cmpi eq, %parallel_loop3A_193, %parallel_loop3A_373 : vector<16xi32>
        %parallel_loop3A_375 = arith.constant 4.096000e+03 : f32
        %parallel_loop3A_376 = vector.broadcast %parallel_loop3A_375 : f32 to vector<16xf32>
        %parallel_loop3A_377 = arith.subf %parallel_loop3A_376, %parallel_loop3A_371 : vector<16xf32>
        %parallel_loop3A_378 = arith.select %parallel_loop3A_374, %parallel_loop3A_377, %parallel_loop3A_371 : vector<16xi1>, vector<16xf32>
        %parallel_loop3A_379 = arith.fptosi %parallel_loop3A_378 : vector<16xf32> to vector<16xi32>
        %parallel_loop3A_380 = arith.constant 4096 : i32
        %parallel_loop3A_381 = tpu.memref_slice %arg7[%parallel_loop3A_380] : memref<77824xi32, #tpu.memory_space<vmem>> -> memref<4096xi32, #tpu.memory_space<vmem>>
        tpu.vector_store_idx %parallel_loop3A_381[%parallel_loop3A_379], %broadcast_in_dim3A_37 {add = true} : memref<4096xi32, #tpu.memory_space<vmem>>[vector<16xi32>], vector<16xi32>,
        %parallel_loop3A_382 = arith.mulf %parallel_loop3A_214, %parallel_loop3A_347 : vector<16xf32>
        %parallel_loop3A_383 = arith.constant 2046.87366 : f32
        %parallel_loop3A_384 = vector.broadcast %parallel_loop3A_383 : f32 to vector<16xf32>
        %parallel_loop3A_385 = arith.minimumf %parallel_loop3A_382, %parallel_loop3A_384 : vector<16xf32>
        %parallel_loop3A_386 = arith.constant 1.126400e+00 : f32
        %parallel_loop3A_387 = vector.broadcast %parallel_loop3A_386 : f32 to vector<16xf32>
        %parallel_loop3A_388 = arith.maximumf %parallel_loop3A_385, %parallel_loop3A_387 : vector<16xf32>
        %parallel_loop3A_389 = arith.constant 2 : i32
        %parallel_loop3A_390 = vector.broadcast %parallel_loop3A_389 : i32 to vector<16xi32>
        %parallel_loop3A_391 = arith.cmpi eq, %parallel_loop3A_193, %parallel_loop3A_390 : vector<16xi32>
        %parallel_loop3A_392 = arith.constant 4.096000e+03 : f32
        %parallel_loop3A_393 = vector.broadcast %parallel_loop3A_392 : f32 to vector<16xf32>
        %parallel_loop3A_394 = arith.subf %parallel_loop3A_393, %parallel_loop3A_388 : vector<16xf32>
        %parallel_loop3A_395 = arith.select %parallel_loop3A_391, %parallel_loop3A_394, %parallel_loop3A_388 : vector<16xi1>, vector<16xf32>
        %parallel_loop3A_396 = arith.fptosi %parallel_loop3A_395 : vector<16xf32> to vector<16xi32>
        %parallel_loop3A_397 = arith.constant 8192 : i32
        %parallel_loop3A_398 = tpu.memref_slice %arg7[%parallel_loop3A_397] : memref<77824xi32, #tpu.memory_space<vmem>> -> memref<4096xi32, #tpu.memory_space<vmem>>
        tpu.vector_store_idx %parallel_loop3A_398[%parallel_loop3A_396], %broadcast_in_dim3A_37 {add = true} : memref<4096xi32, #tpu.memory_space<vmem>>[vector<16xi32>], vector<16xi32>,
        %parallel_loop3A_399 = arith.mulf %parallel_loop3A_221, %parallel_loop3A_347 : vector<16xf32>
        %parallel_loop3A_400 = arith.constant 2046.87366 : f32
        %parallel_loop3A_401 = vector.broadcast %parallel_loop3A_400 : f32 to vector<16xf32>
        %parallel_loop3A_402 = arith.minimumf %parallel_loop3A_399, %parallel_loop3A_401 : vector<16xf32>
        %parallel_loop3A_403 = arith.constant 1.126400e+00 : f32
        %parallel_loop3A_404 = vector.broadcast %parallel_loop3A_403 : f32 to vector<16xf32>
        %parallel_loop3A_405 = arith.maximumf %parallel_loop3A_402, %parallel_loop3A_404 : vector<16xf32>
        %parallel_loop3A_406 = arith.constant 3 : i32
        %parallel_loop3A_407 = vector.broadcast %parallel_loop3A_406 : i32 to vector<16xi32>
        %parallel_loop3A_408 = arith.cmpi eq, %parallel_loop3A_193, %parallel_loop3A_407 : vector<16xi32>
        %parallel_loop3A_409 = arith.constant 4.096000e+03 : f32
        %parallel_loop3A_410 = vector.broadcast %parallel_loop3A_409 : f32 to vector<16xf32>
        %parallel_loop3A_411 = arith.subf %parallel_loop3A_410, %parallel_loop3A_405 : vector<16xf32>
        %parallel_loop3A_412 = arith.select %parallel_loop3A_408, %parallel_loop3A_411, %parallel_loop3A_405 : vector<16xi1>, vector<16xf32>
        %parallel_loop3A_413 = arith.fptosi %parallel_loop3A_412 : vector<16xf32> to vector<16xi32>
        %parallel_loop3A_414 = arith.constant 12288 : i32
        %parallel_loop3A_415 = tpu.memref_slice %arg7[%parallel_loop3A_414] : memref<77824xi32, #tpu.memory_space<vmem>> -> memref<4096xi32, #tpu.memory_space<vmem>>
        tpu.vector_store_idx %parallel_loop3A_415[%parallel_loop3A_413], %broadcast_in_dim3A_37 {add = true} : memref<4096xi32, #tpu.memory_space<vmem>>[vector<16xi32>], vector<16xi32>,
        %parallel_loop3A_416 = arith.mulf %parallel_loop3A_228, %parallel_loop3A_347 : vector<16xf32>
        %parallel_loop3A_417 = arith.constant 2046.87366 : f32
        %parallel_loop3A_418 = vector.broadcast %parallel_loop3A_417 : f32 to vector<16xf32>
        %parallel_loop3A_419 = arith.minimumf %parallel_loop3A_416, %parallel_loop3A_418 : vector<16xf32>
        %parallel_loop3A_420 = arith.constant 1.126400e+00 : f32
        %parallel_loop3A_421 = vector.broadcast %parallel_loop3A_420 : f32 to vector<16xf32>
        %parallel_loop3A_422 = arith.maximumf %parallel_loop3A_419, %parallel_loop3A_421 : vector<16xf32>
        %parallel_loop3A_423 = arith.constant 4 : i32
        %parallel_loop3A_424 = vector.broadcast %parallel_loop3A_423 : i32 to vector<16xi32>
        %parallel_loop3A_425 = arith.cmpi eq, %parallel_loop3A_193, %parallel_loop3A_424 : vector<16xi32>
        %parallel_loop3A_426 = arith.constant 4.096000e+03 : f32
        %parallel_loop3A_427 = vector.broadcast %parallel_loop3A_426 : f32 to vector<16xf32>
        %parallel_loop3A_428 = arith.subf %parallel_loop3A_427, %parallel_loop3A_422 : vector<16xf32>
        %parallel_loop3A_429 = arith.select %parallel_loop3A_425, %parallel_loop3A_428, %parallel_loop3A_422 : vector<16xi1>, vector<16xf32>
        %parallel_loop3A_430 = arith.fptosi %parallel_loop3A_429 : vector<16xf32> to vector<16xi32>
        %parallel_loop3A_431 = arith.constant 16384 : i32
        %parallel_loop3A_432 = tpu.memref_slice %arg7[%parallel_loop3A_431] : memref<77824xi32, #tpu.memory_space<vmem>> -> memref<4096xi32, #tpu.memory_space<vmem>>
        tpu.vector_store_idx %parallel_loop3A_432[%parallel_loop3A_430], %broadcast_in_dim3A_37 {add = true} : memref<4096xi32, #tpu.memory_space<vmem>>[vector<16xi32>], vector<16xi32>,
        %parallel_loop3A_433 = arith.mulf %parallel_loop3A_235, %parallel_loop3A_347 : vector<16xf32>
        %parallel_loop3A_434 = arith.constant 2046.87366 : f32
        %parallel_loop3A_435 = vector.broadcast %parallel_loop3A_434 : f32 to vector<16xf32>
        %parallel_loop3A_436 = arith.minimumf %parallel_loop3A_433, %parallel_loop3A_435 : vector<16xf32>
        %parallel_loop3A_437 = arith.constant 1.126400e+00 : f32
        %parallel_loop3A_438 = vector.broadcast %parallel_loop3A_437 : f32 to vector<16xf32>
        %parallel_loop3A_439 = arith.maximumf %parallel_loop3A_436, %parallel_loop3A_438 : vector<16xf32>
        %parallel_loop3A_440 = arith.constant 5 : i32
        %parallel_loop3A_441 = vector.broadcast %parallel_loop3A_440 : i32 to vector<16xi32>
        %parallel_loop3A_442 = arith.cmpi eq, %parallel_loop3A_193, %parallel_loop3A_441 : vector<16xi32>
        %parallel_loop3A_443 = arith.constant 4.096000e+03 : f32
        %parallel_loop3A_444 = vector.broadcast %parallel_loop3A_443 : f32 to vector<16xf32>
        %parallel_loop3A_445 = arith.subf %parallel_loop3A_444, %parallel_loop3A_439 : vector<16xf32>
        %parallel_loop3A_446 = arith.select %parallel_loop3A_442, %parallel_loop3A_445, %parallel_loop3A_439 : vector<16xi1>, vector<16xf32>
        %parallel_loop3A_447 = arith.fptosi %parallel_loop3A_446 : vector<16xf32> to vector<16xi32>
        %parallel_loop3A_448 = arith.constant 20480 : i32
        %parallel_loop3A_449 = tpu.memref_slice %arg7[%parallel_loop3A_448] : memref<77824xi32, #tpu.memory_space<vmem>> -> memref<4096xi32, #tpu.memory_space<vmem>>
        tpu.vector_store_idx %parallel_loop3A_449[%parallel_loop3A_447], %broadcast_in_dim3A_37 {add = true} : memref<4096xi32, #tpu.memory_space<vmem>>[vector<16xi32>], vector<16xi32>,
        %parallel_loop3A_450 = arith.mulf %parallel_loop3A_242, %parallel_loop3A_347 : vector<16xf32>
        %parallel_loop3A_451 = arith.constant 2046.87366 : f32
        %parallel_loop3A_452 = vector.broadcast %parallel_loop3A_451 : f32 to vector<16xf32>
        %parallel_loop3A_453 = arith.minimumf %parallel_loop3A_450, %parallel_loop3A_452 : vector<16xf32>
        %parallel_loop3A_454 = arith.constant 1.126400e+00 : f32
        %parallel_loop3A_455 = vector.broadcast %parallel_loop3A_454 : f32 to vector<16xf32>
        %parallel_loop3A_456 = arith.maximumf %parallel_loop3A_453, %parallel_loop3A_455 : vector<16xf32>
        %parallel_loop3A_457 = arith.constant 6 : i32
        %parallel_loop3A_458 = vector.broadcast %parallel_loop3A_457 : i32 to vector<16xi32>
        %parallel_loop3A_459 = arith.cmpi eq, %parallel_loop3A_193, %parallel_loop3A_458 : vector<16xi32>
        %parallel_loop3A_460 = arith.constant 4.096000e+03 : f32
        %parallel_loop3A_461 = vector.broadcast %parallel_loop3A_460 : f32 to vector<16xf32>
        %parallel_loop3A_462 = arith.subf %parallel_loop3A_461, %parallel_loop3A_456 : vector<16xf32>
        %parallel_loop3A_463 = arith.select %parallel_loop3A_459, %parallel_loop3A_462, %parallel_loop3A_456 : vector<16xi1>, vector<16xf32>
        %parallel_loop3A_464 = arith.fptosi %parallel_loop3A_463 : vector<16xf32> to vector<16xi32>
        %parallel_loop3A_465 = arith.constant 24576 : i32
        %parallel_loop3A_466 = tpu.memref_slice %arg7[%parallel_loop3A_465] : memref<77824xi32, #tpu.memory_space<vmem>> -> memref<4096xi32, #tpu.memory_space<vmem>>
        tpu.vector_store_idx %parallel_loop3A_466[%parallel_loop3A_464], %broadcast_in_dim3A_37 {add = true} : memref<4096xi32, #tpu.memory_space<vmem>>[vector<16xi32>], vector<16xi32>,
        %parallel_loop3A_467 = arith.mulf %parallel_loop3A_249, %parallel_loop3A_347 : vector<16xf32>
        %parallel_loop3A_468 = arith.constant 2046.87366 : f32
        %parallel_loop3A_469 = vector.broadcast %parallel_loop3A_468 : f32 to vector<16xf32>
        %parallel_loop3A_470 = arith.minimumf %parallel_loop3A_467, %parallel_loop3A_469 : vector<16xf32>
        %parallel_loop3A_471 = arith.constant 1.126400e+00 : f32
        %parallel_loop3A_472 = vector.broadcast %parallel_loop3A_471 : f32 to vector<16xf32>
        %parallel_loop3A_473 = arith.maximumf %parallel_loop3A_470, %parallel_loop3A_472 : vector<16xf32>
        %parallel_loop3A_474 = arith.constant 7 : i32
        %parallel_loop3A_475 = vector.broadcast %parallel_loop3A_474 : i32 to vector<16xi32>
        %parallel_loop3A_476 = arith.cmpi eq, %parallel_loop3A_193, %parallel_loop3A_475 : vector<16xi32>
        %parallel_loop3A_477 = arith.constant 4.096000e+03 : f32
        %parallel_loop3A_478 = vector.broadcast %parallel_loop3A_477 : f32 to vector<16xf32>
        %parallel_loop3A_479 = arith.subf %parallel_loop3A_478, %parallel_loop3A_473 : vector<16xf32>
        %parallel_loop3A_480 = arith.select %parallel_loop3A_476, %parallel_loop3A_479, %parallel_loop3A_473 : vector<16xi1>, vector<16xf32>
        %parallel_loop3A_481 = arith.fptosi %parallel_loop3A_480 : vector<16xf32> to vector<16xi32>
        %parallel_loop3A_482 = arith.constant 28672 : i32
        %parallel_loop3A_483 = tpu.memref_slice %arg7[%parallel_loop3A_482] : memref<77824xi32, #tpu.memory_space<vmem>> -> memref<4096xi32, #tpu.memory_space<vmem>>
        tpu.vector_store_idx %parallel_loop3A_483[%parallel_loop3A_481], %broadcast_in_dim3A_37 {add = true} : memref<4096xi32, #tpu.memory_space<vmem>>[vector<16xi32>], vector<16xi32>,
        %parallel_loop3A_484 = arith.mulf %parallel_loop3A_256, %parallel_loop3A_347 : vector<16xf32>
        %parallel_loop3A_485 = arith.constant 2046.87366 : f32
        %parallel_loop3A_486 = vector.broadcast %parallel_loop3A_485 : f32 to vector<16xf32>
        %parallel_loop3A_487 = arith.minimumf %parallel_loop3A_484, %parallel_loop3A_486 : vector<16xf32>
        %parallel_loop3A_488 = arith.constant 1.126400e+00 : f32
        %parallel_loop3A_489 = vector.broadcast %parallel_loop3A_488 : f32 to vector<16xf32>
        %parallel_loop3A_490 = arith.maximumf %parallel_loop3A_487, %parallel_loop3A_489 : vector<16xf32>
        %parallel_loop3A_491 = arith.constant 8 : i32
        %parallel_loop3A_492 = vector.broadcast %parallel_loop3A_491 : i32 to vector<16xi32>
        %parallel_loop3A_493 = arith.cmpi eq, %parallel_loop3A_193, %parallel_loop3A_492 : vector<16xi32>
        %parallel_loop3A_494 = arith.constant 4.096000e+03 : f32
        %parallel_loop3A_495 = vector.broadcast %parallel_loop3A_494 : f32 to vector<16xf32>
        %parallel_loop3A_496 = arith.subf %parallel_loop3A_495, %parallel_loop3A_490 : vector<16xf32>
        %parallel_loop3A_497 = arith.select %parallel_loop3A_493, %parallel_loop3A_496, %parallel_loop3A_490 : vector<16xi1>, vector<16xf32>
        %parallel_loop3A_498 = arith.fptosi %parallel_loop3A_497 : vector<16xf32> to vector<16xi32>
        %parallel_loop3A_499 = arith.constant 32768 : i32
        %parallel_loop3A_500 = tpu.memref_slice %arg7[%parallel_loop3A_499] : memref<77824xi32, #tpu.memory_space<vmem>> -> memref<4096xi32, #tpu.memory_space<vmem>>
        tpu.vector_store_idx %parallel_loop3A_500[%parallel_loop3A_498], %broadcast_in_dim3A_37 {add = true} : memref<4096xi32, #tpu.memory_space<vmem>>[vector<16xi32>], vector<16xi32>,
        %parallel_loop3A_501 = arith.mulf %parallel_loop3A_263, %parallel_loop3A_347 : vector<16xf32>
        %parallel_loop3A_502 = arith.constant 2046.87366 : f32
        %parallel_loop3A_503 = vector.broadcast %parallel_loop3A_502 : f32 to vector<16xf32>
        %parallel_loop3A_504 = arith.minimumf %parallel_loop3A_501, %parallel_loop3A_503 : vector<16xf32>
        %parallel_loop3A_505 = arith.constant 1.126400e+00 : f32
        %parallel_loop3A_506 = vector.broadcast %parallel_loop3A_505 : f32 to vector<16xf32>
        %parallel_loop3A_507 = arith.maximumf %parallel_loop3A_504, %parallel_loop3A_506 : vector<16xf32>
        %parallel_loop3A_508 = arith.constant 9 : i32
        %parallel_loop3A_509 = vector.broadcast %parallel_loop3A_508 : i32 to vector<16xi32>
        %parallel_loop3A_510 = arith.cmpi eq, %parallel_loop3A_193, %parallel_loop3A_509 : vector<16xi32>
        %parallel_loop3A_511 = arith.constant 4.096000e+03 : f32
        %parallel_loop3A_512 = vector.broadcast %parallel_loop3A_511 : f32 to vector<16xf32>
        %parallel_loop3A_513 = arith.subf %parallel_loop3A_512, %parallel_loop3A_507 : vector<16xf32>
        %parallel_loop3A_514 = arith.select %parallel_loop3A_510, %parallel_loop3A_513, %parallel_loop3A_507 : vector<16xi1>, vector<16xf32>
        %parallel_loop3A_515 = arith.fptosi %parallel_loop3A_514 : vector<16xf32> to vector<16xi32>
        %parallel_loop3A_516 = arith.constant 36864 : i32
        %parallel_loop3A_517 = tpu.memref_slice %arg7[%parallel_loop3A_516] : memref<77824xi32, #tpu.memory_space<vmem>> -> memref<4096xi32, #tpu.memory_space<vmem>>
        tpu.vector_store_idx %parallel_loop3A_517[%parallel_loop3A_515], %broadcast_in_dim3A_37 {add = true} : memref<4096xi32, #tpu.memory_space<vmem>>[vector<16xi32>], vector<16xi32>,
        %parallel_loop3A_518 = arith.mulf %parallel_loop3A_270, %parallel_loop3A_347 : vector<16xf32>
        %parallel_loop3A_519 = arith.constant 2046.87366 : f32
        %parallel_loop3A_520 = vector.broadcast %parallel_loop3A_519 : f32 to vector<16xf32>
        %parallel_loop3A_521 = arith.minimumf %parallel_loop3A_518, %parallel_loop3A_520 : vector<16xf32>
        %parallel_loop3A_522 = arith.constant 1.126400e+00 : f32
        %parallel_loop3A_523 = vector.broadcast %parallel_loop3A_522 : f32 to vector<16xf32>
        %parallel_loop3A_524 = arith.maximumf %parallel_loop3A_521, %parallel_loop3A_523 : vector<16xf32>
        %parallel_loop3A_525 = arith.constant 10 : i32
        %parallel_loop3A_526 = vector.broadcast %parallel_loop3A_525 : i32 to vector<16xi32>
        %parallel_loop3A_527 = arith.cmpi eq, %parallel_loop3A_193, %parallel_loop3A_526 : vector<16xi32>
        %parallel_loop3A_528 = arith.constant 4.096000e+03 : f32
        %parallel_loop3A_529 = vector.broadcast %parallel_loop3A_528 : f32 to vector<16xf32>
        %parallel_loop3A_530 = arith.subf %parallel_loop3A_529, %parallel_loop3A_524 : vector<16xf32>
        %parallel_loop3A_531 = arith.select %parallel_loop3A_527, %parallel_loop3A_530, %parallel_loop3A_524 : vector<16xi1>, vector<16xf32>
        %parallel_loop3A_532 = arith.fptosi %parallel_loop3A_531 : vector<16xf32> to vector<16xi32>
        %parallel_loop3A_533 = arith.constant 40960 : i32
        %parallel_loop3A_534 = tpu.memref_slice %arg7[%parallel_loop3A_533] : memref<77824xi32, #tpu.memory_space<vmem>> -> memref<4096xi32, #tpu.memory_space<vmem>>
        tpu.vector_store_idx %parallel_loop3A_534[%parallel_loop3A_532], %broadcast_in_dim3A_37 {add = true} : memref<4096xi32, #tpu.memory_space<vmem>>[vector<16xi32>], vector<16xi32>,
        %parallel_loop3A_535 = arith.mulf %parallel_loop3A_277, %parallel_loop3A_347 : vector<16xf32>
        %parallel_loop3A_536 = arith.constant 2046.87366 : f32
        %parallel_loop3A_537 = vector.broadcast %parallel_loop3A_536 : f32 to vector<16xf32>
        %parallel_loop3A_538 = arith.minimumf %parallel_loop3A_535, %parallel_loop3A_537 : vector<16xf32>
        %parallel_loop3A_539 = arith.constant 1.126400e+00 : f32
        %parallel_loop3A_540 = vector.broadcast %parallel_loop3A_539 : f32 to vector<16xf32>
        %parallel_loop3A_541 = arith.maximumf %parallel_loop3A_538, %parallel_loop3A_540 : vector<16xf32>
        %parallel_loop3A_542 = arith.constant 11 : i32
        %parallel_loop3A_543 = vector.broadcast %parallel_loop3A_542 : i32 to vector<16xi32>
        %parallel_loop3A_544 = arith.cmpi eq, %parallel_loop3A_193, %parallel_loop3A_543 : vector<16xi32>
        %parallel_loop3A_545 = arith.constant 4.096000e+03 : f32
        %parallel_loop3A_546 = vector.broadcast %parallel_loop3A_545 : f32 to vector<16xf32>
        %parallel_loop3A_547 = arith.subf %parallel_loop3A_546, %parallel_loop3A_541 : vector<16xf32>
        %parallel_loop3A_548 = arith.select %parallel_loop3A_544, %parallel_loop3A_547, %parallel_loop3A_541 : vector<16xi1>, vector<16xf32>
        %parallel_loop3A_549 = arith.fptosi %parallel_loop3A_548 : vector<16xf32> to vector<16xi32>
        %parallel_loop3A_550 = arith.constant 45056 : i32
        %parallel_loop3A_551 = tpu.memref_slice %arg7[%parallel_loop3A_550] : memref<77824xi32, #tpu.memory_space<vmem>> -> memref<4096xi32, #tpu.memory_space<vmem>>
        tpu.vector_store_idx %parallel_loop3A_551[%parallel_loop3A_549], %broadcast_in_dim3A_37 {add = true} : memref<4096xi32, #tpu.memory_space<vmem>>[vector<16xi32>], vector<16xi32>,
        %parallel_loop3A_552 = arith.mulf %parallel_loop3A_284, %parallel_loop3A_347 : vector<16xf32>
        %parallel_loop3A_553 = arith.constant 2046.87366 : f32
        %parallel_loop3A_554 = vector.broadcast %parallel_loop3A_553 : f32 to vector<16xf32>
        %parallel_loop3A_555 = arith.minimumf %parallel_loop3A_552, %parallel_loop3A_554 : vector<16xf32>
        %parallel_loop3A_556 = arith.constant 1.126400e+00 : f32
        %parallel_loop3A_557 = vector.broadcast %parallel_loop3A_556 : f32 to vector<16xf32>
        %parallel_loop3A_558 = arith.maximumf %parallel_loop3A_555, %parallel_loop3A_557 : vector<16xf32>
        %parallel_loop3A_559 = arith.constant 12 : i32
        %parallel_loop3A_560 = vector.broadcast %parallel_loop3A_559 : i32 to vector<16xi32>
        %parallel_loop3A_561 = arith.cmpi eq, %parallel_loop3A_193, %parallel_loop3A_560 : vector<16xi32>
        %parallel_loop3A_562 = arith.constant 4.096000e+03 : f32
        %parallel_loop3A_563 = vector.broadcast %parallel_loop3A_562 : f32 to vector<16xf32>
        %parallel_loop3A_564 = arith.subf %parallel_loop3A_563, %parallel_loop3A_558 : vector<16xf32>
        %parallel_loop3A_565 = arith.select %parallel_loop3A_561, %parallel_loop3A_564, %parallel_loop3A_558 : vector<16xi1>, vector<16xf32>
        %parallel_loop3A_566 = arith.fptosi %parallel_loop3A_565 : vector<16xf32> to vector<16xi32>
        %parallel_loop3A_567 = arith.constant 49152 : i32
        %parallel_loop3A_568 = tpu.memref_slice %arg7[%parallel_loop3A_567] : memref<77824xi32, #tpu.memory_space<vmem>> -> memref<4096xi32, #tpu.memory_space<vmem>>
        tpu.vector_store_idx %parallel_loop3A_568[%parallel_loop3A_566], %broadcast_in_dim3A_37 {add = true} : memref<4096xi32, #tpu.memory_space<vmem>>[vector<16xi32>], vector<16xi32>,
        %parallel_loop3A_569 = arith.mulf %parallel_loop3A_291, %parallel_loop3A_347 : vector<16xf32>
        %parallel_loop3A_570 = arith.constant 2046.87366 : f32
        %parallel_loop3A_571 = vector.broadcast %parallel_loop3A_570 : f32 to vector<16xf32>
        %parallel_loop3A_572 = arith.minimumf %parallel_loop3A_569, %parallel_loop3A_571 : vector<16xf32>
        %parallel_loop3A_573 = arith.constant 1.126400e+00 : f32
        %parallel_loop3A_574 = vector.broadcast %parallel_loop3A_573 : f32 to vector<16xf32>
        %parallel_loop3A_575 = arith.maximumf %parallel_loop3A_572, %parallel_loop3A_574 : vector<16xf32>
        %parallel_loop3A_576 = arith.constant 13 : i32
        %parallel_loop3A_577 = vector.broadcast %parallel_loop3A_576 : i32 to vector<16xi32>
        %parallel_loop3A_578 = arith.cmpi eq, %parallel_loop3A_193, %parallel_loop3A_577 : vector<16xi32>
        %parallel_loop3A_579 = arith.constant 4.096000e+03 : f32
        %parallel_loop3A_580 = vector.broadcast %parallel_loop3A_579 : f32 to vector<16xf32>
        %parallel_loop3A_581 = arith.subf %parallel_loop3A_580, %parallel_loop3A_575 : vector<16xf32>
        %parallel_loop3A_582 = arith.select %parallel_loop3A_578, %parallel_loop3A_581, %parallel_loop3A_575 : vector<16xi1>, vector<16xf32>
        %parallel_loop3A_583 = arith.fptosi %parallel_loop3A_582 : vector<16xf32> to vector<16xi32>
        %parallel_loop3A_584 = arith.constant 53248 : i32
        %parallel_loop3A_585 = tpu.memref_slice %arg7[%parallel_loop3A_584] : memref<77824xi32, #tpu.memory_space<vmem>> -> memref<4096xi32, #tpu.memory_space<vmem>>
        tpu.vector_store_idx %parallel_loop3A_585[%parallel_loop3A_583], %broadcast_in_dim3A_37 {add = true} : memref<4096xi32, #tpu.memory_space<vmem>>[vector<16xi32>], vector<16xi32>,
        %parallel_loop3A_586 = arith.mulf %parallel_loop3A_298, %parallel_loop3A_347 : vector<16xf32>
        %parallel_loop3A_587 = arith.constant 2046.87366 : f32
        %parallel_loop3A_588 = vector.broadcast %parallel_loop3A_587 : f32 to vector<16xf32>
        %parallel_loop3A_589 = arith.minimumf %parallel_loop3A_586, %parallel_loop3A_588 : vector<16xf32>
        %parallel_loop3A_590 = arith.constant 1.126400e+00 : f32
        %parallel_loop3A_591 = vector.broadcast %parallel_loop3A_590 : f32 to vector<16xf32>
        %parallel_loop3A_592 = arith.maximumf %parallel_loop3A_589, %parallel_loop3A_591 : vector<16xf32>
        %parallel_loop3A_593 = arith.constant 14 : i32
        %parallel_loop3A_594 = vector.broadcast %parallel_loop3A_593 : i32 to vector<16xi32>
        %parallel_loop3A_595 = arith.cmpi eq, %parallel_loop3A_193, %parallel_loop3A_594 : vector<16xi32>
        %parallel_loop3A_596 = arith.constant 4.096000e+03 : f32
        %parallel_loop3A_597 = vector.broadcast %parallel_loop3A_596 : f32 to vector<16xf32>
        %parallel_loop3A_598 = arith.subf %parallel_loop3A_597, %parallel_loop3A_592 : vector<16xf32>
        %parallel_loop3A_599 = arith.select %parallel_loop3A_595, %parallel_loop3A_598, %parallel_loop3A_592 : vector<16xi1>, vector<16xf32>
        %parallel_loop3A_600 = arith.fptosi %parallel_loop3A_599 : vector<16xf32> to vector<16xi32>
        %parallel_loop3A_601 = arith.constant 57344 : i32
        %parallel_loop3A_602 = tpu.memref_slice %arg7[%parallel_loop3A_601] : memref<77824xi32, #tpu.memory_space<vmem>> -> memref<4096xi32, #tpu.memory_space<vmem>>
        tpu.vector_store_idx %parallel_loop3A_602[%parallel_loop3A_600], %broadcast_in_dim3A_37 {add = true} : memref<4096xi32, #tpu.memory_space<vmem>>[vector<16xi32>], vector<16xi32>,
        %parallel_loop3A_603 = arith.mulf %parallel_loop3A_305, %parallel_loop3A_347 : vector<16xf32>
        %parallel_loop3A_604 = arith.constant 2046.87366 : f32
        %parallel_loop3A_605 = vector.broadcast %parallel_loop3A_604 : f32 to vector<16xf32>
        %parallel_loop3A_606 = arith.minimumf %parallel_loop3A_603, %parallel_loop3A_605 : vector<16xf32>
        %parallel_loop3A_607 = arith.constant 1.126400e+00 : f32
        %parallel_loop3A_608 = vector.broadcast %parallel_loop3A_607 : f32 to vector<16xf32>
        %parallel_loop3A_609 = arith.maximumf %parallel_loop3A_606, %parallel_loop3A_608 : vector<16xf32>
        %parallel_loop3A_610 = arith.constant 15 : i32
        %parallel_loop3A_611 = vector.broadcast %parallel_loop3A_610 : i32 to vector<16xi32>
        %parallel_loop3A_612 = arith.cmpi eq, %parallel_loop3A_193, %parallel_loop3A_611 : vector<16xi32>
        %parallel_loop3A_613 = arith.constant 4.096000e+03 : f32
        %parallel_loop3A_614 = vector.broadcast %parallel_loop3A_613 : f32 to vector<16xf32>
        %parallel_loop3A_615 = arith.subf %parallel_loop3A_614, %parallel_loop3A_609 : vector<16xf32>
        %parallel_loop3A_616 = arith.select %parallel_loop3A_612, %parallel_loop3A_615, %parallel_loop3A_609 : vector<16xi1>, vector<16xf32>
        %parallel_loop3A_617 = arith.fptosi %parallel_loop3A_616 : vector<16xf32> to vector<16xi32>
        %parallel_loop3A_618 = arith.constant 61440 : i32
        %parallel_loop3A_619 = tpu.memref_slice %arg7[%parallel_loop3A_618] : memref<77824xi32, #tpu.memory_space<vmem>> -> memref<4096xi32, #tpu.memory_space<vmem>>
        tpu.vector_store_idx %parallel_loop3A_619[%parallel_loop3A_617], %broadcast_in_dim3A_37 {add = true} : memref<4096xi32, #tpu.memory_space<vmem>>[vector<16xi32>], vector<16xi32>,
        %parallel_loop3A_620 = arith.mulf %parallel_loop3A_312, %parallel_loop3A_347 : vector<16xf32>
        %parallel_loop3A_621 = arith.constant 2046.87366 : f32
        %parallel_loop3A_622 = vector.broadcast %parallel_loop3A_621 : f32 to vector<16xf32>
        %parallel_loop3A_623 = arith.minimumf %parallel_loop3A_620, %parallel_loop3A_622 : vector<16xf32>
        %parallel_loop3A_624 = arith.constant 1.126400e+00 : f32
        %parallel_loop3A_625 = vector.broadcast %parallel_loop3A_624 : f32 to vector<16xf32>
        %parallel_loop3A_626 = arith.maximumf %parallel_loop3A_623, %parallel_loop3A_625 : vector<16xf32>
        %parallel_loop3A_627 = arith.constant 16 : i32
        %parallel_loop3A_628 = vector.broadcast %parallel_loop3A_627 : i32 to vector<16xi32>
        %parallel_loop3A_629 = arith.cmpi eq, %parallel_loop3A_193, %parallel_loop3A_628 : vector<16xi32>
        %parallel_loop3A_630 = arith.constant 4.096000e+03 : f32
        %parallel_loop3A_631 = vector.broadcast %parallel_loop3A_630 : f32 to vector<16xf32>
        %parallel_loop3A_632 = arith.subf %parallel_loop3A_631, %parallel_loop3A_626 : vector<16xf32>
        %parallel_loop3A_633 = arith.select %parallel_loop3A_629, %parallel_loop3A_632, %parallel_loop3A_626 : vector<16xi1>, vector<16xf32>
        %parallel_loop3A_634 = arith.fptosi %parallel_loop3A_633 : vector<16xf32> to vector<16xi32>
        %parallel_loop3A_635 = arith.constant 65536 : i32
        %parallel_loop3A_636 = tpu.memref_slice %arg7[%parallel_loop3A_635] : memref<77824xi32, #tpu.memory_space<vmem>> -> memref<4096xi32, #tpu.memory_space<vmem>>
        tpu.vector_store_idx %parallel_loop3A_636[%parallel_loop3A_634], %broadcast_in_dim3A_37 {add = true} : memref<4096xi32, #tpu.memory_space<vmem>>[vector<16xi32>], vector<16xi32>,
        %parallel_loop3A_637 = arith.mulf %parallel_loop3A_319, %parallel_loop3A_347 : vector<16xf32>
        %parallel_loop3A_638 = arith.constant 2046.87366 : f32
        %parallel_loop3A_639 = vector.broadcast %parallel_loop3A_638 : f32 to vector<16xf32>
        %parallel_loop3A_640 = arith.minimumf %parallel_loop3A_637, %parallel_loop3A_639 : vector<16xf32>
        %parallel_loop3A_641 = arith.constant 1.126400e+00 : f32
        %parallel_loop3A_642 = vector.broadcast %parallel_loop3A_641 : f32 to vector<16xf32>
        %parallel_loop3A_643 = arith.maximumf %parallel_loop3A_640, %parallel_loop3A_642 : vector<16xf32>
        %parallel_loop3A_644 = arith.constant 17 : i32
        %parallel_loop3A_645 = vector.broadcast %parallel_loop3A_644 : i32 to vector<16xi32>
        %parallel_loop3A_646 = arith.cmpi eq, %parallel_loop3A_193, %parallel_loop3A_645 : vector<16xi32>
        %parallel_loop3A_647 = arith.constant 4.096000e+03 : f32
        %parallel_loop3A_648 = vector.broadcast %parallel_loop3A_647 : f32 to vector<16xf32>
        %parallel_loop3A_649 = arith.subf %parallel_loop3A_648, %parallel_loop3A_643 : vector<16xf32>
        %parallel_loop3A_650 = arith.select %parallel_loop3A_646, %parallel_loop3A_649, %parallel_loop3A_643 : vector<16xi1>, vector<16xf32>
        %parallel_loop3A_651 = arith.fptosi %parallel_loop3A_650 : vector<16xf32> to vector<16xi32>
        %parallel_loop3A_652 = arith.constant 69632 : i32
        %parallel_loop3A_653 = tpu.memref_slice %arg7[%parallel_loop3A_652] : memref<77824xi32, #tpu.memory_space<vmem>> -> memref<4096xi32, #tpu.memory_space<vmem>>
        tpu.vector_store_idx %parallel_loop3A_653[%parallel_loop3A_651], %broadcast_in_dim3A_37 {add = true} : memref<4096xi32, #tpu.memory_space<vmem>>[vector<16xi32>], vector<16xi32>,
        %parallel_loop3A_654 = arith.mulf %parallel_loop3A_326, %parallel_loop3A_347 : vector<16xf32>
        %parallel_loop3A_655 = arith.constant 2046.87366 : f32
        %parallel_loop3A_656 = vector.broadcast %parallel_loop3A_655 : f32 to vector<16xf32>
        %parallel_loop3A_657 = arith.minimumf %parallel_loop3A_654, %parallel_loop3A_656 : vector<16xf32>
        %parallel_loop3A_658 = arith.constant 1.126400e+00 : f32
        %parallel_loop3A_659 = vector.broadcast %parallel_loop3A_658 : f32 to vector<16xf32>
        %parallel_loop3A_660 = arith.maximumf %parallel_loop3A_657, %parallel_loop3A_659 : vector<16xf32>
        %parallel_loop3A_661 = arith.constant 18 : i32
        %parallel_loop3A_662 = vector.broadcast %parallel_loop3A_661 : i32 to vector<16xi32>
        %parallel_loop3A_663 = arith.cmpi eq, %parallel_loop3A_193, %parallel_loop3A_662 : vector<16xi32>
        %parallel_loop3A_664 = arith.constant 4.096000e+03 : f32
        %parallel_loop3A_665 = vector.broadcast %parallel_loop3A_664 : f32 to vector<16xf32>
        %parallel_loop3A_666 = arith.subf %parallel_loop3A_665, %parallel_loop3A_660 : vector<16xf32>
        %parallel_loop3A_667 = arith.select %parallel_loop3A_663, %parallel_loop3A_666, %parallel_loop3A_660 : vector<16xi1>, vector<16xf32>
        %parallel_loop3A_668 = arith.fptosi %parallel_loop3A_667 : vector<16xf32> to vector<16xi32>
        %parallel_loop3A_669 = arith.constant 73728 : i32
        %parallel_loop3A_670 = tpu.memref_slice %arg7[%parallel_loop3A_669] : memref<77824xi32, #tpu.memory_space<vmem>> -> memref<4096xi32, #tpu.memory_space<vmem>>
        tpu.vector_store_idx %parallel_loop3A_670[%parallel_loop3A_668], %broadcast_in_dim3A_37 {add = true} : memref<4096xi32, #tpu.memory_space<vmem>>[vector<16xi32>], vector<16xi32>,
      } {sc.loop_unroll_factor = 4 : i64, sc.parallel_access}
      %scan3A_186 = arith.constant 0 : i32
      scf.yield %scan3A_186 : i32
    }
    %scan3A_74 = arith.constant 32 : i32
    "tpu.region"() ({
      %run_scoped3A = tpu.sem_alloc : memref<!tpu.dma_semaphore, #tpu.memory_space<semaphore_mem>>
      %dma_start3A_75 = arith.constant 0 : i32
      %dma_start3A_76 = tpu.memref_slice %arg4[%add3A, %dma_start3A_75] : memref<32x77824xi32, #tpu.memory_space<hbm>> -> memref<1x77824xi32, #tpu.memory_space<hbm>>
      %dma_start3A_77 = tpu.memref_squeeze %dma_start3A_76 : memref<1x77824xi32, #tpu.memory_space<hbm>> -> memref<77824xi32, #tpu.memory_space<hbm>>
      %dma_start3A_78 = arith.constant 0 : i32
      %dma_start3A_79 = tpu.memref_slice %arg4[%add3A, %dma_start3A_78] : memref<32x77824xi32, #tpu.memory_space<hbm>> -> memref<1x77824xi32, #tpu.memory_space<hbm>>
      %dma_start3A_80 = tpu.memref_squeeze %dma_start3A_79 : memref<1x77824xi32, #tpu.memory_space<hbm>> -> memref<77824xi32, #tpu.memory_space<hbm>>
      tpu.enqueue_dma source(%arg7 : memref<77824xi32, #tpu.memory_space<vmem>>) target(%dma_start3A_80 : memref<77824xi32, #tpu.memory_space<hbm>>) target_semaphore(%run_scoped3A : memref<!tpu.dma_semaphore, #tpu.memory_space<semaphore_mem>>)
      %dma_wait3A = arith.constant 0 : i32
      %dma_wait3A_81 = tpu.memref_slice %arg4[%add3A, %dma_wait3A] : memref<32x77824xi32, #tpu.memory_space<hbm>> -> memref<1x77824xi32, #tpu.memory_space<hbm>>
      %dma_wait3A_82 = tpu.memref_squeeze %dma_wait3A_81 : memref<1x77824xi32, #tpu.memory_space<hbm>> -> memref<77824xi32, #tpu.memory_space<hbm>>
      %dma_wait3A_83 = arith.constant 0 : i32
      %dma_wait3A_84 = tpu.memref_slice %arg4[%add3A, %dma_wait3A_83] : memref<32x77824xi32, #tpu.memory_space<hbm>> -> memref<1x77824xi32, #tpu.memory_space<hbm>>
      %dma_wait3A_85 = tpu.memref_squeeze %dma_wait3A_84 : memref<1x77824xi32, #tpu.memory_space<hbm>> -> memref<77824xi32, #tpu.memory_space<hbm>>
      tpu.wait_dma2 semaphore(%run_scoped3A : memref<!tpu.dma_semaphore, #tpu.memory_space<semaphore_mem>>) src(%arg7 : memref<77824xi32, #tpu.memory_space<vmem>>) dst(%dma_wait3A_85 : memref<77824xi32, #tpu.memory_space<hbm>>)
      tpu.yield
    }) : () -> ()
    return
  }
}

module attributes {stable_mosaic.version = 14 : i64} {
  func.func @_tc_finish_body(%arg0: memref<32x77824xi32, #tpu.memory_space<vmem>>, %arg1: memref<1x1xf32, #tpu.memory_space<vmem>>) attributes {dimension_semantics = [], scalar_prefetch = 0 : i64, scratch_operands = 0 : i64, tpu.core_type = #tpu.core_type<tc>} {
    %get3A = arith.constant 0 : index
    %get3A_0 = arith.constant 0 : index
    %get3A_1 = vector.load %arg0[%get3A, %get3A_0] : memref<32x77824xi32, #tpu.memory_space<vmem>>, vector<32x77824xi32>
    %convert_element_type3A = arith.sitofp %get3A_1 : vector<32x77824xi32> to vector<32x77824xf32>
    %reduce_sum3A = arith.constant dense<0.000000e+00> : vector<77824xf32>
    %reduce_sum3A_2 = vector.multi_reduction <add>, %convert_element_type3A, %reduce_sum3A [0] : vector<32x77824xf32> to vector<77824xf32>
    %broadcast_in_dim3A = vector.shape_cast %reduce_sum3A_2 : vector<77824xf32> to vector<1x77824xf32>
    %slice3A = vector.extract_strided_slice %broadcast_in_dim3A {offsets = [0, 0], sizes = [1, 2048], strides = [1, 1]} : vector<1x77824xf32> to vector<1x2048xf32>
    %slice3A_3 = vector.extract_strided_slice %broadcast_in_dim3A {offsets = [0, 4096], sizes = [1, 2048], strides = [1, 1]} : vector<1x77824xf32> to vector<1x2048xf32>
    %slice3A_4 = vector.extract_strided_slice %broadcast_in_dim3A {offsets = [0, 8192], sizes = [1, 2048], strides = [1, 1]} : vector<1x77824xf32> to vector<1x2048xf32>
    %slice3A_5 = vector.extract_strided_slice %broadcast_in_dim3A {offsets = [0, 12288], sizes = [1, 2048], strides = [1, 1]} : vector<1x77824xf32> to vector<1x2048xf32>
    %slice3A_6 = vector.extract_strided_slice %broadcast_in_dim3A {offsets = [0, 16384], sizes = [1, 2048], strides = [1, 1]} : vector<1x77824xf32> to vector<1x2048xf32>
    %slice3A_7 = vector.extract_strided_slice %broadcast_in_dim3A {offsets = [0, 20480], sizes = [1, 2048], strides = [1, 1]} : vector<1x77824xf32> to vector<1x2048xf32>
    %slice3A_8 = vector.extract_strided_slice %broadcast_in_dim3A {offsets = [0, 24576], sizes = [1, 2048], strides = [1, 1]} : vector<1x77824xf32> to vector<1x2048xf32>
    %slice3A_9 = vector.extract_strided_slice %broadcast_in_dim3A {offsets = [0, 28672], sizes = [1, 2048], strides = [1, 1]} : vector<1x77824xf32> to vector<1x2048xf32>
    %slice3A_10 = vector.extract_strided_slice %broadcast_in_dim3A {offsets = [0, 32768], sizes = [1, 2048], strides = [1, 1]} : vector<1x77824xf32> to vector<1x2048xf32>
    %slice3A_11 = vector.extract_strided_slice %broadcast_in_dim3A {offsets = [0, 36864], sizes = [1, 2048], strides = [1, 1]} : vector<1x77824xf32> to vector<1x2048xf32>
    %slice3A_12 = vector.extract_strided_slice %broadcast_in_dim3A {offsets = [0, 40960], sizes = [1, 2048], strides = [1, 1]} : vector<1x77824xf32> to vector<1x2048xf32>
    %slice3A_13 = vector.extract_strided_slice %broadcast_in_dim3A {offsets = [0, 45056], sizes = [1, 2048], strides = [1, 1]} : vector<1x77824xf32> to vector<1x2048xf32>
    %slice3A_14 = vector.extract_strided_slice %broadcast_in_dim3A {offsets = [0, 49152], sizes = [1, 2048], strides = [1, 1]} : vector<1x77824xf32> to vector<1x2048xf32>
    %slice3A_15 = vector.extract_strided_slice %broadcast_in_dim3A {offsets = [0, 53248], sizes = [1, 2048], strides = [1, 1]} : vector<1x77824xf32> to vector<1x2048xf32>
    %slice3A_16 = vector.extract_strided_slice %broadcast_in_dim3A {offsets = [0, 57344], sizes = [1, 2048], strides = [1, 1]} : vector<1x77824xf32> to vector<1x2048xf32>
    %slice3A_17 = vector.extract_strided_slice %broadcast_in_dim3A {offsets = [0, 61440], sizes = [1, 2048], strides = [1, 1]} : vector<1x77824xf32> to vector<1x2048xf32>
    %slice3A_18 = vector.extract_strided_slice %broadcast_in_dim3A {offsets = [0, 65536], sizes = [1, 2048], strides = [1, 1]} : vector<1x77824xf32> to vector<1x2048xf32>
    %slice3A_19 = vector.extract_strided_slice %broadcast_in_dim3A {offsets = [0, 69632], sizes = [1, 2048], strides = [1, 1]} : vector<1x77824xf32> to vector<1x2048xf32>
    %slice3A_20 = vector.extract_strided_slice %broadcast_in_dim3A {offsets = [0, 73728], sizes = [1, 2048], strides = [1, 1]} : vector<1x77824xf32> to vector<1x2048xf32>
    %concatenate3A = tpu.concatenate %slice3A, %slice3A_3, %slice3A_4, %slice3A_5, %slice3A_6, %slice3A_7, %slice3A_8, %slice3A_9, %slice3A_10, %slice3A_11, %slice3A_12, %slice3A_13, %slice3A_14, %slice3A_15, %slice3A_16, %slice3A_17, %slice3A_18, %slice3A_19, %slice3A_20 in 0 : vector<1x2048xf32>, vector<1x2048xf32>, vector<1x2048xf32>, vector<1x2048xf32>, vector<1x2048xf32>, vector<1x2048xf32>, vector<1x2048xf32>, vector<1x2048xf32>, vector<1x2048xf32>, vector<1x2048xf32>, vector<1x2048xf32>, vector<1x2048xf32>, vector<1x2048xf32>, vector<1x2048xf32>, vector<1x2048xf32>, vector<1x2048xf32>, vector<1x2048xf32>, vector<1x2048xf32>, vector<1x2048xf32> -> vector<19x2048xf32>
    %slice3A_21 = vector.extract_strided_slice %broadcast_in_dim3A {offsets = [0, 2048], sizes = [1, 2048], strides = [1, 1]} : vector<1x77824xf32> to vector<1x2048xf32>
    %slice3A_22 = vector.extract_strided_slice %broadcast_in_dim3A {offsets = [0, 6144], sizes = [1, 2048], strides = [1, 1]} : vector<1x77824xf32> to vector<1x2048xf32>
    %slice3A_23 = vector.extract_strided_slice %broadcast_in_dim3A {offsets = [0, 10240], sizes = [1, 2048], strides = [1, 1]} : vector<1x77824xf32> to vector<1x2048xf32>
    %slice3A_24 = vector.extract_strided_slice %broadcast_in_dim3A {offsets = [0, 14336], sizes = [1, 2048], strides = [1, 1]} : vector<1x77824xf32> to vector<1x2048xf32>
    %slice3A_25 = vector.extract_strided_slice %broadcast_in_dim3A {offsets = [0, 18432], sizes = [1, 2048], strides = [1, 1]} : vector<1x77824xf32> to vector<1x2048xf32>
    %slice3A_26 = vector.extract_strided_slice %broadcast_in_dim3A {offsets = [0, 22528], sizes = [1, 2048], strides = [1, 1]} : vector<1x77824xf32> to vector<1x2048xf32>
    %slice3A_27 = vector.extract_strided_slice %broadcast_in_dim3A {offsets = [0, 26624], sizes = [1, 2048], strides = [1, 1]} : vector<1x77824xf32> to vector<1x2048xf32>
    %slice3A_28 = vector.extract_strided_slice %broadcast_in_dim3A {offsets = [0, 30720], sizes = [1, 2048], strides = [1, 1]} : vector<1x77824xf32> to vector<1x2048xf32>
    %slice3A_29 = vector.extract_strided_slice %broadcast_in_dim3A {offsets = [0, 34816], sizes = [1, 2048], strides = [1, 1]} : vector<1x77824xf32> to vector<1x2048xf32>
    %slice3A_30 = vector.extract_strided_slice %broadcast_in_dim3A {offsets = [0, 38912], sizes = [1, 2048], strides = [1, 1]} : vector<1x77824xf32> to vector<1x2048xf32>
    %slice3A_31 = vector.extract_strided_slice %broadcast_in_dim3A {offsets = [0, 43008], sizes = [1, 2048], strides = [1, 1]} : vector<1x77824xf32> to vector<1x2048xf32>
    %slice3A_32 = vector.extract_strided_slice %broadcast_in_dim3A {offsets = [0, 47104], sizes = [1, 2048], strides = [1, 1]} : vector<1x77824xf32> to vector<1x2048xf32>
    %slice3A_33 = vector.extract_strided_slice %broadcast_in_dim3A {offsets = [0, 51200], sizes = [1, 2048], strides = [1, 1]} : vector<1x77824xf32> to vector<1x2048xf32>
    %slice3A_34 = vector.extract_strided_slice %broadcast_in_dim3A {offsets = [0, 55296], sizes = [1, 2048], strides = [1, 1]} : vector<1x77824xf32> to vector<1x2048xf32>
    %slice3A_35 = vector.extract_strided_slice %broadcast_in_dim3A {offsets = [0, 59392], sizes = [1, 2048], strides = [1, 1]} : vector<1x77824xf32> to vector<1x2048xf32>
    %slice3A_36 = vector.extract_strided_slice %broadcast_in_dim3A {offsets = [0, 63488], sizes = [1, 2048], strides = [1, 1]} : vector<1x77824xf32> to vector<1x2048xf32>
    %slice3A_37 = vector.extract_strided_slice %broadcast_in_dim3A {offsets = [0, 67584], sizes = [1, 2048], strides = [1, 1]} : vector<1x77824xf32> to vector<1x2048xf32>
    %slice3A_38 = vector.extract_strided_slice %broadcast_in_dim3A {offsets = [0, 71680], sizes = [1, 2048], strides = [1, 1]} : vector<1x77824xf32> to vector<1x2048xf32>
    %slice3A_39 = vector.extract_strided_slice %broadcast_in_dim3A {offsets = [0, 75776], sizes = [1, 2048], strides = [1, 1]} : vector<1x77824xf32> to vector<1x2048xf32>
    %concatenate3A_40 = tpu.concatenate %slice3A_21, %slice3A_22, %slice3A_23, %slice3A_24, %slice3A_25, %slice3A_26, %slice3A_27, %slice3A_28, %slice3A_29, %slice3A_30, %slice3A_31, %slice3A_32, %slice3A_33, %slice3A_34, %slice3A_35, %slice3A_36, %slice3A_37, %slice3A_38, %slice3A_39 in 0 : vector<1x2048xf32>, vector<1x2048xf32>, vector<1x2048xf32>, vector<1x2048xf32>, vector<1x2048xf32>, vector<1x2048xf32>, vector<1x2048xf32>, vector<1x2048xf32>, vector<1x2048xf32>, vector<1x2048xf32>, vector<1x2048xf32>, vector<1x2048xf32>, vector<1x2048xf32>, vector<1x2048xf32>, vector<1x2048xf32>, vector<1x2048xf32>, vector<1x2048xf32>, vector<1x2048xf32>, vector<1x2048xf32> -> vector<19x2048xf32>
    %add3A = arith.addf %concatenate3A, %concatenate3A_40 : vector<19x2048xf32>
    %iota3A = tpu.iota {dimensions = array<i32: 0>} : vector<2048x2048xi32>
    %iota3A_41 = tpu.iota {dimensions = array<i32: 1>} : vector<2048x2048xi32>
    %ge3A = arith.cmpi sge, %iota3A, %iota3A_41 : vector<2048x2048xi32>
    %convert_element_type3A_42 = arith.extui %ge3A : vector<2048x2048xi1> to vector<2048x2048xi32>
    %convert_element_type3A_43 = arith.sitofp %convert_element_type3A_42 : vector<2048x2048xi32> to vector<2048x2048xf32>
    %dot_general3A = arith.constant dense<0.000000e+00> : vector<19x2048xf32>
    %dot_general3A_44 = tpu.matmul %add3A, %convert_element_type3A_43, %dot_general3A {dimension_numbers = #tpu.dot_dimension_numbers<[1], [0], [0], [1], [0, 0, 1, 1], [], []>, precision = #tpu.contract_precision<fp32>, transpose_lhs_hint = false} : vector<19x2048xf32>, vector<2048x2048xf32>, vector<19x2048xf32> -> vector<19x2048xf32>
    %dot_general3A_45 = arith.constant dense<0.000000e+00> : vector<19x2048xf32>
    %dot_general3A_46 = tpu.matmul %concatenate3A_40, %convert_element_type3A_43, %dot_general3A_45 {dimension_numbers = #tpu.dot_dimension_numbers<[1], [0], [0], [1], [0, 0, 1, 1], [], []>, precision = #tpu.contract_precision<fp32>, transpose_lhs_hint = false} : vector<19x2048xf32>, vector<2048x2048xf32>, vector<19x2048xf32> -> vector<19x2048xf32>
    %slice3A_47 = vector.extract_strided_slice %dot_general3A_46 {offsets = [0, 0], sizes = [19, 1], strides = [1, 1]} : vector<19x2048xf32> to vector<19x1xf32>
    %sub3A = vector.broadcast %slice3A_47 : vector<19x1xf32> to vector<19x2048xf32>
    %sub3A_48 = arith.subf %sub3A, %dot_general3A_46 : vector<19x2048xf32>
    %add3A_49 = vector.broadcast %slice3A_47 : vector<19x1xf32> to vector<19x2048xf32>
    %add3A_50 = arith.addf %add3A_49, %dot_general3A_44 : vector<19x2048xf32>
    %sub3A_51 = arith.subf %add3A_50, %dot_general3A_46 : vector<19x2048xf32>
    %max3A = arith.constant 1.000000e+00 : f32
    %max3A_52 = vector.broadcast %max3A : f32 to vector<19x2048xf32>
    %max3A_53 = arith.maximumf %sub3A_51, %max3A_52 : vector<19x2048xf32>
    %div3A = arith.divf %sub3A_48, %max3A_53 : vector<19x2048xf32>
    %sub3A_54 = arith.constant 1.000000e+00 : f32
    %sub3A_55 = vector.broadcast %sub3A_54 : f32 to vector<19x2048xf32>
    %sub3A_56 = arith.subf %sub3A_55, %div3A : vector<19x2048xf32>
    %reduce_sum3A_57 = arith.constant dense<0.000000e+00> : vector<19xf32>
    %reduce_sum3A_58 = vector.multi_reduction <add>, %sub3A_56, %reduce_sum3A_57 [1] : vector<19x2048xf32> to vector<19xf32>
    %broadcast_in_dim3A_59 = vector.shape_cast %reduce_sum3A_58 : vector<19xf32> to vector<19x1xf32>
    %slice3A_60 = vector.extract_strided_slice %sub3A_56 {offsets = [0, 0], sizes = [19, 1], strides = [1, 1]} : vector<19x2048xf32> to vector<19x1xf32>
    %mul3A = arith.constant 5.000000e-01 : f32
    %mul3A_61 = vector.broadcast %mul3A : f32 to vector<19x1xf32>
    %mul3A_62 = arith.mulf %mul3A_61, %slice3A_60 : vector<19x1xf32>
    %sub3A_63 = arith.subf %broadcast_in_dim3A_59, %mul3A_62 : vector<19x1xf32>
    %mul3A_64 = arith.constant 4.8828125E-4 : f32
    %mul3A_65 = vector.broadcast %mul3A_64 : f32 to vector<19x1xf32>
    %mul3A_66 = arith.mulf %sub3A_63, %mul3A_65 : vector<19x1xf32>
    %gt3A = arith.constant 0.000000e+00 : f32
    %gt3A_67 = vector.broadcast %gt3A : f32 to vector<19x1xf32>
    %gt3A_68 = arith.cmpf ogt, %slice3A_47, %gt3A_67 : vector<19x1xf32>
    %convert_element_type3A_69 = arith.extui %gt3A_68 : vector<19x1xi1> to vector<19x1xi32>
    %convert_element_type3A_70 = arith.sitofp %convert_element_type3A_69 : vector<19x1xi32> to vector<19x1xf32>
    %mul3A_71 = arith.mulf %mul3A_66, %convert_element_type3A_70 : vector<19x1xf32>
    %reduce_sum3A_72 = vector.shape_cast %mul3A_71 : vector<19x1xf32> to vector<1x19x1xf32>
    %reduce_sum3A_73 = arith.constant dense<0.000000e+00> : vector<1xf32>
    %reduce_sum3A_74 = vector.multi_reduction <add>, %reduce_sum3A_72, %reduce_sum3A_73 [1, 2] : vector<1x19x1xf32> to vector<1xf32>
    %reduce_sum3A_75 = vector.shape_cast %reduce_sum3A_74 : vector<1xf32> to vector<1x1x1xf32>
    %reduce_sum3A_76 = vector.extract %reduce_sum3A_75[0, 0, 0] : f32 from vector<1x1x1xf32>
    %reduce_sum3A_77 = vector.shape_cast %convert_element_type3A_70 : vector<19x1xf32> to vector<1x19x1xf32>
    %reduce_sum3A_78 = arith.constant dense<0.000000e+00> : vector<1xf32>
    %reduce_sum3A_79 = vector.multi_reduction <add>, %reduce_sum3A_77, %reduce_sum3A_78 [1, 2] : vector<1x19x1xf32> to vector<1xf32>
    %reduce_sum3A_80 = vector.shape_cast %reduce_sum3A_79 : vector<1xf32> to vector<1x1x1xf32>
    %reduce_sum3A_81 = vector.extract %reduce_sum3A_80[0, 0, 0] : f32 from vector<1x1x1xf32>
    %max3A_82 = arith.constant 1.000000e+00 : f32
    %max3A_83 = arith.maximumf %reduce_sum3A_81, %max3A_82 : f32
    %div3A_84 = arith.divf %reduce_sum3A_76, %max3A_83 : f32
    %broadcast_in_dim3A_85 = vector.broadcast %div3A_84 : f32 to vector<1x1xf32>
    %swap3A = arith.constant 0 : index
    %swap3A_86 = arith.constant 0 : index
    %swap3A_87 = vector.load %arg1[%swap3A, %swap3A_86] : memref<1x1xf32, #tpu.memory_space<vmem>>, vector<1x1xf32>
    tpu.vector_store %arg1[%swap3A, %swap3A_86], %broadcast_in_dim3A_85 {strides = array<i32>} : memref<1x1xf32, #tpu.memory_space<vmem>>, vector<1x1xf32>,
    return
  }
}

</mosaic_0001>

<sc_bundles>
// kernel: kernel.4.cloned.1.call-start
scs
__scs_entry_jumppad:
0x0: {  	(pc) =	sbr.rel $0x88, $3  }
0x1: {  	(tag) =	ssettag $0x0;
	lr =	simm.s32 $0x1  }
0x2: {  	[smem:$0x3F9F] =	sst lr;
	_ =	strace $0xD0000000  }
0x3: {  	_ = 	snop  }
0x4: {  	_ = 	snop  }
0x5: {  	_ = 	snop  }
0x6: {  	_ = 	snop  }
0x7: {  	_ = 	snop  }
__scs_overlays_trampoline_lowered:
0x8: {  	[smem:$0x3FAE] =	sst s0  }
0x9: {  	[smem:$0x3FAF] =	sst s1  }
0xa: {  	[smem:$0x3FB0] =	sst s2  }
0xb: {  	[smem:$0x3FB1] =	sst s3  }
0xc: {  	[smem:$0x3FB2] =	sst s4  }
0xd: {  	[smem:$0x3FB3] =	sst s5  }
0xe: {  	[smem:$0x3FB4] =	sst s6  }
0xf: {  	[smem:$0x3FB5] =	sst s7  }
0x10: {  	[smem:$0x3FB6] =	sst s8  }
0x11: {  	[smem:$0x3FB7] =	sst s9;
	s0 =	simm.s32 @!p0 $0x0  }
0x12: {  	s1 =	sld [smem:$0x3F9D];
	s0 =	simm.s32 @p0 $0x1  }
0x13: {  	[smem:$0x3FB8] =	sst s0;
	s0 =	simm.s32 @!p1 $0x0  }
0x14: {  	s2 =	sld [smem:$0x3F9C];
	s0 =	simm.s32 @p1 $0x1  }
0x15: {  	[smem:$0x3FB9] =	sst s0;
	s0 =	simm.s32 @!p2 $0x0  }
0x16: {  	s3 =	sld [smem:$0x3FDB];
	s0 =	simm.s32 @p2 $0x1  }
0x17: {  	s4 =	simm.s32 $0x1BF5;
	[smem:$0x3FBB] =	sst s0  }
0x18: {  	s0 =	sld [smem:$0x3F9E];
	_ =	swait.ge [sflag:s4], $0x0  }
0x19: {  	s7 =	sld [smem:$0x3F9F]  }
0x1a: {  	s8 =	sadd.s32 $0xFFFFE003, lr  }
0x1b: {  	s9 =	sadd.s32 $0xFFFFFEF7, lr;
	s5 =	simm.s32 $0xFFFFFFFF;
	p2 =	slt.u32 s8, $0xFFFFF086  }
0x1c: {  	p1 =	slt.u32 s9, $0xF7A;
	s5 =	simm.s32 @!p2 $0x0  }
0x1d: {  	s5 =	simm.s32 @p1 $0x1;
	p0 =	seq.s32 s7, s2  }
0x1e: {  	s7 =	smul.u32 @!p0 $0xF7A, s2;
	p2 =	seq.s32 @!p0 s5, $0x0  }
0x1f: {  	s9 =	smul.u32 $0xF7A, s1;
	s8 =	simm.s32 @!p0 $0x1BF5;
	p2 =	por !p2, p0  }
0x20: {  	[sflag:s8] =	ssyncset.s32 @!p0 $0xFFFFF086;
	s6 =	sadd.s32 @!p0 s3, s7;
	s7 =	simm.s32 @!p0 $0x108  }
0x21: {  	s3 =	sadd.s32 s3, s9;
	s6 =	sadd.s32 @!p0 $0x88, s6;
	s7 =	simm.s32 @p2 $0x1082  }
0x22: {  	[simem:s7], [sflag:s8] =	dma.local @!p0 [hbm:s6], $0xF7A  }
0x23: {  	s9 =	sor.u32 $0xD0000000, s2;
	s6 =	simm.s32 $0x108;
	_ =	swait.ge @!p0 [sflag:s8], $0x0  }
0x24: {  	s3 =	sadd.s32 $0x88, s3;
	s6 =	simm.s32 @!p1 $0x1082;
	[sflag:s4] =	ssyncset.s32 $0xFFFFF086  }
0x25: {  	[simem:s6], [sflag:s4] =	dma.local [hbm:s3], $0xF7A  }
0x26: {  	[smem:$0x3F9F] =	sst s1;
	(tag) =	ssettag s2;
	_ =	strace s9  }
0x27: {  	s1 =	sld [smem:$0x3FAF]  }
0x28: {  	s2 =	sld [smem:$0x3FB0]  }
0x29: {  	s4 =	sld [smem:$0x3FB2]  }
0x2a: {  	p0 =	seq.s32 s5, $0x0;
	s5 =	sld [smem:$0x3FB3]  }
0x2b: {  	s6 =	sld [smem:$0x3FB4]  }
0x2c: {  	s7 =	sld [smem:$0x3FB5]  }
0x2d: {  	s3 =	simm.s32 $0x108;
	s8 =	sld [smem:$0x3FB6]  }
0x2e: {  	s3 =	simm.s32 @!p0 $0x1082;
	s9 =	sld [smem:$0x3FB7]  }
0x2f: {  	lr =	sadd.s32 s0, s3;
	s0 =	sld [smem:$0x3FAE]  }
0x30: {  	s3 =	sld [smem:$0x3FB1]  }
0x31: {  	[smem:$0x3FBA] =	sst s10  }
0x32: {  	s10 =	sld [smem:$0x3FB8];
	_ =	sdelay $0x3  }
0x33: {  	p0 =	seq.s32 s10, $0x1;
	s10 =	sld [smem:$0x3FBA];
	_ =	sdelay $0x3  }
0x34: {  	[smem:$0x3FBA] =	sst s10  }
0x35: {  	s10 =	sld [smem:$0x3FB9];
	_ =	sdelay $0x3  }
0x36: {  	p1 =	seq.s32 s10, $0x1;
	s10 =	sld [smem:$0x3FBA];
	_ =	sdelay $0x3  }
0x37: {  	[smem:$0x3FBA] =	sst s10  }
0x38: {  	s10 =	sld [smem:$0x3FBB]  }
0x39: {  	_ = 	snop;
	(pc) =	sbr.ind lr, $3  }
0x3a: {  	_ = 	snop  }
0x3b: {  	_ = 	snop  }
0x3c: {  	p2 =	seq.s32 s10, $0x1;
	s10 =	sld [smem:$0x3FBA]  }
0x3d: {  	_ =	shalt  }
0x3e: {  	_ =	shalt  }
0x3f: {  	_ =	shalt  }
0x40: {  	_ =	shalt  }
0x41: {  	_ =	shalt  }
0x42: {  	_ =	shalt  }
0x43: {  	_ =	shalt  }
0x44: {  	_ =	shalt  }
0x45: {  	_ =	shalt  }
0x46: {  	_ =	shalt  }
0x47: {  	_ =	shalt  }
0x48: {  	_ =	shalt  }
0x49: {  	_ =	shalt  }
0x4a: {  	_ =	shalt  }
0x4b: {  	_ =	shalt  }
0x4c: {  	_ =	shalt  }
0x4d: {  	_ =	shalt  }
0x4e: {  	_ =	shalt  }
0x4f: {  	_ =	shalt  }
0x50: {  	_ =	shalt  }
0x51: {  	_ =	shalt  }
0x52: {  	_ =	shalt  }
0x53: {  	_ =	shalt  }
0x54: {  	_ =	shalt  }
0x55: {  	_ =	shalt  }
0x56: {  	_ =	shalt  }
0x57: {  	_ =	shalt  }
0x58: {  	_ =	shalt  }
0x59: {  	_ =	shalt  }
0x5a: {  	_ =	shalt  }
0x5b: {  	_ =	shalt  }
0x5c: {  	_ =	shalt  }
0x5d: {  	_ =	shalt  }
0x5e: {  	_ =	shalt  }
0x5f: {  	_ =	shalt  }
0x60: {  	_ =	shalt  }
0x61: {  	_ =	shalt  }
0x62: {  	_ =	shalt  }
0x63: {  	_ =	shalt  }
0x64: {  	_ =	shalt  }
0x65: {  	_ =	shalt  }
0x66: {  	_ =	shalt  }
0x67: {  	_ =	shalt  }
0x68: {  	_ =	shalt  }
0x69: {  	_ =	shalt  }
0x6a: {  	_ =	shalt  }
0x6b: {  	_ =	shalt  }
0x6c: {  	_ =	shalt  }
0x6d: {  	_ =	shalt  }
0x6e: {  	_ =	shalt  }
0x6f: {  	_ =	shalt  }
0x70: {  	_ =	shalt  }
0x71: {  	_ =	shalt  }
0x72: {  	_ =	shalt  }
0x73: {  	_ =	shalt  }
0x74: {  	_ =	shalt  }
0x75: {  	_ =	shalt  }
0x76: {  	_ =	shalt  }
0x77: {  	_ =	shalt  }
0x78: {  	_ =	shalt  }
0x79: {  	_ =	shalt  }
0x7a: {  	_ =	shalt  }
0x7b: {  	_ =	shalt  }
0x7c: {  	_ =	shalt  }
0x7d: {  	_ =	shalt  }
0x7e: {  	_ =	shalt  }
0x7f: {  	_ =	shalt  }
0x80: {  	_ =	shalt  }
0x81: {  	_ =	shalt  }
0x82: {  	_ =	shalt  }
0x83: {  	_ =	shalt  }
0x84: {  	_ =	shalt  }
0x85: {  	_ =	shalt  }
0x86: {  	_ =	shalt  }
0x87: {  	_ =	shalt  }
.Lfunc_end0:
.L_simem_size_0:
called_computation_lowered:
.L_overlay_start_0:
0x88: {  	s2 =	sld [smem:$0x3FD9]  }
0x89: {  	s3 =	sld [smem:$0x3FFE];
	_ =	sdelay $0x1  }
0x8a: {  	s1 =	srdreg.scid  }
0x8b: {  	s0 =	sand.u32 $0x1, s1  }
0x8c: {  	s17 =	sshll.u32 s0, $0xA;
	s2 =	sadd.s32 s3, s2  }
0x8d: {  	s2 =	sadd.s32 s2, s17  }
0x8e: {  	[smem:$0x3FC6] =	sst s2  }
0x8f: {  	_ = 	snop  }
0x90: {  	s2 =	sld [smem:$0x3FC9]  }
0x91: {  	s18 =	sld [smem:$0x3FC8];
	(tm) =	ssettm $0x1  }
0x92: {  	s4 =	sld [smem:$0x3FFB];
	_ =	sdelay $0x3  }
0x93: {  	_ =	strace s4  }
0x94: {  	s4 =	sld [smem:$0x3FFC];
	_ =	sdelay $0x3  }
0x95: {  	_ =	strace s4  }
0x96: {  	s4 =	sld [smem:$0x3FFD];
	_ =	sdelay $0x3  }
0x97: {  	_ =	strace s4  }
0x98: {  	_ =	strace $0x8FFFFFFF  }
0x99: {  	s19 =	sld [smem:$0x3FDB];
	_ =	sdelay $0x1  }
0x9a: {  	s5 =	simm.s32 $_scs_section_size  }
0x9b: {  	s6 =	simm.s32 $_size__tile_overlayer_lowered;
	s7 =	simm.s32 $_tile_overlayer_lowered  }
0x9c: {  	s22 =	simm.s32 $0x1BFF;
	s21 =	sshll.u32 s7, $0x1;
	s4 =	sadd.s32 s5, s19  }
0x9d: {  	s8 =	simm.s32 $0x0;
	s20 =	sshll.u32 s6, $0x1;
	s6 =	sadd.s32 s21, s4  }
0x9e: {  	[timem:s8], [sflag:s22] =	dma.local [hbm:s6], s20  }
0x9f: {  	_ =	swait.ge [sflag:s22], s20  }
0xa0: {  	s5 =	ssub.s32 $0x0, s20;
	[sflag:s22] =	ssyncset.done $0x0  }
0xa1: {  	[sflag:s22] =	ssyncadd.s32 s5;
	_ =	sdelay $0x1  }
0xa2: {  	s23 =	simm.s32 $0x1B8B  }
0xa3: {  	_ =	swait.ge [sflag:s23], $0x1  }
0xa4: {  	[sflag:s23] =	ssyncset.done $0x0  }
0xa5: {  	s25 =	simm.s32 $0x1B8E;
	s24 =	sld [smem:$0x3FFE];
	[sflag:s23] =	ssyncadd.s32 $0xFFFFFFFF  }
0xa6: {  	s26 =	simm.s32 $execute0_lowered;
	[smem:$0x3FD2] =	sst s25  }
0xa7: {  	s6 =	sshll.u32 s26, $0x1;
	_ =	strace $0x80000046;
	[dreg:$0x1] =	wrdreg $0xFFFFFFFF  }
0xa8: {  	s28 =	simm.s32 $_size_execute0_lowered;
	s4 =	sadd.s32 s4, s6;
	[dreg:$0x0] =	wrdreg $0x0  }
0xa9: {  	s6 =	sshll.u32 s28, $0x1;
	[dreg:$0x2] =	wrdreg s4  }
0xaa: {  	[dreg:$0x3] =	wrdreg s6  }
0xab: {  	[dreg:$0x4] =	wrdreg $0xC0  }
0xac: {  	_ =	task [dreg:s8], $0x5FFFF  }
0xad: {  	[dreg:$0x1] =	wrdreg $0xFFFFFFFF  }
0xae: {  	[dreg:$0x0] =	wrdreg $0x60  }
0xaf: {  	[dreg:$0x2] =	wrdreg s2  }
0xb0: {  	[dreg:$0x3] =	wrdreg s18  }
0xb1: {  	[dreg:$0x4] =	wrdreg s24  }
0xb2: {  	[dreg:$0x5] =	wrdreg $0x9  }
0xb3: {  	_ =	task.clear_ibuf [dreg:s8], $0x6FFFF;
	_ =	strace $0x90000046  }
0xb4: {  	s29 =	simm.s32 $0x9;
	_ =	strace $0x80000048  }
0xb5: {  	_ =	swait.ge [sflag:s29], $0x1  }
0xb6: {  	[sflag:s29] =	ssyncadd.s32 $0xFFFFFFFF  }
0xb7: {  	_ =	strace $0x90000048  }
0xb8: {  	_ =	sfence  }
0xb9: {  	s30 =	sld [smem:$0x0];
	_ =	sdelay $0x2  }
0xba: {  	s31 =	sshll.u32 s1, $0xD;
	s1 =	sshrl.u32 s1, $0x2  }
0xbb: {  	s3 =	sand.u32 $0x4000, s31;
	s1 =	sadd.s32 s1, s30  }
0xbc: {  	s0 =	sor.u32 s3, s0;
	s1 =	sshll.u32 s1, $0x11  }
0xbd: {  	s0 =	sor.u32 s1, s0  }
0xbe: {  	s0 =	sadd.s32 $0x8F2B, s0  }
0xbf: {  	[sflag:s0] =	ssyncadd.remote.s32 $0x1  }
0xc0: {  	_ =	sfence.sel $0xFFFF  }
0xc1: {  	[dreg:$0x0] =	wrdreg $0xFFFFFFFF;
	(pc) =	sbr.abs _section_cstart, $3  }
0xc2: {  	[dreg:$0x1] =	wrdreg $0xFFFFFFFF  }
0xc3: {  	_ =	task.clear_ibuf [dreg:s8], $0x2FFFF;
	_ =	strace $0x9FFFFFFF  }
0xc4: {  	(tm) =	ssettm $0x7FFFFFFF  }
0xc5: {  	_ =	shalt  }
tec
execute0_lowered:
.L_overlay_start_1:
0x0: {  	(tag) =	ssettag $0x1  }
0x1: {  	s14 =	rddreg [dreg:$0x0]  }
0x2: {  	s26 =	rddreg [dreg:$0x1]  }
0x3: {  	s0 =	rddreg [dreg:$0x2]  }
0x4: {  	s1 =	srdreg.scid;
	s7 =	simm.s32 $0x0;
	s5 =	stileid.u32  }
0x5: {  	s6 =	simm.s32 $0x1;
	s1 =	sand.u32 $0x1, s1;
	s3 =	sand.u32 $0x7, s5  }
0x6: {  	[smem:$0x7FF] =	sst s7;
	s2 =	sshll.u32 s1, $0x4;
	p1 =	sne.s32 s3, $0x0  }
0x7: {  	_ =	strace $0x80000047;
	s1 =	ssub.s32 $0x2, s1;
	s2 =	sor.u32 s5, s2  }
0x8: {  	s30 =	sshll.u32 s3, $0x6;
	s4 =	sshrl.u32 s2, $0x3;
	p0 =	seq.s32 s2, $0x0  }
0x9: {  	s5 =	sshll.u32 s5, $0x7;
	s25 =	smul.u32 $0x98000, s4;
	p0 =	por !p1, !p0  }
0xa: {  	[dreg:$0x7] =	wrdreg s30;
	s5 =	sand.u32 $0x380, s5;
	p0 =	por !p0, !p0  }
0xb: {  	s2 =	sor.u32 s5, s25;
	s6 =	simm.s32 @!p0 $0x0;
	s5 =	sshrl.u32 s1, $0x1  }
0xc: {  	s2 =	sshrl.u32 s2, $0x3;
	s4 =	ssub.s32 s4, s6;
	s1 =	ssub.s32 s1, s5  }
0xd: {  	s6 =	sshll.u32 s3, $0xF;
	s0 =	sadd.s32 s2, s0;
	s10 =	smax.u32 s1, $0x1  }
0xe: {  	s28 =	smul.u32 $0x4C0000, s4;
	s29 =	sshll.u32 s4, $0x12;
	[dreg:$0xb] =	wrdreg s10  }
0xf: {  	s2 =	sor.u32 s6, s29;
	s0 =	sadd.s32 $0x600, s0;
	[dreg:$0x6] =	wrdreg s29  }
0x10: {  	s8 =	sor.u32 s6, s28;
	s2 =	sshrl.u32 s2, $0x3;
	[dreg:$0xa] =	wrdreg s0  }
0x11: {  	[dreg:$0x5] =	wrdreg s28;
	s9 =	sshrl.u32 s8, $0x3;
	s2 =	sadd.s32 s26, s2  }
0x12: {  	s3 =	sadd.s32 s14, s9;
	[dreg:$0x9] =	wrdreg s2  }
0x13: {  	s23 =	sadd.s32 $0x80, s2;
	[dreg:$0x8] =	wrdreg s3  }
0x14: {  	s24 =	sadd.s32 $0x100, s2;
	[dreg:$0x17] =	wrdreg s23  }
0x15: {  	s25 =	sadd.s32 $0x180, s2;
	[dreg:$0x18] =	wrdreg s24  }
0x16: {  	s11 =	sadd.s32 $0x80, s3;
	[dreg:$0x19] =	wrdreg s25  }
0x17: {  	s12 =	sadd.s32 $0x100, s3;
	[dreg:$0xc] =	wrdreg s11  }
0x18: {  	s13 =	sadd.s32 $0x180, s3;
	[dreg:$0xd] =	wrdreg s12  }
0x19: {  	s15 =	sadd.s32 $0x40000, s3;
	[dreg:$0xe] =	wrdreg s13  }
0x1a: {  	s16 =	sadd.s32 $0x40080, s3;
	[dreg:$0xf] =	wrdreg s15  }
0x1b: {  	s17 =	sadd.s32 $0x40100, s3;
	[dreg:$0x10] =	wrdreg s16  }
0x1c: {  	s18 =	sadd.s32 $0x40180, s3;
	[dreg:$0x11] =	wrdreg s17  }
0x1d: {  	s19 =	sadd.s32 $0x80000, s3;
	[dreg:$0x12] =	wrdreg s18  }
0x1e: {  	s20 =	sadd.s32 $0x80080, s3;
	[dreg:$0x13] =	wrdreg s19  }
0x1f: {  	s21 =	sadd.s32 $0x80100, s3;
	[dreg:$0x14] =	wrdreg s20  }
0x20: {  	s31 =	simm.s32 $0x6400;
	s22 =	sadd.s32 $0x80180, s3;
	[dreg:$0x15] =	wrdreg s21  }
0x21: {  	s3 =	simm.s32 $0x400;
	[dreg:$0x16] =	wrdreg s22;
	s15 =	simm.s32 $0x15400  }
0x22: {  	v0 =	vimm.s32 $0x0;
	v56 =	vimm.s32 $0x1;
	s16 =	simm.s32 $0x16400;
	s17 =	simm.s32 $0x17400;
	s18 =	simm.s32 $0x18400  }
.LBB2_1:
0x23: {  	[dreg:$0x4] =	wrdreg s7;
	s0 =	simm.s32 $0x6440  }
0x24: {  	[tilespmem:s0+$0xFFFFFFC0] =	vst v0  }
0x25: {  	[tilespmem:s0+$0x30] =	vst v0  }
0x26: {  	[tilespmem:s0+$0x20] =	vst v0  }
0x27: {  	[tilespmem:s0+$0x10] =	vst v0  }
0x28: {  	[tilespmem:s0+$0x0] =	vst v0  }
0x29: {  	[tilespmem:s0+$0xFFFFFFF0] =	vst v0  }
0x2a: {  	s1 =	simm.s32 $0x0;
	[tilespmem:s0+$0xFFFFFFE0] =	vst v0  }
.LBB2_2:
0x2b: {  	s1 =	sadd.s32 $0x8, s1;
	[tilespmem:s0+$0xFFFFFFD0] =	vst v0;
	s0 =	sadd.s32 $0x80, s0  }
0x2c: {  	[tilespmem:s0+$0xFFFFFFC0] =	vst v0;
	p0 =	slt.u32 s1, $0x12F8  }
0x2d: {  	[tilespmem:s0+$0x30] =	vst v0  }
.Ltmp0:
0x2e: {  	[tilespmem:s0+$0x20] =	vst v0;
	(pc) =	sbr.rel @p0 .LBB2_2-.Ltmp0, $4  }
0x2f: {  	[tilespmem:s0+$0x10] =	vst v0  }
0x30: {  	[tilespmem:s0+$0x0] =	vst v0  }
0x31: {  	[tilespmem:s0+$0xFFFFFFF0] =	vst v0  }
0x32: {  	[tilespmem:s0+$0xFFFFFFE0] =	vst v0  }
0x33: {  	[tilespmem:s0+$0xFFFFFFD0] =	vst v0;
	s4 =	simm.s32 $0x0  }
0x34: {  	s1 =	simm.s32 $0x80;
	s2 =	simm.s32 $0x40000;
	s0 =	rddreg [dreg:$0x8]  }
0x35: {  	[tilespmem:s4], [sflag:$0x1] =	stream.strided.gather [hbm4b:s0+s1], $0x400, s2, s1, $0x38;
	[tilespmem:$0x19400] =	vst v63  }
0x36: {  	s8 =	rddreg [dreg:$0xc]  }
0x37: {  	[tilespmem:s3], [sflag:$0x1] =	stream.strided.gather [hbm4b:s8+s1], $0x400, s2, s1, $0x38;
	[tilespmem:$0x19400] =	vst v63  }
0x38: {  	s10 =	simm.s32 $0x800;
	s9 =	rddreg [dreg:$0xd]  }
0x39: {  	[tilespmem:s10], [sflag:$0x1] =	stream.strided.gather [hbm4b:s9+s1], $0x400, s2, s1, $0x38;
	[tilespmem:$0x19400] =	vst v63  }
0x3a: {  	s12 =	simm.s32 $0xC00;
	s11 =	rddreg [dreg:$0xe]  }
0x3b: {  	[tilespmem:s12], [sflag:$0x1] =	stream.strided.gather [hbm4b:s11+s1], $0x400, s2, s1, $0x38;
	[tilespmem:$0x19400] =	vst v63  }
0x3c: {  	s19 =	simm.s32 $0x1000;
	s13 =	rddreg [dreg:$0xf]  }
0x3d: {  	[tilespmem:s19], [sflag:$0x1] =	stream.strided.gather [hbm4b:s13+s1], $0x400, s2, s1, $0x38;
	[tilespmem:$0x19400] =	vst v63  }
0x3e: {  	s21 =	simm.s32 $0x1400;
	s20 =	rddreg [dreg:$0x10]  }
0x3f: {  	[tilespmem:s21], [sflag:$0x1] =	stream.strided.gather [hbm4b:s20+s1], $0x400, s2, s1, $0x38;
	[tilespmem:$0x19400] =	vst v63  }
0x40: {  	s23 =	simm.s32 $0x1800;
	s22 =	rddreg [dreg:$0x11]  }
0x41: {  	[tilespmem:s23], [sflag:$0x1] =	stream.strided.gather [hbm4b:s22+s1], $0x400, s2, s1, $0x38;
	[tilespmem:$0x19400] =	vst v63  }
0x42: {  	s25 =	simm.s32 $0x1C00;
	s24 =	rddreg [dreg:$0x12]  }
0x43: {  	[tilespmem:s25], [sflag:$0x1] =	stream.strided.gather [hbm4b:s24+s1], $0x400, s2, s1, $0x38;
	[tilespmem:$0x19400] =	vst v63  }
0x44: {  	s6 =	simm.s32 $0x2000;
	s5 =	rddreg [dreg:$0x13]  }
0x45: {  	[tilespmem:s6], [sflag:$0x1] =	stream.strided.gather [hbm4b:s5+s1], $0x180, s2, s1, $0x38;
	[tilespmem:$0x19400] =	vst v63  }
0x46: {  	s7 =	rddreg [dreg:$0x14];
	s8 =	simm.s32 $0x2400  }
0x47: {  	[tilespmem:s8], [sflag:$0x1] =	stream.strided.gather [hbm4b:s7+s1], $0x180, s2, s1, $0x38;
	[tilespmem:$0x19400] =	vst v63  }
0x48: {  	s9 =	rddreg [dreg:$0x15];
	s10 =	simm.s32 $0x2800  }
0x49: {  	[tilespmem:s10], [sflag:$0x1] =	stream.strided.gather [hbm4b:s9+s1], $0x180, s2, s1, $0x38;
	[tilespmem:$0x19400] =	vst v63  }
0x4a: {  	s11 =	rddreg [dreg:$0x16];
	s12 =	simm.s32 $0x2C00  }
0x4b: {  	[tilespmem:s12], [sflag:$0x1] =	stream.strided.gather [hbm4b:s11+s1], $0x180, s2, s1, $0x38;
	[tilespmem:$0x19400] =	vst v63  }
0x4c: {  	s13 =	rddreg [dreg:$0x9];
	s19 =	simm.s32 $0x6000  }
0x4d: {  	[tilespmem:s19], [sflag:$0x1] =	stream.linear.gather [hbm4b:s13+s4], $0x80, $0x38;
	[tilespmem:$0x19400] =	vst v63  }
0x4e: {  	s20 =	rddreg [dreg:$0x17];
	s21 =	simm.s32 $0x6100  }
0x4f: {  	[tilespmem:s21], [sflag:$0x1] =	stream.linear.gather [hbm4b:s20+s4], $0x80, $0x38;
	[tilespmem:$0x19400] =	vst v63  }
0x50: {  	s22 =	rddreg [dreg:$0x18];
	s23 =	simm.s32 $0x6200  }
0x51: {  	[tilespmem:s23], [sflag:$0x1] =	stream.linear.gather [hbm4b:s22+s4], $0x80, $0x38;
	[tilespmem:$0x19400] =	vst v63  }
0x52: {  	s24 =	rddreg [dreg:$0x19];
	s25 =	simm.s32 $0x6300;
	s1 =	simm.s32 $0x0  }
0x53: {  	[tilespmem:s25], [sflag:$0x1] =	stream.linear.gather [hbm4b:s24+s4], $0x80, $0x38;
	[tilespmem:$0x19400] =	vst v63  }
.LBB2_4:
0x54: {  	s22 =	sshll.u32 s1, $0x1  }
0x55: {  	[dreg:$0x1a] =	wrdreg s1;
	s0 =	sadd.s32 s30, s22  }
0x56: {  	s7 =	sshll.u32 s1, $0x8;
	s2 =	simm.s32 $0x1;
	s0 =	sshll.u32 s0, $0x9  }
0x57: {  	_ =	swait.ge [sflag:s2], $0x2600;
	s1 =	sand.u32 $0x300, s7;
	s0 =	sand.u32 $0x3F000, s0  }
0x58: {  	[sflag:s2] =	ssyncset.done $0x0;
	s0 =	sor.u32 s0, s1  }
0x59: {  	[sflag:s2] =	ssyncadd.s32 $0xFFFFDA00;
	s0 =	sor.u32 $0x80, s0  }
0x5a: {  	s4 =	simm.s32 $0x80;
	_ =	swait.ge [sflag:s2], $0x200;
	s8 =	sor.u32 s28, s0  }
0x5b: {  	s5 =	simm.s32 $0x40000;
	[sflag:s2] =	ssyncset.done $0x0;
	s1 =	sshrl.u32 s8, $0x3  }
0x5c: {  	s9 =	simm.s32 $0x3000;
	[sflag:s2] =	ssyncadd.s32 $0xFFFFFE00;
	s1 =	sadd.s32 s14, s1  }
0x5d: {  	[tilespmem:s9], [sflag:$0x2] =	stream.strided.gather [hbm4b:s1+s4], $0x400, s5, s4, $0x38;
	[tilespmem:$0x19400] =	vst v63  }
0x5e: {  	s3 =	simm.s32 $0x3400;
	s10 =	sadd.s32 $0x80, s1  }
0x5f: {  	[tilespmem:s3], [sflag:$0x2] =	stream.strided.gather [hbm4b:s10+s4], $0x400, s5, s4, $0x38;
	[tilespmem:$0x19400] =	vst v63  }
0x60: {  	s12 =	simm.s32 $0x3800;
	s11 =	sadd.s32 $0x100, s1  }
0x61: {  	[tilespmem:s12], [sflag:$0x2] =	stream.strided.gather [hbm4b:s11+s4], $0x400, s5, s4, $0x38;
	[tilespmem:$0x19400] =	vst v63  }
0x62: {  	s19 =	simm.s32 $0x3C00;
	s13 =	sadd.s32 $0x180, s1  }
0x63: {  	[tilespmem:s19], [sflag:$0x2] =	stream.strided.gather [hbm4b:s13+s4], $0x400, s5, s4, $0x38;
	[tilespmem:$0x19400] =	vst v63  }
0x64: {  	s21 =	simm.s32 $0x4000;
	s20 =	sadd.s32 $0x40000, s1  }
0x65: {  	[tilespmem:s21], [sflag:$0x2] =	stream.strided.gather [hbm4b:s20+s4], $0x400, s5, s4, $0x38;
	[tilespmem:$0x19400] =	vst v63  }
0x66: {  	s6 =	simm.s32 $0x4400;
	s23 =	sadd.s32 $0x80, s20  }
0x67: {  	[tilespmem:s6], [sflag:$0x2] =	stream.strided.gather [hbm4b:s23+s4], $0x400, s5, s4, $0x38;
	[tilespmem:$0x19400] =	vst v63  }
0x68: {  	s25 =	simm.s32 $0x4800;
	s24 =	sadd.s32 $0x100, s20  }
0x69: {  	[tilespmem:s25], [sflag:$0x2] =	stream.strided.gather [hbm4b:s24+s4], $0x400, s5, s4, $0x38;
	[tilespmem:$0x19400] =	vst v63  }
0x6a: {  	s2 =	sadd.s32 $0x180, s20;
	s6 =	simm.s32 $0x4C00  }
0x6b: {  	[tilespmem:s6], [sflag:$0x2] =	stream.strided.gather [hbm4b:s2+s4], $0x400, s5, s4, $0x38;
	[tilespmem:$0x19400] =	vst v63  }
0x6c: {  	s7 =	simm.s32 $0x5000;
	s1 =	sadd.s32 $0x80000, s1  }
0x6d: {  	[tilespmem:s7], [sflag:$0x2] =	stream.strided.gather [hbm4b:s1+s4], $0x180, s5, s4, $0x38;
	[tilespmem:$0x19400] =	vst v63  }
0x6e: {  	s9 =	simm.s32 $0x5400;
	s8 =	sadd.s32 $0x80, s1  }
0x6f: {  	[tilespmem:s9], [sflag:$0x2] =	stream.strided.gather [hbm4b:s8+s4], $0x180, s5, s4, $0x38;
	[tilespmem:$0x19400] =	vst v63  }
0x70: {  	s0 =	sor.u32 s29, s0;
	s10 =	sadd.s32 $0x100, s1;
	s11 =	simm.s32 $0x5800  }
0x71: {  	[tilespmem:s11], [sflag:$0x2] =	stream.strided.gather [hbm4b:s10+s4], $0x180, s5, s4, $0x38;
	[tilespmem:$0x19400] =	vst v63  }
0x72: {  	s0 =	sshrl.u32 s0, $0x3;
	s12 =	simm.s32 $0x5C00;
	s1 =	sadd.s32 $0x180, s1  }
0x73: {  	[tilespmem:s12], [sflag:$0x2] =	stream.strided.gather [hbm4b:s1+s4], $0x180, s5, s4, $0x38;
	[tilespmem:$0x19400] =	vst v63  }
0x74: {  	s0 =	sadd.s32 s26, s0;
	s13 =	simm.s32 $0x6080;
	s19 =	simm.s32 $0x0  }
0x75: {  	[tilespmem:s13], [sflag:$0x2] =	stream.linear.gather [hbm4b:s0+s19], $0x80, $0x38;
	[tilespmem:$0x19400] =	vst v63  }
0x76: {  	s20 =	sadd.s32 $0x80, s0;
	s21 =	simm.s32 $0x6180;
	s23 =	sadd.s32 $0x100, s0  }
0x77: {  	[tilespmem:s21], [sflag:$0x2] =	stream.linear.gather [hbm4b:s20+s19], $0x80, $0x38;
	[tilespmem:$0x19400] =	vst v63  }
0x78: {  	s24 =	simm.s32 $0x6280;
	s25 =	simm.s32 $0x6380;
	s2 =	simm.s32 $0x0  }
0x79: {  	[tilespmem:s24], [sflag:$0x2] =	stream.linear.gather [hbm4b:s23+s19], $0x80, $0x38;
	[tilespmem:$0x19400] =	vst v63  }
0x7a: {  	s1 =	simm.s32 $0xFFFFFFFC;
	s5 =	simm.s32 $0x0;
	s0 =	sadd.s32 $0x180, s0  }
0x7b: {  	[tilespmem:s25], [sflag:$0x2] =	stream.linear.gather [hbm4b:s0+s19], $0x80, $0x38;
	[tilespmem:$0x19400] =	vst v63  }
.LBB2_5:
0x7c: {  	s11 =	sand.u32 $0x40, s5;
	s0 =	sand.u32 $0xC00, s2  }
0x7d: {  	s3 =	sor.u32 s11, s0  }
0x7e: {  	v0 =	vld [tilespmem:s3+$0x0]  }
0x7f: {  	v1 =	vld [tilespmem:s3+$0x80];
	_ =	sdelay $0x1  }
0x80: {  	v2 =	vld [tilespmem:s3+$0x100];
	_ =	sdelay $0x1  }
0x81: {  	v3 =	vld [tilespmem:s3+$0x180];
	v0 =	vmul.f32 $1.442695020e+00, v0  }
0x82: {  	v1 =	vmul.f32 $1.442695020e+00, v1  }
0x83: {  	v37 =	vld [tilespmem:s3+$0x200];
	(erf) = vpow2.f32 v0  }
0x84: {  	v38 =	vmul.f32 $1.442695020e+00, v2;
	(erf) = vpow2.f32 v1  }
0x85: {  	v39 =	vld [tilespmem:s3+$0x280]  }
0x86: {  	v40 =	vmul.f32 $1.442695020e+00, v3;
	(erf) = vpow2.f32 v38  }
0x87: {  	v41 =	vld [tilespmem:s3+$0x300]  }
0x88: {  	v0 =	vmul.f32 $1.442695020e+00, v37;
	(erf) = vpow2.f32 v40  }
0x89: {  	v42 =	vld [tilespmem:s3+$0x380];
	s3 =	sor.u32 $0x1000, s0  }
0x8a: {  	s4 =	sor.u32 s11, s3;
	v43 =	vmul.f32 $1.442695020e+00, v39;
	(erf) = vpow2.f32 v0  }
0x8b: {  	s24 =	sor.u32 $0x1080, s0;
	v44 =	vld [tilespmem:s4+$0x0]  }
0x8c: {  	s21 =	sor.u32 s11, s24;
	v45 =	vmul.f32 $1.442695020e+00, v41;
	v9 =	vpop (erf);
	(erf) = vpow2.f32 v43  }
0x8d: {  	s9 =	sor.u32 $0x1100, s0;
	v46 =	vld [tilespmem:s21+$0x0];
	v11 =	vpop (erf)  }
0x8e: {  	s23 =	sor.u32 s11, s9;
	v47 =	vmul.f32 $1.442695020e+00, v42;
	(erf) = vpow2.f32 v45;
	v48 =	vadd.f32 v11, v9  }
0x8f: {  	v4 =	vld [tilespmem:s23+$0x0];
	s23 =	sor.u32 $0x1180, s0;
	v12 =	vpop (erf)  }
0x90: {  	s25 =	sor.u32 s11, s23;
	v49 =	vmul.f32 $1.442695020e+00, v44;
	(erf) = vpow2.f32 v47;
	v1 =	vadd.f32 v12, v48  }
0x91: {  	s21 =	sor.u32 $0x1200, s0;
	v50 =	vld [tilespmem:s25+$0x0];
	v8 =	vpop (erf)  }
0x92: {  	s6 =	sor.u32 s11, s21;
	v3 =	vmul.f32 $1.442695020e+00, v46;
	(erf) = vpow2.f32 v49;
	v1 =	vadd.f32 v8, v1  }
0x93: {  	s4 =	sor.u32 $0x1280, s0;
	v5 =	vld [tilespmem:s6+$0x0];
	v0 =	vpop (erf)  }
0x94: {  	s6 =	sor.u32 s11, s4;
	v51 =	vmul.f32 $1.442695020e+00, v4;
	(erf) = vpow2.f32 v3;
	v1 =	vadd.f32 v0, v1  }
0x95: {  	s19 =	sor.u32 $0x1300, s0;
	v52 =	vld [tilespmem:s6+$0x0];
	v22 =	vpop (erf)  }
0x96: {  	s7 =	sor.u32 s11, s19;
	v2 =	vmul.f32 $1.442695020e+00, v50;
	(erf) = vpow2.f32 v51;
	v1 =	vadd.f32 v22, v1  }
0x97: {  	s20 =	sor.u32 $0x1380, s0;
	v6 =	vld [tilespmem:s7+$0x0];
	v21 =	vpop (erf)  }
0x98: {  	s8 =	sor.u32 s11, s20;
	v53 =	vmul.f32 $1.442695020e+00, v5;
	(erf) = vpow2.f32 v2;
	v1 =	vadd.f32 v21, v1  }
0x99: {  	v54 =	vld [tilespmem:s8+$0x0];
	s8 =	sor.u32 $0x2000, s0;
	v20 =	vpop (erf)  }
0x9a: {  	s10 =	sor.u32 s11, s8;
	v55 =	vmul.f32 $1.442695020e+00, v52;
	(erf) = vpow2.f32 v53;
	v1 =	vadd.f32 v20, v1  }
0x9b: {  	v57 =	vld [tilespmem:s10+$0x0];
	s10 =	sor.u32 $0x2080, s0;
	v3 =	vpop (erf)  }
0x9c: {  	s12 =	sor.u32 s11, s10;
	v58 =	vmul.f32 $1.442695020e+00, v6;
	(erf) = vpow2.f32 v55;
	v1 =	vadd.f32 v3, v1  }
0x9d: {  	s7 =	sor.u32 $0x2100, s0;
	v59 =	vld [tilespmem:s12+$0x0];
	v19 =	vpop (erf)  }
0x9e: {  	s13 =	sor.u32 s11, s7;
	v5 =	vmul.f32 $1.442695020e+00, v54;
	(erf) = vpow2.f32 v58;
	v1 =	vadd.f32 v19, v1  }
0x9f: {  	v7 =	vld [tilespmem:s13+$0x0];
	v2 =	vpop (erf)  }
0xa0: {  	v4 =	vmul.f32 $1.442695020e+00, v57;
	(erf) = vpow2.f32 v5;
	v1 =	vadd.f32 v2, v1  }
0xa1: {  	v18 =	vpop (erf)  }
0xa2: {  	v60 =	vmul.f32 $1.442695020e+00, v59;
	(erf) = vpow2.f32 v4;
	v1 =	vadd.f32 v18, v1  }
0xa3: {  	v16 =	vpop (erf)  }
0xa4: {  	v61 =	vmul.f32 $1.442695020e+00, v7;
	(erf) = vpow2.f32 v60;
	v1 =	vadd.f32 v16, v1  }
0xa5: {  	v17 =	vpop (erf)  }
0xa6: {  	s13 =	sor.u32 $0x10, s11;
	(erf) = vpow2.f32 v61;
	v1 =	vadd.f32 v17, v1  }
0xa7: {  	s12 =	sor.u32 s13, s0;
	v13 =	vpop (erf)  }
0xa8: {  	v62 =	vld [tilespmem:s12+$0x0];
	v1 =	vadd.f32 v13, v1  }
0xa9: {  	v63 =	vld [tilespmem:s12+$0x80];
	v7 =	vpop (erf)  }
0xaa: {  	v14 =	vld [tilespmem:s12+$0x100];
	v1 =	vadd.f32 v7, v1  }
0xab: {  	v24 =	vld [tilespmem:s12+$0x180];
	v10 =	vpop (erf)  }
0xac: {  	v29 =	vld [tilespmem:s12+$0x200];
	v1 =	vadd.f32 v10, v1  }
0xad: {  	s25 =	sshrl.u32 s0, $0x2;
	v30 =	vld [tilespmem:s12+$0x280];
	v6 =	vpop (erf)  }
0xae: {  	s6 =	sor.u32 $0x6000, s25;
	v32 =	vld [tilespmem:s12+$0x300];
	v1 =	vadd.f32 v6, v1  }
0xaf: {  	s25 =	sor.u32 s11, s6;
	v26 =	vld [tilespmem:s12+$0x380];
	v5 =	vpop (erf)  }
0xb0: {  	v4 =	vld [tilespmem:s25+$0x0];
	s25 =	sor.u32 s13, s3;
	v1 =	vadd.f32 v5, v1  }
0xb1: {  	v23 =	vmul.f32 $1.442695020e+00, v62;
	v37 =	vld [tilespmem:s25+$0x0];
	s25 =	sor.u32 s13, s24  }
0xb2: {  	v25 =	vmul.f32 $1.442695020e+00, v63;
	v27 =	vld [tilespmem:s25+$0x0];
	s25 =	sor.u32 s13, s9;
	(erf) = vrcp.f32 v1  }
0xb3: {  	v14 =	vmul.f32 $1.442695020e+00, v14;
	v31 =	vmul.f32 $1.442695020e+00, v24;
	v42 =	vld [tilespmem:s25+$0x0];
	s25 =	sor.u32 s13, s23  }
0xb4: {  	v33 =	vmul.f32 $1.442695020e+00, v29;
	v29 =	vld [tilespmem:s25+$0x0];
	s25 =	sor.u32 s13, s21;
	(erf) = vpow2.f32 v23  }
0xb5: {  	v38 =	vmul.f32 $1.442695020e+00, v32;
	v26 =	vmul.f32 $1.442695020e+00, v26;
	vm0 =	veq.s32 v4, $0x0;
	v48 =	vld [tilespmem:s25+$0x0];
	s25 =	sor.u32 s13, s4  }
0xb6: {  	vm14 =	veq.s32 v4, $0x1;
	(erf) = vpow2.f32 v25;
	v25 =	vmul.f32 $1.442695020e+00, v30;
	v30 =	vld [tilespmem:s25+$0x0];
	s25 =	sor.u32 s13, s19  }
0xb7: {  	vm15 =	veq.s32 v4, $0x2;
	vm4 =	veq.s32 v4, $0x3;
	(erf) = vpow2.f32 v14;
	v58 =	vld [tilespmem:s25+$0x0];
	s25 =	sor.u32 s13, s20  }
0xb8: {  	vm5 =	veq.s32 v4, $0x4;
	v46 =	vmul.f32 $1.442695020e+00, v27;
	(erf) = vpow2.f32 v31;
	v31 =	vld [tilespmem:s25+$0x0]  }
0xb9: {  	vm6 =	veq.s32 v4, $0x5;
	v50 =	vmul.f32 $1.442695020e+00, v42;
	v55 =	vmul.f32 $1.442695020e+00, v29  }
0xba: {  	vm7 =	veq.s32 v4, $0x6;
	v59 =	vmul.f32 $1.442695020e+00, v48;
	(erf) = vpow2.f32 v33  }
0xbb: {  	vm8 =	veq.s32 v4, $0x7;
	v23 =	vmul.f32 $1.442695020e+00, v37;
	(erf) = vpow2.f32 v25;
	v28 =	vpop (erf)  }
0xbc: {  	vm9 =	veq.s32 v4, $0x8;
	v61 =	vmul.f32 $1.442695020e+00, v30;
	v1 =	vmul.f32 $2.048000000e+03, v28  }
0xbd: {  	vm1 =	veq.s32 v4, $0x9;
	v37 =	vmul.f32 $1.442695020e+00, v31;
	v14 =	vpop (erf);
	(erf) = vpow2.f32 v38  }
0xbe: {  	vm10 =	veq.s32 v4, $0xA;
	(erf) = vpow2.f32 v26;
	v9 =	vmul.f32 v1, v9  }
0xbf: {  	vm11 =	veq.s32 v4, $0xB;
	v11 =	vmul.f32 v1, v11;
	v36 =	vmul.f32 v1, v12  }
0xc0: {  	v8 =	vmul.f32 v1, v8;
	v0 =	vmul.f32 v1, v0;
	v9 =	vmin.f32 v9, $2.046873660e+03  }
0xc1: {  	v22 =	vmul.f32 v1, v22;
	v21 =	vmul.f32 v1, v21;
	v9 =	vmax.f32 v9, $1.126399990e+00  }
0xc2: {  	v20 =	vmul.f32 v1, v20;
	v40 =	vmin.f32 v36, $2.046873660e+03;
	v34 =	vsub.f32 $4.096000000e+03, v9  }
0xc3: {  	v3 =	vmul.f32 v1, v3;
	v35 =	vmin.f32 v11, $2.046873660e+03;
	v41 =	vmax.f32 v40, $1.126399990e+00  }
0xc4: {  	v11 =	vpop (erf);
	v44 =	vsub.f32 $4.096000000e+03, v41;
	v49 =	vsel vm0, v34, v9;
	v9 =	vmax.f32 v35, $1.126399990e+00  }
0xc5: {  	v19 =	vmul.f32 v1, v19;
	v28 =	vadd.f32 v11, v14;
	v39 =	vsub.f32 $4.096000000e+03, v9  }
0xc6: {  	vm12 =	veq.s32 v4, $0xC;
	v18 =	vmul.f32 v1, v18;
	v16 =	vmul.f32 v1, v16;
	v12 =	vpop (erf)  }
0xc7: {  	v43 =	vadd.f32 v12, v28;
	v51 =	vsel vm14, v39, v9;
	v9 =	vsel vm15, v44, v41  }
0xc8: {  	v17 =	vmul.f32 v1, v17;
	v13 =	vmul.f32 v1, v13;
	v45 =	vmin.f32 v8, $2.046873660e+03;
	v8 =	vpop (erf)  }
0xc9: {  	v7 =	vmul.f32 v1, v7;
	(erf) = vpow2.f32 v23;
	v25 =	vadd.f32 v8, v43  }
0xca: {  	vm13 =	veq.s32 v4, $0xD;
	v10 =	vmul.f32 v1, v10;
	v6 =	vmul.f32 v1, v6;
	[tilespmem:$0x1FDD0] =	vst v9;
	v9 =	vpop (erf)  }
0xcb: {  	v5 =	vmul.f32 v1, v5;
	(erf) = vpow2.f32 v46;
	v52 =	vadd.f32 v9, v25  }
0xcc: {  	v54 =	vmin.f32 v0, $2.046873660e+03;
	v22 =	vmin.f32 v22, $2.046873660e+03;
	v21 =	vmin.f32 v21, $2.046873660e+03;
	v0 =	vpop (erf)  }
0xcd: {  	v20 =	vmin.f32 v20, $2.046873660e+03;
	(erf) = vpow2.f32 v50;
	v24 =	vadd.f32 v0, v52  }
0xce: {  	v48 =	vmin.f32 v3, $2.046873660e+03;
	v19 =	vmin.f32 v19, $2.046873660e+03;
	v18 =	vmin.f32 v18, $2.046873660e+03;
	v26 =	vpop (erf)  }
0xcf: {  	v47 =	vmax.f32 v45, $1.126399990e+00;
	(erf) = vpow2.f32 v55;
	v24 =	vadd.f32 v26, v24  }
0xd0: {  	v16 =	vmin.f32 v16, $2.046873660e+03;
	v17 =	vmin.f32 v17, $2.046873660e+03;
	v53 =	vsub.f32 $4.096000000e+03, v47;
	v38 =	vpop (erf)  }
0xd1: {  	s25 =	sor.u32 s13, s8;
	v13 =	vmin.f32 v13, $2.046873660e+03;
	(erf) = vpow2.f32 v59;
	v24 =	vadd.f32 v38, v24  }
0xd2: {  	v63 =	vld [tilespmem:s25+$0x0];
	v7 =	vmin.f32 v7, $2.046873660e+03;
	v10 =	vmin.f32 v10, $2.046873660e+03;
	v15 =	vsel vm4, v53, v47;
	v27 =	vpop (erf)  }
0xd3: {  	s25 =	sor.u32 s13, s10;
	[tilespmem:$0x1FDE0] =	vst v15;
	v15 =	vmul.f32 $1.442695020e+00, v58;
	(erf) = vpow2.f32 v61;
	v24 =	vadd.f32 v27, v24  }
0xd4: {  	v32 =	vld [tilespmem:s25+$0x0];
	v6 =	vmin.f32 v6, $2.046873660e+03;
	v5 =	vmin.f32 v5, $2.046873660e+03;
	v57 =	vmax.f32 v54, $1.126399990e+00;
	v29 =	vpop (erf)  }
0xd5: {  	s25 =	sor.u32 s13, s7;
	v22 =	vmax.f32 v22, $1.126399990e+00;
	(erf) = vpow2.f32 v15;
	v24 =	vadd.f32 v29, v24  }
0xd6: {  	v21 =	vmax.f32 v21, $1.126399990e+00;
	v40 =	vld [tilespmem:s25+$0x0];
	v20 =	vmax.f32 v20, $1.126399990e+00;
	v19 =	vmax.f32 v19, $1.126399990e+00;
	v28 =	vpop (erf)  }
0xd7: {  	v41 =	vmul.f32 $1.442695020e+00, v63;
	(erf) = vpow2.f32 v37;
	v24 =	vadd.f32 v28, v24  }
0xd8: {  	v18 =	vmax.f32 v18, $1.126399990e+00;
	v16 =	vmax.f32 v16, $1.126399990e+00;
	v17 =	vmax.f32 v17, $1.126399990e+00;
	v30 =	vpop (erf)  }
0xd9: {  	v43 =	vmul.f32 $1.442695020e+00, v32;
	(erf) = vpow2.f32 v41;
	v24 =	vadd.f32 v30, v24  }
0xda: {  	v13 =	vmax.f32 v13, $1.126399990e+00;
	v7 =	vmax.f32 v7, $1.126399990e+00;
	v10 =	vmax.f32 v10, $1.126399990e+00;
	v31 =	vpop (erf)  }
0xdb: {  	v45 =	vmul.f32 $1.442695020e+00, v40;
	(erf) = vpow2.f32 v43;
	v46 =	vadd.f32 v31, v24  }
0xdc: {  	v6 =	vmax.f32 v6, $1.126399990e+00;
	v5 =	vmax.f32 v5, $1.126399990e+00;
	v60 =	vsub.f32 $4.096000000e+03, v57;
	v32 =	vpop (erf)  }
0xdd: {  	v42 =	vsub.f32 $4.096000000e+03, v21;
	(erf) = vpow2.f32 v45;
	v50 =	vadd.f32 v32, v46  }
0xde: {  	v36 =	vsub.f32 $4.096000000e+03, v22;
	v62 =	vsel vm5, v60, v57;
	v53 =	vmax.f32 v48, $1.126399990e+00;
	v33 =	vpop (erf)  }
0xdf: {  	v57 =	vmul.f32 v1, v2;
	v44 =	vsel vm7, v42, v21;
	v21 =	vadd.f32 v33, v50  }
0xe0: {  	s12 =	sor.u32 $0x20, s11;
	v47 =	vsub.f32 $4.096000000e+03, v20;
	vm4 =	veq.s32 v4, $0x10;
	v54 =	vsub.f32 $4.096000000e+03, v53;
	v34 =	vpop (erf)  }
0xe1: {  	s25 =	sor.u32 s12, s0;
	vm5 =	veq.s32 v4, $0x11;
	v60 =	vmin.f32 v57, $2.046873660e+03;
	v21 =	vadd.f32 v34, v21  }
0xe2: {  	v57 =	vld [tilespmem:s25+$0x200];
	v39 =	vsel vm6, v36, v22;
	v58 =	vsel vm9, v54, v53;
	v55 =	vsub.f32 $4.096000000e+03, v19;
	v36 =	vpop (erf)  }
0xe3: {  	v63 =	vsub.f32 $4.096000000e+03, v18;
	v52 =	vsel vm8, v47, v20;
	v47 =	vld [tilespmem:s25+$0x100];
	v61 =	vadd.f32 v36, v21  }
0xe4: {  	v42 =	vsub.f32 $4.096000000e+03, v13;
	v59 =	vsel vm1, v55, v19;
	v19 =	vmax.f32 v60, $1.126399990e+00;
	v60 =	vld [tilespmem:s25+$0x280];
	v35 =	vpop (erf)  }
0xe5: {  	[tilespmem:$0x1FDF0] =	vst v62;
	vm14 =	veq.s32 v4, $0xE;
	v41 =	vld [tilespmem:s25+$0x0];
	v45 =	vsub.f32 $4.096000000e+03, v7;
	v20 =	vadd.f32 v35, v61  }
0xe6: {  	s13 =	sor.u32 s13, s6;
	vm15 =	veq.s32 v4, $0xF;
	vm6 =	veq.s32 v4, $0x12;
	[tilespmem:$0x1FE10] =	vst v44;
	v25 =	vsub.f32 $4.096000000e+03, v17;
	v43 =	vld [tilespmem:s25+$0x80];
	v37 =	vpop (erf)  }
0xe7: {  	[tilespmem:$0x1FE30] =	vst v58;
	v22 =	vsel vm11, v63, v18;
	v48 =	vsel vm15, v45, v7;
	v7 =	vld [tilespmem:s13+$0x0];
	v23 =	vadd.f32 v37, v20  }
0xe8: {  	v53 =	vld [tilespmem:s25+$0x180];
	v44 =	vsel vm14, v42, v13;
	v40 =	vsel vm13, v25, v17;
	[tilespmem:$0x1FE20] =	vst v52;
	v62 =	vsub.f32 $4.096000000e+03, v19  }
0xe9: {  	v63 =	vld [tilespmem:s25+$0x300];
	[tilespmem:$0x1FE70] =	vst v40;
	v58 =	vmul.f32 $1.442695020e+00, v47;
	v24 =	vsub.f32 $4.096000000e+03, v16;
	(erf) = vrcp.f32 v23  }
0xea: {  	v40 =	vld [tilespmem:s25+$0x380];
	[tilespmem:$0x1FE40] =	vst v59;
	v59 =	vsub.f32 $4.096000000e+03, v6;
	s25 =	sor.u32 s12, s3;
	v52 =	vmul.f32 $1.442695020e+00, v41;
	v41 =	vmul.f32 $1.442695020e+00, v60  }
0xeb: {  	[tilespmem:$0x1FE00] =	vst v39;
	v42 =	vld [tilespmem:s25+$0x0];
	v55 =	vmul.f32 $1.442695020e+00, v43;
	v39 =	vsel vm12, v24, v16;
	v46 =	vsub.f32 $4.096000000e+03, v10  }
0xec: {  	vm7 =	veq.s32 v7, $0x0;
	vm8 =	veq.s32 v7, $0x1;
	vm9 =	veq.s32 v7, $0x2  }
0xed: {  	s25 =	sor.u32 s12, s24;
	vm11 =	veq.s32 v7, $0x4;
	vm12 =	veq.s32 v7, $0x5;
	vm13 =	veq.s32 v7, $0x6  }
0xee: {  	v45 =	vld [tilespmem:s25+$0x0];
	s25 =	sor.u32 s12, s9;
	vm14 =	veq.s32 v7, $0x7;
	v50 =	vsel vm4, v46, v10;
	v10 =	vmul.f32 $1.442695020e+00, v53  }
0xef: {  	vm15 =	veq.s32 v7, $0x8;
	v46 =	vmul.f32 $1.442695020e+00, v40;
	(erf) = vpow2.f32 v52;
	v52 =	vld [tilespmem:s25+$0x0];
	s25 =	sor.u32 s12, s23  }
0xf0: {  	v53 =	vmul.f32 $1.442695020e+00, v42;
	vm4 =	veq.s32 v7, $0x9;
	(erf) = vpow2.f32 v55;
	v55 =	vld [tilespmem:s25+$0x0]  }
0xf1: {  	v21 =	vsel vm10, v62, v19;
	v23 =	vmul.f32 $1.442695020e+00, v57;
	(erf) = vpow2.f32 v58  }
0xf2: {  	v61 =	vsel vm5, v59, v6;
	v6 =	vmul.f32 $1.442695020e+00, v63;
	(erf) = vpow2.f32 v10;
	v54 =	vpop (erf)  }
0xf3: {  	v62 =	vsub.f32 $4.096000000e+03, v5;
	(erf) = vpow2.f32 v23;
	v1 =	vmul.f32 $2.048000000e+03, v54  }
0xf4: {  	vm10 =	veq.s32 v7, $0x3;
	v57 =	vmul.f32 $1.442695020e+00, v45;
	(erf) = vpow2.f32 v41  }
0xf5: {  	v24 =	vsel vm6, v62, v5;
	v62 =	vmul.f32 $1.442695020e+00, v55;
	v14 =	vmul.f32 v1, v14  }
0xf6: {  	[tilespmem:$0x1FE60] =	vst v39;
	vm5 =	veq.s32 v7, $0xA;
	v39 =	vmul.f32 v1, v11;
	v12 =	vmul.f32 v1, v12  }
0xf7: {  	vm6 =	veq.s32 v7, $0xB;
	v8 =	vmul.f32 v1, v8;
	v9 =	vmul.f32 v1, v9  }
0xf8: {  	v0 =	vmul.f32 v1, v0;
	v27 =	vmul.f32 v1, v27;
	v4 =	vmin.f32 v39, $2.046873660e+03  }
0xf9: {  	v20 =	vmin.f32 v14, $2.046873660e+03;
	v12 =	vmin.f32 v12, $2.046873660e+03;
	v8 =	vmin.f32 v8, $2.046873660e+03  }
0xfa: {  	v60 =	vmin.f32 v9, $2.046873660e+03;
	v0 =	vmin.f32 v0, $2.046873660e+03;
	v25 =	vmax.f32 v20, $1.126399990e+00;
	v14 =	vpop (erf)  }
0xfb: {  	v43 =	vmax.f32 v4, $1.126399990e+00;
	v12 =	vmax.f32 v12, $1.126399990e+00;
	v8 =	vmax.f32 v8, $1.126399990e+00;
	v4 =	vpop (erf)  }
0xfc: {  	s25 =	sor.u32 s12, s21;
	v16 =	vmax.f32 v60, $1.126399990e+00;
	v13 =	vsub.f32 $4.096000000e+03, v25;
	v47 =	vadd.f32 v4, v14  }
0xfd: {  	[tilespmem:$0x1FE80] =	vst v44;
	v59 =	vld [tilespmem:s25+$0x0];
	v44 =	vsub.f32 $4.096000000e+03, v43;
	(erf) = vpow2.f32 v6;
	v54 =	vsub.f32 $4.096000000e+03, v12;
	v5 =	vpop (erf)  }
0xfe: {  	v0 =	vmax.f32 v0, $1.126399990e+00;
	v20 =	vsub.f32 $4.096000000e+03, v8;
	v11 =	vadd.f32 v5, v47  }
0xff: {  	[tilespmem:$0x1FE90] =	vst v48;
	s25 =	sor.u32 s12, s4;
	v23 =	vsub.f32 $4.096000000e+03, v16;
	v55 =	vsub.f32 $4.096000000e+03, v0;
	(erf) = vpow2.f32 v46;
	v10 =	vpop (erf)  }
0x100: {  	[tilespmem:$0x1FEB0] =	vst v61;
	v61 =	vld [tilespmem:s25+$0x0];
	s25 =	sor.u32 s12, s19;
	v46 =	vmul.f32 v1, v29;
	v48 =	vsel vm7, v13, v25;
	v11 =	vadd.f32 v10, v11  }
0x101: {  	[tilespmem:$0x1FEA0] =	vst v50;
	v39 =	vld [tilespmem:s25+$0x0];
	v50 =	vsel vm8, v44, v43;
	v58 =	vsel vm9, v54, v12;
	(erf) = vpow2.f32 v53;
	v6 =	vpop (erf)  }
0x102: {  	s25 =	sor.u32 s12, s20;
	v13 =	vmul.f32 $1.442695020e+00, v52;
	v12 =	vmul.f32 $1.442695020e+00, v59;
	v11 =	vadd.f32 v6, v11  }
0x103: {  	v40 =	vld [tilespmem:s25+$0x0];
	v0 =	vsel vm12, v55, v0;
	v25 =	vmin.f32 v27, $2.046873660e+03;
	(erf) = vpow2.f32 v57  }
0x104: {  	s25 =	sor.u32 s12, s8;
	vm7 =	veq.s32 v7, $0xC;
	vm8 =	veq.s32 v7, $0xD;
	[tilespmem:$0x1FED0] =	vst v48;
	v48 =	vsel vm10, v20, v8;
	v9 =	vpop (erf)  }
0x105: {  	v52 =	vld [tilespmem:s25+$0x0];
	s25 =	sor.u32 s12, s10;
	[tilespmem:$0x1FEE0] =	vst v50;
	v50 =	vsel vm11, v23, v16;
	(erf) = vpow2.f32 v13;
	v63 =	vadd.f32 v9, v11  }
0x106: {  	[tilespmem:$0x1FEF0] =	vst v58;
	v53 =	vmul.f32 $1.442695020e+00, v39;
	v58 =	vld [tilespmem:s25+$0x0];
	s25 =	sor.u32 s12, s7;
	v29 =	vmax.f32 v25, $1.126399990e+00;
	v57 =	vmul.f32 v1, v26;
	v11 =	vpop (erf)  }
0x107: {  	[tilespmem:$0x1FE50] =	vst v21;
	v47 =	vmul.f32 $1.442695020e+00, v61;
	v60 =	vld [tilespmem:s25+$0x0];
	(erf) = vpow2.f32 v62;
	v21 =	vadd.f32 v11, v63  }
0x108: {  	[tilespmem:$0x1FF00] =	vst v48;
	v59 =	vmul.f32 $1.442695020e+00, v40;
	v48 =	vmul.f32 v1, v28;
	v61 =	vmin.f32 v57, $2.046873660e+03;
	v45 =	vpop (erf)  }
0x109: {  	[tilespmem:$0x1FF20] =	vst v0;
	v57 =	vmul.f32 v1, v31;
	(erf) = vpow2.f32 v12;
	v41 =	vadd.f32 v45, v21  }
0x10a: {  	v8 =	vmul.f32 $1.442695020e+00, v52;
	v0 =	vmax.f32 v61, $1.126399990e+00;
	v52 =	vmin.f32 v48, $2.046873660e+03;
	v13 =	vpop (erf)  }
0x10b: {  	v62 =	vmul.f32 v1, v38;
	(erf) = vpow2.f32 v47;
	v54 =	vadd.f32 v13, v41  }
0x10c: {  	v20 =	vmul.f32 $1.442695020e+00, v58;
	v17 =	vmin.f32 v57, $2.046873660e+03;
	v23 =	vmul.f32 $1.442695020e+00, v60;
	v43 =	vpop (erf)  }
0x10d: {  	v3 =	vmin.f32 v62, $2.046873660e+03;
	(erf) = vpow2.f32 v53;
	v16 =	vadd.f32 v43, v54  }
0x10e: {  	v47 =	vmin.f32 v46, $2.046873660e+03;
	v21 =	vsub.f32 $4.096000000e+03, v0;
	v53 =	vmul.f32 v1, v30;
	v44 =	vpop (erf)  }
0x10f: {  	v30 =	vmul.f32 v1, v36;
	(erf) = vpow2.f32 v59;
	v63 =	vadd.f32 v44, v16  }
0x110: {  	v0 =	vsel vm13, v21, v0;
	v41 =	vsub.f32 $4.096000000e+03, v29;
	v38 =	vpop (erf);
	v16 =	vmax.f32 v3, $1.126399990e+00  }
0x111: {  	[tilespmem:$0x1FEC0] =	vst v24;
	(erf) = vpow2.f32 v8;
	v24 =	vsub.f32 $4.096000000e+03, v16;
	v12 =	vadd.f32 v38, v63  }
0x112: {  	v55 =	vmin.f32 v53, $2.046873660e+03;
	v21 =	vmul.f32 v1, v32;
	[tilespmem:$0x1FF30] =	vst v0;
	v0 =	vsel vm15, v41, v29;
	v39 =	vpop (erf)  }
0x113: {  	v27 =	vsel vm14, v24, v16;
	v16 =	vmax.f32 v47, $1.126399990e+00;
	v12 =	vadd.f32 v39, v12  }
0x114: {  	[tilespmem:$0x1FF10] =	vst v50;
	v54 =	vmax.f32 v52, $1.126399990e+00;
	(erf) = vpow2.f32 v20;
	v63 =	vpop (erf);
	v50 =	vsub.f32 $4.096000000e+03, v16  }
0x115: {  	(erf) = vpow2.f32 v23;
	v23 =	vmax.f32 v17, $1.126399990e+00;
	v26 =	vadd.f32 v63, v12  }
0x116: {  	[tilespmem:$0x1FF50] =	vst v0;
	v42 =	vpop (erf);
	v0 =	vsel vm4, v50, v16;
	v12 =	vsub.f32 $4.096000000e+03, v54;
	v16 =	vmax.f32 v55, $1.126399990e+00  }
0x117: {  	[tilespmem:$0x1FF40] =	vst v27;
	v27 =	vmul.f32 v1, v34;
	v20 =	vsub.f32 $4.096000000e+03, v16;
	v8 =	vadd.f32 v42, v26  }
0x118: {  	s11 =	sor.u32 $0x30, s11;
	v24 =	vsub.f32 $4.096000000e+03, v23;
	v59 =	vpop (erf);
	[tilespmem:$0x1FF60] =	vst v0;
	v0 =	vsel vm5, v12, v54;
	v12 =	vmin.f32 v21, $2.046873660e+03  }
0x119: {  	s0 =	sor.u32 s11, s0;
	[tilespmem:$0x1FF70] =	vst v0;
	v0 =	vsel vm6, v20, v16;
	v12 =	vmax.f32 v12, $1.126399990e+00;
	v8 =	vadd.f32 v59, v8  }
0x11a: {  	v61 =	vld [tilespmem:s0+$0x200];
	v34 =	vmul.f32 v1, v35;
	v62 =	vpop (erf);
	[tilespmem:$0x1FF80] =	vst v0;
	v25 =	vsub.f32 $4.096000000e+03, v12;
	v0 =	vsel vm7, v24, v23  }
0x11b: {  	v52 =	vld [tilespmem:s0+$0x100];
	v26 =	vmul.f32 v1, v33;
	[tilespmem:$0x1FF90] =	vst v0;
	v0 =	vmin.f32 v27, $2.046873660e+03;
	v8 =	vadd.f32 v62, v8  }
0x11c: {  	v35 =	vld [tilespmem:s0+$0x0];
	v28 =	vsel vm8, v25, v12;
	v0 =	vmax.f32 v0, $1.126399990e+00;
	v12 =	vmin.f32 v30, $2.046873660e+03  }
0x11d: {  	v1 =	vmul.f32 v1, v37;
	v37 =	vld [tilespmem:s0+$0x80];
	v58 =	vpop (erf);
	v32 =	vsub.f32 $4.096000000e+03, v0;
	v12 =	vmax.f32 v12, $1.126399990e+00  }
0x11e: {  	vm10 =	veq.s32 v7, $0xF;
	v20 =	vld [tilespmem:s0+$0x280];
	v8 =	vadd.f32 v58, v8;
	v33 =	vsub.f32 $4.096000000e+03, v12  }
0x11f: {  	vm9 =	veq.s32 v7, $0xE;
	vm11 =	veq.s32 v7, $0x10;
	s12 =	sor.u32 s12, s6;
	v25 =	vld [tilespmem:s0+$0x380];
	v60 =	vpop (erf);
	v0 =	vsel vm10, v32, v0  }
0x120: {  	v48 =	vmin.f32 v34, $2.046873660e+03;
	v8 =	vadd.f32 v60, v8;
	[tilespmem:$0x1FFC0] =	vst v0;
	v47 =	vsel vm11, v33, v12;
	v0 =	vld [tilespmem:s12+$0x0]  }
0x121: {  	s3 =	sor.u32 s11, s3;
	v53 =	vmax.f32 v48, $1.126399990e+00;
	v29 =	vmin.f32 v26, $2.046873660e+03;
	[tilespmem:$0x1FFD0] =	vst v47;
	v47 =	vld [tilespmem:s0+$0x180]  }
0x122: {  	v57 =	vmul.f32 $1.442695020e+00, v35;
	(erf) = vrcp.f32 v8;
	v8 =	vmax.f32 v29, $1.126399990e+00;
	v29 =	vld [tilespmem:s3+$0x0];
	s3 =	sor.u32 s11, s23  }
0x123: {  	v54 =	vsub.f32 $4.096000000e+03, v53;
	v19 =	vmul.f32 $1.442695020e+00, v37;
	v31 =	vsub.f32 $4.096000000e+03, v8;
	v35 =	vld [tilespmem:s3+$0x0];
	s3 =	sor.u32 s11, s19  }
0x124: {  	s24 =	sor.u32 s11, s24;
	v21 =	vmul.f32 $1.442695020e+00, v52;
	v1 =	vmin.f32 v1, $2.046873660e+03;
	(erf) = vpow2.f32 v57;
	v57 =	vld [tilespmem:s3+$0x0]  }
0x125: {  	v1 =	vmax.f32 v1, $1.126399990e+00;
	(erf) = vpow2.f32 v19;
	s3 =	sor.u32 s11, s7;
	v36 =	vsel vm9, v31, v8;
	v31 =	vld [tilespmem:s24+$0x0]  }
0x126: {  	vm12 =	veq.s32 v7, $0x11;
	v48 =	vsub.f32 $4.096000000e+03, v1;
	(erf) = vpow2.f32 v21;
	v21 =	vld [tilespmem:s3+$0x0]  }
0x127: {  	s25 =	sor.u32 s11, s9;
	vm13 =	veq.s32 v7, $0x12;
	v18 =	vsel vm12, v54, v53  }
0x128: {  	v34 =	vld [tilespmem:s25+$0x0];
	v27 =	vmul.f32 $1.442695020e+00, v61;
	v1 =	vsel vm13, v48, v1;
	v23 =	vmul.f32 $1.442695020e+00, v47  }
0x129: {  	v16 =	vmul.f32 $1.442695020e+00, v25;
	vm14 =	veq.s32 v0, $0x0;
	v8 =	vmul.f32 $1.442695020e+00, v20  }
0x12a: {  	v24 =	vld [tilespmem:s0+$0x300];
	vm15 =	veq.s32 v0, $0x1;
	vm4 =	veq.s32 v0, $0x2;
	(erf) = vpow2.f32 v23  }
0x12b: {  	vm5 =	veq.s32 v0, $0x3;
	v37 =	vmul.f32 $1.442695020e+00, v31;
	v31 =	vmul.f32 $1.442695020e+00, v21;
	v50 =	vpop (erf)  }
0x12c: {  	vm6 =	veq.s32 v0, $0x4;
	(erf) = vpow2.f32 v27;
	v12 =	vmul.f32 $2.048000000e+03, v50  }
0x12d: {  	vm7 =	veq.s32 v0, $0x5;
	(erf) = vpow2.f32 v8;
	v8 =	vmul.f32 $1.442695020e+00, v34  }
0x12e: {  	vm8 =	veq.s32 v0, $0x6;
	v55 =	vmul.f32 v12, v14;
	v4 =	vmul.f32 v12, v4  }
0x12f: {  	vm9 =	veq.s32 v0, $0x7;
	v5 =	vmul.f32 v12, v5;
	v14 =	vmul.f32 $1.442695020e+00, v24  }
0x130: {  	vm10 =	veq.s32 v0, $0x8;
	v10 =	vmul.f32 v12, v10;
	v6 =	vmul.f32 v12, v6  }
0x131: {  	[tilespmem:$0x1FFE0] =	vst v18;
	vm12 =	veq.s32 v0, $0xA;
	v18 =	vpop (erf);
	v9 =	vmul.f32 v12, v9;
	v11 =	vmul.f32 v12, v11  }
0x132: {  	s25 =	sor.u32 s11, s4;
	s4 =	sor.u32 s11, s20;
	[tilespmem:$0x1FFF0] =	vst v1;
	vm13 =	veq.s32 v0, $0xB;
	v19 =	vpop (erf);
	v45 =	vmul.f32 v12, v45;
	v13 =	vmul.f32 v12, v13  }
0x133: {  	v1 =	vld [tilespmem:s4+$0x0];
	[tilespmem:$0x1FFB0] =	vst v36;
	v36 =	vadd.f32 v19, v18;
	v38 =	vmul.f32 v12, v38;
	v39 =	vmul.f32 v12, v39  }
0x134: {  	v20 =	vpop (erf);
	v7 =	vmin.f32 v55, $2.046873660e+03;
	v4 =	vmin.f32 v4, $2.046873660e+03;
	v30 =	vmin.f32 v5, $2.046873660e+03  }
0x135: {  	(erf) = vpow2.f32 v14;
	v10 =	vmin.f32 v10, $2.046873660e+03;
	v50 =	vadd.f32 v20, v36  }
0x136: {  	s24 =	sor.u32 s11, s21;
	v52 =	vmin.f32 v6, $2.046873660e+03;
	v14 =	vmul.f32 $1.442695020e+00, v35;
	v7 =	vmax.f32 v7, $1.126399990e+00  }
0x137: {  	v53 =	vld [tilespmem:s24+$0x0];
	v9 =	vmin.f32 v9, $2.046873660e+03;
	v11 =	vmin.f32 v11, $2.046873660e+03;
	v26 =	vsub.f32 $4.096000000e+03, v7  }
0x138: {  	v5 =	vmul.f32 $1.442695020e+00, v1;
	v1 =	vmul.f32 v12, v44;
	v38 =	vmin.f32 v38, $2.046873660e+03  }
0x139: {  	(erf) = vpow2.f32 v16;
	v46 =	vsel vm14, v26, v7;
	v7 =	vmul.f32 $1.442695020e+00, v29  }
0x13a: {  	[tilespmem:$0x1FFA0] =	vst v28;
	v39 =	vmin.f32 v39, $2.046873660e+03;
	v28 =	vmax.f32 v4, $1.126399990e+00;
	v4 =	vmax.f32 v30, $1.126399990e+00;
	v24 =	vpop (erf)  }
0x13b: {  	v10 =	vmax.f32 v10, $1.126399990e+00;
	v54 =	vadd.f32 v24, v50;
	(erf) = vpow2.f32 v7  }
0x13c: {  	v61 =	vmax.f32 v9, $1.126399990e+00;
	v16 =	vmul.f32 $1.442695020e+00, v53;
	v11 =	vmax.f32 v11, $1.126399990e+00;
	v25 =	vpop (erf)  }
0x13d: {  	v32 =	vsub.f32 $4.096000000e+03, v28;
	v17 =	vadd.f32 v25, v54;
	(erf) = vpow2.f32 v37  }
0x13e: {  	v55 =	vld [tilespmem:s25+$0x0];
	v30 =	vmul.f32 v12, v43;
	v33 =	vsub.f32 $4.096000000e+03, v4;
	v40 =	vsub.f32 $4.096000000e+03, v10;
	v26 =	vpop (erf)  }
0x13f: {  	v6 =	vsub.f32 $4.096000000e+03, v11;
	v17 =	vadd.f32 v26, v17;
	(erf) = vpow2.f32 v8  }
0x140: {  	v40 =	vsel vm5, v40, v10;
	v10 =	vmax.f32 v52, $1.126399990e+00;
	v52 =	vsub.f32 $4.096000000e+03, v61;
	v27 =	vpop (erf)  }
0x141: {  	v41 =	vsel vm15, v32, v28;
	(erf) = vpow2.f32 v14;
	v2 =	vadd.f32 v27, v17  }
0x142: {  	s24 =	sor.u32 s11, s8;
	v47 =	vsel vm4, v33, v4;
	v50 =	vsub.f32 $4.096000000e+03, v10;
	v53 =	vsel vm7, v52, v61;
	v61 =	vpop (erf)  }
0x143: {  	v3 =	vld [tilespmem:s24+$0x0];
	v48 =	vmul.f32 $1.442695020e+00, v55;
	(erf) = vpow2.f32 v16;
	v16 =	vadd.f32 v61, v2  }
0x144: {  	v29 =	vmin.f32 v13, $2.046873660e+03;
	v37 =	vsel vm6, v50, v10;
	v10 =	vmul.f32 $1.442695020e+00, v57;
	v54 =	vpop (erf)  }
0x145: {  	s25 =	sor.u32 s11, s10;
	(erf) = vpow2.f32 v48;
	v7 =	vadd.f32 v54, v16;
	v16 =	vmin.f32 v45, $2.046873660e+03  }
0x146: {  	v4 =	vld [tilespmem:s25+$0x0];
	v13 =	vmin.f32 v30, $2.046873660e+03;
	v57 =	vsel vm8, v6, v11;
	v55 =	vpop (erf);
	v11 =	vmax.f32 v16, $1.126399990e+00  }
0x147: {  	(erf) = vpow2.f32 v10;
	v10 =	vadd.f32 v55, v7;
	v28 =	vsub.f32 $4.096000000e+03, v11  }
0x148: {  	vm15 =	veq.s32 v0, $0xD;
	v14 =	vmul.f32 $1.442695020e+00, v3;
	(erf) = vpow2.f32 v5;
	v52 =	vpop (erf)  }
0x149: {  	v10 =	vadd.f32 v52, v10;
	v36 =	vsel vm9, v28, v11;
	v11 =	vmax.f32 v29, $1.126399990e+00  }
0x14a: {  	vm4 =	veq.s32 v0, $0xE;
	vm5 =	veq.s32 v0, $0xF;
	v50 =	vpop (erf);
	v45 =	vsub.f32 $4.096000000e+03, v11  }
0x14b: {  	v23 =	vmul.f32 $1.442695020e+00, v4;
	(erf) = vpow2.f32 v14;
	v10 =	vadd.f32 v50, v10  }
0x14c: {  	v6 =	vmax.f32 v38, $1.126399990e+00;
	v3 =	vmin.f32 v1, $2.046873660e+03;
	v2 =	vmax.f32 v13, $1.126399990e+00;
	v48 =	vpop (erf)  }
0x14d: {  	v13 =	vmax.f32 v3, $1.126399990e+00;
	(erf) = vpow2.f32 v23;
	v10 =	vadd.f32 v48, v10  }
0x14e: {  	v21 =	vsub.f32 $4.096000000e+03, v6;
	v5 =	vsub.f32 $4.096000000e+03, v13;
	v35 =	vsel vm10, v45, v11;
	v45 =	vpop (erf)  }
0x14f: {  	v7 =	vmul.f32 v12, v63;
	(erf) = vpow2.f32 v31;
	v10 =	vadd.f32 v45, v10  }
0x150: {  	v33 =	vsel vm12, v5, v13;
	v23 =	vmax.f32 v39, $1.126399990e+00;
	v31 =	vmul.f32 v12, v59;
	v44 =	vpop (erf)  }
0x151: {  	v13 =	vtrunc.f32 v51;
	v1 =	vmin.f32 v7, $2.046873660e+03;
	v10 =	vadd.f32 v44, v10  }
0x152: {  	v29 =	vmul.f32 v12, v42;
	v1 =	vmax.f32 v1, $1.126399990e+00;
	v3 =	vmin.f32 v31, $2.046873660e+03;
	v43 =	vpop (erf)  }
0x153: {  	v30 =	vsub.f32 $4.096000000e+03, v1;
	v3 =	vmax.f32 v3, $1.126399990e+00;
	v10 =	vadd.f32 v43, v10  }
0x154: {  	v5 =	vmin.f32 v29, $2.046873660e+03;
	v9 =	vsub.f32 $4.096000000e+03, v3;
	v11 =	vmul.f32 v12, v58;
	v38 =	vpop (erf)  }
0x155: {  	v59 =	vsel vm15, v30, v1;
	v1 =	vmax.f32 v5, $1.126399990e+00;
	v10 =	vadd.f32 v38, v10  }
0x156: {  	v63 =	vsel vm13, v21, v6;
	v6 =	vmul.f32 v12, v62;
	v7 =	vsub.f32 $4.096000000e+03, v1;
	v39 =	vpop (erf)  }
0x157: {  	v62 =	vsel vm5, v9, v3;
	v3 =	vmin.f32 v11, $2.046873660e+03;
	v10 =	vadd.f32 v39, v10  }
0x158: {  	v3 =	vmax.f32 v3, $1.126399990e+00;
	v31 =	vsel vm4, v7, v1;
	v1 =	vmul.f32 v12, v60;
	v42 =	vpop (erf)  }
0x159: {  	v60 =	vcvt.f32.s32 v13;
	v17 =	vsub.f32 $4.096000000e+03, v3;
	v13 =	vld [tilespmem:$0x1FE30];
	v10 =	vadd.f32 v42, v10  }
0x15a: {  	vm11 =	veq.s32 v0, $0x9;
	vm7 =	veq.s32 v0, $0x11;
	v4 =	vsub.f32 $4.096000000e+03, v2;
	v14 =	vld [tilespmem:$0x1FDD0]  }
0x15b: {  	vm14 =	veq.s32 v0, $0xC;
	v30 =	vsel vm7, v17, v3;
	v17 =	vld [tilespmem:$0x1FE50];
	(erf) = vrcp.f32 v10  }
0x15c: {  	vm6 =	veq.s32 v0, $0x10;
	v34 =	vsel vm11, v4, v2;
	v16 =	vld [tilespmem:$0x1FDE0];
	v2 =	vmin.f32 v6, $2.046873660e+03  }
0x15d: {  	vm8 =	veq.s32 v0, $0x12;
	v28 =	vsub.f32 $4.096000000e+03, v23;
	v2 =	vmax.f32 v2, $1.126399990e+00;
	v9 =	vld [tilespmem:$0x1FE20]  }
0x15e: {  	v21 =	vld [tilespmem:$0x1FDF0];
	v12 =	vtrunc.f32 v49;
	v0 =	vtrunc.f32 v13;
	v10 =	vsub.f32 $4.096000000e+03, v2  }
0x15f: {  	v32 =	vsel vm14, v28, v23;
	v15 =	vcvt.f32.s32 v12;
	v5 =	vcvt.f32.s32 v0  }
0x160: {  	v23 =	vld [tilespmem:$0x1FE00];
	v0 =	vtrunc.f32 v17;
	v58 =	vsel vm6, v10, v2;
	v2 =	vtrunc.f32 v14  }
0x161: {  	v28 =	vld [tilespmem:$0x1FE10];
	v6 =	vcvt.f32.s32 v2;
	v2 =	vtrunc.f32 v16  }
0x162: {  	v10 =	vtrunc.f32 v9;
	v7 =	vcvt.f32.s32 v2  }
0x163: {  	v2 =	vtrunc.f32 v21;
	v21 =	vtrunc.f32 v22;
	v22 =	vld [tilespmem:$0x1FE60]  }
0x164: {  	v49 =	vcvt.f32.s32 v10;
	v8 =	vcvt.f32.s32 v2;
	v29 =	vpop (erf)  }
0x165: {  	v2 =	vtrunc.f32 v23;
	v3 =	vmul.f32 $2.048000000e+03, v29  }
0x166: {  	s6 =	sor.u32 s11, s6;
	v12 =	vcvt.f32.s32 v2;
	v2 =	vtrunc.f32 v28;
	v28 =	vld [tilespmem:$0x1FE70]  }
0x167: {  	v1 =	vmin.f32 v1, $2.046873660e+03;
	v4 =	vcvt.f32.s32 v2;
	v2 =	vld [tilespmem:s6+$0x0];
	v18 =	vmul.f32 v3, v18  }
0x168: {  	v1 =	vmax.f32 v1, $1.126399990e+00;
	v10 =	vcvt.f32.s32 v0;
	v0 =	vtrunc.f32 v22;
	v22 =	vld [tilespmem:$0x1FE90]  }
0x169: {  	v11 =	vsub.f32 $4.096000000e+03, v1;
	v14 =	vld [tilespmem:$0x1FE40];
	v18 =	vmin.f32 v18, $2.046873660e+03  }
0x16a: {  	v17 =	vld [tilespmem:$0x1FE80];
	v18 =	vmax.f32 v18, $1.126399990e+00  }
0x16b: {  	v51 =	vsel vm8, v11, v1;
	v23 =	vsub.f32 $4.096000000e+03, v18  }
0x16c: {  	v13 =	vcvt.f32.s32 v21;
	v11 =	vtrunc.f32 v28;
	v28 =	vld [tilespmem:$0x1FEA0];
	vm9 =	veq.s32 v2, $0x0  }
0x16d: {  	v19 =	vmul.f32 v3, v19;
	v29 =	vsel vm9, v23, v18;
	v23 =	vtrunc.f32 v22;
	v22 =	vld [tilespmem:$0x1FEB0]  }
0x16e: {  	v16 =	vtrunc.f32 v14;
	v14 =	vcvt.f32.s32 v0  }
0x16f: {  	v0 =	vtrunc.f32 v17;
	v20 =	vmul.f32 v3, v20;
	v21 =	vmin.f32 v19, $2.046873660e+03  }
0x170: {  	v9 =	vcvt.f32.s32 v16;
	v16 =	vcvt.f32.s32 v0;
	v18 =	vmax.f32 v21, $1.126399990e+00  }
0x171: {  	vm10 =	veq.s32 v2, $0x1;
	v20 =	vmin.f32 v20, $2.046873660e+03;
	v17 =	vsub.f32 $4.096000000e+03, v18  }
0x172: {  	s9 =	simm.s32 $0x7400;
	[tilespmem:v15+s31+$0x0] =	vst.idx.add.s32.msk $0xffff, v56;
	v20 =	vmax.f32 v20, $1.126399990e+00;
	v0 =	vtrunc.f32 v28;
	v1 =	vtrunc.f32 v22  }
0x173: {  	[tilespmem:v60+s9+$0x0] =	vst.idx.add.s32.msk $0xffff, v56;
	v28 =	vsel vm10, v17, v18;
	v17 =	vcvt.f32.s32 v1;
	v1 =	vsub.f32 $4.096000000e+03, v20  }
0x174: {  	v60 =	vld [tilespmem:$0x1FF10];
	vm11 =	veq.s32 v2, $0x2  }
0x175: {  	s4 =	simm.s32 $0x8400;
	v15 =	vsel vm11, v1, v20;
	v20 =	vld [tilespmem:$0x1FF00]  }
0x176: {  	s8 =	simm.s32 $0x9400;
	[tilespmem:v6+s4+$0x0] =	vst.idx.add.s32.msk $0xffff, v56  }
0x177: {  	s25 =	simm.s32 $0xA400;
	[tilespmem:v7+s8+$0x0] =	vst.idx.add.s32.msk $0xffff, v56;
	v24 =	vmul.f32 v3, v24  }
0x178: {  	[tilespmem:v8+s25+$0x0] =	vst.idx.add.s32.msk $0xffff, v56  }
0x179: {  	v6 =	vmin.f32 v24, $2.046873660e+03;
	v24 =	vld [tilespmem:$0x1FF20]  }
0x17a: {  	s24 =	simm.s32 $0xB400;
	v1 =	vtrunc.f32 v20;
	v20 =	vtrunc.f32 v60;
	v60 =	vld [tilespmem:$0x1FF30]  }
0x17b: {  	s7 =	simm.s32 $0xC400;
	[tilespmem:v12+s24+$0x0] =	vst.idx.add.s32.msk $0xffff, v56  }
0x17c: {  	[tilespmem:v4+s7+$0x0] =	vst.idx.add.s32.msk $0xffff, v56  }
0x17d: {  	s10 =	simm.s32 $0xD400;
	v19 =	vcvt.f32.s32 v23;
	v23 =	vld [tilespmem:$0x1FEC0]  }
0x17e: {  	[tilespmem:v49+s10+$0x0] =	vst.idx.add.s32.msk $0xffff, v56  }
0x17f: {  	v7 =	vtrunc.f32 v24;
	v24 =	vtrunc.f32 v60;
	v60 =	vld [tilespmem:$0x1FF40]  }
0x180: {  	v49 =	vld [tilespmem:$0x1FF60]  }
0x181: {  	v22 =	vld [tilespmem:$0x1FED0]  }
0x182: {  	s11 =	simm.s32 $0xE400;
	v18 =	vtrunc.f32 v23;
	v23 =	vld [tilespmem:$0x1FEE0]  }
0x183: {  	s12 =	simm.s32 $0xF400;
	[tilespmem:v5+s11+$0x0] =	vst.idx.add.s32.msk $0xffff, v56  }
0x184: {  	[tilespmem:v9+s12+$0x0] =	vst.idx.add.s32.msk $0xffff, v56;
	v12 =	vtrunc.f32 v60  }
0x185: {  	s13 =	simm.s32 $0x10400;
	v11 =	vcvt.f32.s32 v11;
	v4 =	vcvt.f32.s32 v12;
	v12 =	vld [tilespmem:$0x1FF50]  }
0x186: {  	s19 =	simm.s32 $0x11400;
	[tilespmem:v10+s13+$0x0] =	vst.idx.add.s32.msk $0xffff, v56;
	v21 =	vcvt.f32.s32 v0;
	v0 =	vtrunc.f32 v22  }
0x187: {  	v6 =	vmax.f32 v6, $1.126399990e+00;
	[tilespmem:v13+s19+$0x0] =	vst.idx.add.s32.msk $0xffff, v56;
	v22 =	vcvt.f32.s32 v0;
	v0 =	vtrunc.f32 v23  }
0x188: {  	s20 =	simm.s32 $0x12400;
	v8 =	vcvt.f32.s32 v7;
	v7 =	vsub.f32 $4.096000000e+03, v6;
	v23 =	vcvt.f32.s32 v0;
	v0 =	vld [tilespmem:$0x1FEF0]  }
0x189: {  	vm12 =	veq.s32 v2, $0x3;
	[tilespmem:v14+s20+$0x0] =	vst.idx.add.s32.msk $0xffff, v56  }
0x18a: {  	v25 =	vmul.f32 v3, v25;
	v6 =	vsel vm12, v7, v6;
	v60 =	vld [tilespmem:$0x1FF70];
	v7 =	vtrunc.f32 v12  }
0x18b: {  	s21 =	simm.s32 $0x13400;
	v12 =	vcvt.f32.s32 v7;
	v7 =	vtrunc.f32 v49;
	v49 =	vld [tilespmem:$0x1FF80]  }
0x18c: {  	s23 =	simm.s32 $0x14400;
	v46 =	vtrunc.f32 v46;
	[tilespmem:v11+s21+$0x0] =	vst.idx.add.s32.msk $0xffff, v56  }
0x18d: {  	v53 =	vtrunc.f32 v53;
	v25 =	vmin.f32 v25, $2.046873660e+03;
	[tilespmem:v16+s23+$0x0] =	vst.idx.add.s32.msk $0xffff, v56;
	v0 =	vtrunc.f32 v0  }
0x18e: {  	v32 =	vtrunc.f32 v32;
	v25 =	vmax.f32 v25, $1.126399990e+00;
	[tilespmem:v19+s15+$0x0] =	vst.idx.add.s32.msk $0xffff, v56;
	v0 =	vcvt.f32.s32 v0  }
0x18f: {  	[tilespmem:v21+s16+$0x0] =	vst.idx.add.s32.msk $0xffff, v56;
	v5 =	vcvt.f32.s32 v7;
	v7 =	vtrunc.f32 v60;
	v60 =	vsub.f32 $4.096000000e+03, v25  }
0x190: {  	vm13 =	veq.s32 v2, $0x4;
	v9 =	vcvt.f32.s32 v7;
	v7 =	vtrunc.f32 v49;
	v49 =	vld [tilespmem:$0x1FFA0]  }
0x191: {  	v1 =	vcvt.f32.s32 v1;
	v10 =	vcvt.f32.s32 v7;
	v7 =	vsel vm13, v60, v25;
	v25 =	vld [tilespmem:$0x1FF90]  }
0x192: {  	v31 =	vtrunc.f32 v31;
	v20 =	vcvt.f32.s32 v20;
	[tilespmem:v22+s31+$0x0] =	vst.idx.add.s32.msk $0xffff, v56  }
0x193: {  	v26 =	vmul.f32 v3, v26;
	v27 =	vmul.f32 v3, v27;
	[tilespmem:v23+s9+$0x0] =	vst.idx.add.s32.msk $0xffff, v56  }
0x194: {  	v44 =	vmul.f32 v3, v44;
	v28 =	vtrunc.f32 v28;
	[tilespmem:v0+s4+$0x0] =	vst.idx.add.s32.msk $0xffff, v56  }
0x195: {  	v6 =	vtrunc.f32 v6;
	v24 =	vcvt.f32.s32 v24;
	v60 =	vmin.f32 v26, $2.046873660e+03;
	v26 =	vld [tilespmem:$0x1FFB0]  }
0x196: {  	v13 =	vtrunc.f32 v25;
	v25 =	vtrunc.f32 v49;
	v49 =	vld [tilespmem:$0x1FFC0]  }
0x197: {  	v6 =	vcvt.f32.s32 v6;
	[tilespmem:v1+s8+$0x0] =	vst.idx.add.s32.msk $0xffff, v56;
	v14 =	vcvt.f32.s32 v25;
	v25 =	vmax.f32 v60, $1.126399990e+00  }
0x198: {  	v18 =	vcvt.f32.s32 v18;
	v15 =	vtrunc.f32 v15;
	[tilespmem:v20+s25+$0x0] =	vst.idx.add.s32.msk $0xffff, v56;
	v60 =	vsub.f32 $4.096000000e+03, v25  }
0x199: {  	vm14 =	veq.s32 v2, $0x5;
	v15 =	vcvt.f32.s32 v15;
	v22 =	vcvt.f32.s32 v46;
	[tilespmem:v8+s24+$0x0] =	vst.idx.add.s32.msk $0xffff, v56  }
0x19a: {  	v46 =	vtrunc.f32 v47;
	v47 =	vtrunc.f32 v40;
	v21 =	vsel vm14, v60, v25;
	v60 =	vld [tilespmem:$0x1FFE0]  }
0x19b: {  	v11 =	vtrunc.f32 v26;
	v26 =	vtrunc.f32 v49;
	v49 =	vld [tilespmem:$0x1FFD0]  }
0x19c: {  	v40 =	vmul.f32 v3, v54;
	v1 =	vcvt.f32.s32 v46;
	[tilespmem:v24+s7+$0x0] =	vst.idx.add.s32.msk $0xffff, v56  }
0x19d: {  	vm15 =	veq.s32 v2, $0x6;
	v46 =	vtrunc.f32 v35;
	v20 =	vcvt.f32.s32 v53;
	[tilespmem:v4+s10+$0x0] =	vst.idx.add.s32.msk $0xffff, v56  }
0x19e: {  	vm4 =	veq.s32 v2, $0x7;
	v53 =	vtrunc.f32 v33;
	[tilespmem:v12+s11+$0x0] =	vst.idx.add.s32.msk $0xffff, v56;
	v7 =	vtrunc.f32 v7  }
0x19f: {  	vm5 =	veq.s32 v2, $0x8;
	[tilespmem:v5+s12+$0x0] =	vst.idx.add.s32.msk $0xffff, v56;
	v5 =	vcvt.f32.s32 v46;
	v7 =	vcvt.f32.s32 v7  }
0x1a0: {  	v25 =	vtrunc.f32 v60;
	v60 =	vmin.f32 v27, $2.046873660e+03;
	v19 =	vtrunc.f32 v49;
	v49 =	vld [tilespmem:$0x1FFF0]  }
0x1a1: {  	[tilespmem:v9+s13+$0x0] =	vst.idx.add.s32.msk $0xffff, v56;
	v13 =	vcvt.f32.s32 v13;
	v16 =	vcvt.f32.s32 v26;
	v26 =	vmax.f32 v60, $1.126399990e+00  }
0x1a2: {  	v11 =	vcvt.f32.s32 v11;
	[tilespmem:v10+s19+$0x0] =	vst.idx.add.s32.msk $0xffff, v56;
	v10 =	vcvt.f32.s32 v53;
	v60 =	vsub.f32 $4.096000000e+03, v26  }
0x1a3: {  	vm6 =	veq.s32 v2, $0x9;
	[tilespmem:v17+s17+$0x0] =	vst.idx.add.s32.msk $0xffff, v56;
	v53 =	vtrunc.f32 v51;
	v17 =	vcvt.f32.s32 v25  }
0x1a4: {  	v19 =	vcvt.f32.s32 v19;
	v0 =	vsel vm15, v60, v26;
	v26 =	vcvt.f32.s32 v47  }
0x1a5: {  	vm7 =	veq.s32 v2, $0xA;
	v25 =	vtrunc.f32 v49;
	v49 =	vtrunc.f32 v41  }
0x1a6: {  	vm8 =	veq.s32 v2, $0xB;
	[tilespmem:v18+s18+$0x0] =	vst.idx.add.s32.msk $0xffff, v56;
	v41 =	vmul.f32 v3, v61;
	v61 =	vtrunc.f32 v57  }
0x1a7: {  	vm9 =	veq.s32 v2, $0xC;
	[tilespmem:v22+s31+$0x0] =	vst.idx.add.s32.msk $0xffff, v56;
	v57 =	vmul.f32 v3, v55;
	v55 =	vtrunc.f32 v29  }
0x1a8: {  	vm10 =	veq.s32 v2, $0xD;
	[tilespmem:v13+s20+$0x0] =	vst.idx.add.s32.msk $0xffff, v56;
	v18 =	vcvt.f32.s32 v25;
	v23 =	vcvt.f32.s32 v49  }
0x1a9: {  	[tilespmem:v14+s21+$0x0] =	vst.idx.add.s32.msk $0xffff, v56;
	v49 =	vtrunc.f32 v37;
	v25 =	vmin.f32 v41, $2.046873660e+03;
	v41 =	vtrunc.f32 v36  }
0x1aa: {  	vm12 =	veq.s32 v2, $0xF;
	[tilespmem:v11+s23+$0x0] =	vst.idx.add.s32.msk $0xffff, v56;
	v24 =	vcvt.f32.s32 v61;
	v12 =	vcvt.f32.s32 v41  }
0x1ab: {  	vm11 =	veq.s32 v2, $0xE;
	[tilespmem:v16+s15+$0x0] =	vst.idx.add.s32.msk $0xffff, v56;
	v41 =	vtrunc.f32 v58;
	v58 =	vcvt.f32.s32 v55  }
0x1ac: {  	vm13 =	veq.s32 v2, $0x10;
	v61 =	vtrunc.f32 v59;
	v8 =	vcvt.f32.s32 v49;
	[tilespmem:v19+s16+$0x0] =	vst.idx.add.s32.msk $0xffff, v56  }
0x1ad: {  	v47 =	vmin.f32 v40, $2.046873660e+03;
	v11 =	vcvt.f32.s32 v61;
	v61 =	vcvt.f32.s32 v28;
	[tilespmem:v17+s17+$0x0] =	vst.idx.add.s32.msk $0xffff, v56  }
0x1ae: {  	v16 =	vcvt.f32.s32 v31;
	v27 =	vmax.f32 v47, $1.126399990e+00;
	v47 =	vtrunc.f32 v30;
	[tilespmem:v23+s9+$0x0] =	vst.idx.add.s32.msk $0xffff, v56  }
0x1af: {  	vm14 =	veq.s32 v2, $0x11;
	v0 =	vtrunc.f32 v0;
	v29 =	vmul.f32 v3, v48;
	[tilespmem:v1+s4+$0x0] =	vst.idx.add.s32.msk $0xffff, v56  }
0x1b0: {  	v54 =	vsub.f32 $4.096000000e+03, v27;
	v0 =	vcvt.f32.s32 v0;
	v37 =	vmul.f32 v3, v52;
	[tilespmem:v26+s8+$0x0] =	vst.idx.add.s32.msk $0xffff, v56  }
0x1b1: {  	vm15 =	veq.s32 v2, $0x12;
	v52 =	vcvt.f32.s32 v47;
	v59 =	vmul.f32 v3, v50;
	[tilespmem:v58+s31+$0x0] =	vst.idx.add.s32.msk $0xffff, v56  }
0x1b2: {  	v49 =	vtrunc.f32 v34;
	v13 =	vsel vm5, v54, v27;
	v27 =	vcvt.f32.s32 v32;
	[tilespmem:v8+s25+$0x0] =	vst.idx.add.s32.msk $0xffff, v56  }
0x1b3: {  	v36 =	vtrunc.f32 v62;
	v54 =	vcvt.f32.s32 v53;
	v25 =	vmax.f32 v25, $1.126399990e+00;
	[tilespmem:v61+s9+$0x0] =	vst.idx.add.s32.msk $0xffff, v56  }
0x1b4: {  	v28 =	vtrunc.f32 v21;
	v31 =	vmin.f32 v29, $2.046873660e+03;
	v60 =	vsub.f32 $4.096000000e+03, v25;
	[tilespmem:v20+s24+$0x0] =	vst.idx.add.s32.msk $0xffff, v56  }
0x1b5: {  	v9 =	vcvt.f32.s32 v49;
	v19 =	vcvt.f32.s32 v36;
	v49 =	vmin.f32 v37, $2.046873660e+03;
	[tilespmem:v15+s4+$0x0] =	vst.idx.add.s32.msk $0xffff, v56  }
0x1b6: {  	v4 =	vsel vm4, v60, v25;
	v60 =	vtrunc.f32 v63;
	v25 =	vmin.f32 v57, $2.046873660e+03;
	[tilespmem:v24+s7+$0x0] =	vst.idx.add.s32.msk $0xffff, v56  }
0x1b7: {  	v32 =	vtrunc.f32 v13;
	v14 =	vcvt.f32.s32 v60;
	v25 =	vmax.f32 v25, $1.126399990e+00;
	[tilespmem:v6+s8+$0x0] =	vst.idx.add.s32.msk $0xffff, v56  }
0x1b8: {  	v36 =	vmul.f32 v3, v45;
	v30 =	vmax.f32 v49, $1.126399990e+00;
	v63 =	vsub.f32 $4.096000000e+03, v25;
	[tilespmem:v12+s10+$0x0] =	vst.idx.add.s32.msk $0xffff, v56  }
0x1b9: {  	v55 =	vmul.f32 v3, v39;
	v46 =	vcvt.f32.s32 v41;
	v57 =	vsub.f32 $4.096000000e+03, v30;
	[tilespmem:v7+s25+$0x0] =	vst.idx.add.s32.msk $0xffff, v56  }
0x1ba: {  	v40 =	vsel vm6, v63, v25;
	v25 =	vmin.f32 v59, $2.046873660e+03;
	v12 =	vcvt.f32.s32 v28;
	[tilespmem:v5+s11+$0x0] =	vst.idx.add.s32.msk $0xffff, v56  }
0x1bb: {  	v41 =	vmin.f32 v36, $2.046873660e+03;
	v4 =	vtrunc.f32 v4;
	v62 =	vmax.f32 v25, $1.126399990e+00;
	[tilespmem:v9+s12+$0x0] =	vst.idx.add.s32.msk $0xffff, v56  }
0x1bc: {  	v60 =	vsel vm7, v57, v30;
	v4 =	vcvt.f32.s32 v4;
	v63 =	vsub.f32 $4.096000000e+03, v62;
	[tilespmem:v10+s13+$0x0] =	vst.idx.add.s32.msk $0xffff, v56  }
0x1bd: {  	v35 =	vtrunc.f32 v60;
	v59 =	vmin.f32 v55, $2.046873660e+03;
	v33 =	vtrunc.f32 v40;
	[tilespmem:v14+s19+$0x0] =	vst.idx.add.s32.msk $0xffff, v56  }
0x1be: {  	v40 =	vcvt.f32.s32 v35;
	v30 =	vsel vm8, v63, v62;
	v9 =	vmax.f32 v31, $1.126399990e+00;
	[tilespmem:v27+s20+$0x0] =	vst.idx.add.s32.msk $0xffff, v56  }
0x1bf: {  	v37 =	vcvt.f32.s32 v33;
	v5 =	vtrunc.f32 v30;
	v34 =	vsub.f32 $4.096000000e+03, v9;
	[tilespmem:v11+s21+$0x0] =	vst.idx.add.s32.msk $0xffff, v56  }
0x1c0: {  	v10 =	vcvt.f32.s32 v32;
	v5 =	vcvt.f32.s32 v5;
	v14 =	vmax.f32 v41, $1.126399990e+00;
	[tilespmem:v12+s24+$0x0] =	vst.idx.add.s32.msk $0xffff, v56  }
0x1c1: {  	v9 =	vsel vm9, v34, v9;
	v45 =	vsub.f32 $4.096000000e+03, v14;
	[tilespmem:v16+s23+$0x0] =	vst.idx.add.s32.msk $0xffff, v56;
	v16 =	vmin.f32 v44, $2.046873660e+03  }
0x1c2: {  	v9 =	vtrunc.f32 v9;
	v12 =	vmax.f32 v59, $1.126399990e+00;
	[tilespmem:v19+s15+$0x0] =	vst.idx.add.s32.msk $0xffff, v56;
	v16 =	vmax.f32 v16, $1.126399990e+00  }
0x1c3: {  	v9 =	vcvt.f32.s32 v9;
	[tilespmem:v46+s16+$0x0] =	vst.idx.add.s32.msk $0xffff, v56;
	v46 =	vmul.f32 v3, v43;
	v47 =	vsub.f32 $4.096000000e+03, v16  }
0x1c4: {  	v14 =	vsel vm10, v45, v14;
	v61 =	vsub.f32 $4.096000000e+03, v12;
	[tilespmem:v52+s17+$0x0] =	vst.idx.add.s32.msk $0xffff, v56;
	v52 =	vmul.f32 v3, v38  }
0x1c5: {  	[tilespmem:v18+s18+$0x0] =	vst.idx.add.s32.msk $0xffff, v56;
	v3 =	vmul.f32 v3, v42;
	v18 =	vmin.f32 v46, $2.046873660e+03;
	v50 =	vsel vm11, v47, v16  }
0x1c6: {  	v49 =	vmax.f32 v18, $1.126399990e+00;
	v8 =	vtrunc.f32 v50;
	v58 =	vmin.f32 v52, $2.046873660e+03  }
0x1c7: {  	[tilespmem:v0+s7+$0x0] =	vst.idx.add.s32.msk $0xffff, v56;
	v51 =	vsub.f32 $4.096000000e+03, v49;
	v53 =	vcvt.f32.s32 v8;
	v8 =	vmax.f32 v58, $1.126399990e+00  }
0x1c8: {  	v48 =	vtrunc.f32 v14;
	[tilespmem:v4+s10+$0x0] =	vst.idx.add.s32.msk $0xffff, v56;
	v3 =	vmin.f32 v3, $2.046873660e+03;
	v60 =	vsub.f32 $4.096000000e+03, v8  }
0x1c9: {  	v1 =	vcvt.f32.s32 v48;
	[tilespmem:v54+s18+$0x0] =	vst.idx.add.s32.msk $0xffff, v56;
	v3 =	vmax.f32 v3, $1.126399990e+00;
	v54 =	vsel vm12, v51, v49  }
0x1ca: {  	[tilespmem:v10+s11+$0x0] =	vst.idx.add.s32.msk $0xffff, v56;
	v62 =	vsub.f32 $4.096000000e+03, v3;
	v57 =	vtrunc.f32 v54;
	v0 =	vsel vm13, v60, v8  }
0x1cb: {  	v4 =	vsel vm14, v61, v12;
	[tilespmem:v37+s12+$0x0] =	vst.idx.add.s32.msk $0xffff, v56;
	v7 =	vcvt.f32.s32 v57;
	v0 =	vtrunc.f32 v0  }
0x1cc: {  	v63 =	vtrunc.f32 v4;
	[tilespmem:v40+s13+$0x0] =	vst.idx.add.s32.msk $0xffff, v56;
	v3 =	vsel vm15, v62, v3;
	v0 =	vcvt.f32.s32 v0  }
0x1cd: {  	v2 =	vcvt.f32.s32 v63;
	[tilespmem:v5+s19+$0x0] =	vst.idx.add.s32.msk $0xffff, v56;
	v3 =	vtrunc.f32 v3  }
0x1ce: {  	s1 =	sadd.s32 $0x4, s1;
	[tilespmem:v9+s20+$0x0] =	vst.idx.add.s32.msk $0xffff, v56;
	v3 =	vcvt.f32.s32 v3  }
0x1cf: {  	p0 =	slt.u32 s1, $0x1C;
	[tilespmem:v1+s21+$0x0] =	vst.idx.add.s32.msk $0xffff, v56  }
.Ltmp1:
0x1d0: {  	[tilespmem:v53+s23+$0x0] =	vst.idx.add.s32.msk $0xffff, v56;
	(pc) =	sbr.rel @p0 .LBB2_5-.Ltmp1, $4  }
0x1d1: {  	[tilespmem:v7+s15+$0x0] =	vst.idx.add.s32.msk $0xffff, v56  }
0x1d2: {  	[tilespmem:v0+s16+$0x0] =	vst.idx.add.s32.msk $0xffff, v56  }
0x1d3: {  	[tilespmem:v2+s17+$0x0] =	vst.idx.add.s32.msk $0xffff, v56  }
0x1d4: {  	s5 =	sadd.s32 $0x40, s5;
	s2 =	sadd.s32 $0x200, s2;
	[tilespmem:v3+s18+$0x0] =	vst.idx.add.s32.msk $0xffff, v56  }
0x1d5: {  	s0 =	rddreg [dreg:$0x1a]  }
0x1d6: {  	p0 =	seq.s32 s0, $0x1F  }
0x1d7: {  	s0 =	sadd.s32 @!p0 $0x2, s22  }
0x1d8: {  	s3 =	simm.s32 $0x2;
	s1 =	sadd.s32 @!p0 s30, s0  }
0x1d9: {  	_ =	swait.ge [sflag:s3], $0x2600;
	s1 =	sshll.u32 @!p0 s1, $0x9  }
0x1da: {  	[sflag:s3] =	ssyncset.done $0x0;
	s0 =	sshll.u32 @!p0 s0, $0x7;
	s1 =	sand.u32 @!p0 $0x7F000, s1  }
0x1db: {  	[sflag:s3] =	ssyncadd.s32 $0xFFFFDA00;
	s0 =	sand.u32 @!p0 $0x300, s0;
	s2 =	sadd.s32 @!p0 s28, s1  }
0x1dc: {  	s4 =	simm.s32 @!p0 $0x40000;
	_ =	swait.ge [sflag:s3], $0x200;
	s2 =	sor.u32 @!p0 s0, s2  }
0x1dd: {  	s5 =	simm.s32 @!p0 $0x0;
	[sflag:s3] =	ssyncset.done $0x0;
	s2 =	sshrl.u32 @!p0 s2, $0x3  }
0x1de: {  	[sflag:s3] =	ssyncadd.s32 $0xFFFFFE00;
	s3 =	simm.s32 @!p0 $0x80;
	s2 =	sadd.s32 @!p0 s14, s2  }
0x1df: {  	[tilespmem:s5], [sflag:$0x1] =	stream.strided.gather @!p0 [hbm4b:s2+s3], $0x400, s4, s3, $0x38;
	[tilespmem:$0x19400] =	vst v63  }
0x1e0: {  	s7 =	simm.s32 @!p0 $0x400;
	s6 =	sadd.s32 @!p0 $0x80, s2  }
0x1e1: {  	[tilespmem:s7], [sflag:$0x1] =	stream.strided.gather @!p0 [hbm4b:s6+s3], $0x400, s4, s3, $0x38;
	[tilespmem:$0x19400] =	vst v63  }
0x1e2: {  	s6 =	sadd.s32 @!p0 $0x100, s2;
	s7 =	simm.s32 @!p0 $0x800  }
0x1e3: {  	[tilespmem:s7], [sflag:$0x1] =	stream.strided.gather @!p0 [hbm4b:s6+s3], $0x400, s4, s3, $0x38;
	[tilespmem:$0x19400] =	vst v63  }
0x1e4: {  	s6 =	sadd.s32 @!p0 $0x180, s2;
	s7 =	simm.s32 @!p0 $0xC00  }
0x1e5: {  	[tilespmem:s7], [sflag:$0x1] =	stream.strided.gather @!p0 [hbm4b:s6+s3], $0x400, s4, s3, $0x38;
	[tilespmem:$0x19400] =	vst v63  }
0x1e6: {  	s6 =	sadd.s32 @!p0 $0x40000, s2;
	s7 =	simm.s32 @!p0 $0x1000  }
0x1e7: {  	[tilespmem:s7], [sflag:$0x1] =	stream.strided.gather @!p0 [hbm4b:s6+s3], $0x400, s4, s3, $0x38;
	[tilespmem:$0x19400] =	vst v63  }
0x1e8: {  	s8 =	simm.s32 @!p0 $0x1400;
	s7 =	sadd.s32 @!p0 $0x80, s6  }
0x1e9: {  	[tilespmem:s8], [sflag:$0x1] =	stream.strided.gather @!p0 [hbm4b:s7+s3], $0x400, s4, s3, $0x38;
	[tilespmem:$0x19400] =	vst v63  }
0x1ea: {  	s7 =	sadd.s32 @!p0 $0x100, s6;
	s8 =	simm.s32 @!p0 $0x1800  }
0x1eb: {  	[tilespmem:s8], [sflag:$0x1] =	stream.strided.gather @!p0 [hbm4b:s7+s3], $0x400, s4, s3, $0x38;
	[tilespmem:$0x19400] =	vst v63  }
0x1ec: {  	s6 =	sadd.s32 @!p0 $0x180, s6;
	s7 =	simm.s32 @!p0 $0x1C00  }
0x1ed: {  	[tilespmem:s7], [sflag:$0x1] =	stream.strided.gather @!p0 [hbm4b:s6+s3], $0x400, s4, s3, $0x38;
	[tilespmem:$0x19400] =	vst v63  }
0x1ee: {  	s2 =	sadd.s32 @!p0 $0x80000, s2;
	s6 =	simm.s32 @!p0 $0x2000  }
0x1ef: {  	[tilespmem:s6], [sflag:$0x1] =	stream.strided.gather @!p0 [hbm4b:s2+s3], $0x180, s4, s3, $0x38;
	[tilespmem:$0x19400] =	vst v63  }
0x1f0: {  	s1 =	sadd.s32 @!p0 s29, s1;
	s7 =	simm.s32 @!p0 $0x2400;
	s6 =	sadd.s32 @!p0 $0x80, s2  }
0x1f1: {  	[tilespmem:s7], [sflag:$0x1] =	stream.strided.gather @!p0 [hbm4b:s6+s3], $0x180, s4, s3, $0x38;
	[tilespmem:$0x19400] =	vst v63  }
0x1f2: {  	s0 =	sor.u32 @!p0 s0, s1;
	s6 =	sadd.s32 @!p0 $0x100, s2;
	s7 =	simm.s32 @!p0 $0x2800  }
0x1f3: {  	[tilespmem:s7], [sflag:$0x1] =	stream.strided.gather @!p0 [hbm4b:s6+s3], $0x180, s4, s3, $0x38;
	[tilespmem:$0x19400] =	vst v63  }
0x1f4: {  	s0 =	sshrl.u32 @!p0 s0, $0x3;
	s2 =	sadd.s32 @!p0 $0x180, s2;
	s6 =	simm.s32 @!p0 $0x2C00  }
0x1f5: {  	[tilespmem:s6], [sflag:$0x1] =	stream.strided.gather @!p0 [hbm4b:s2+s3], $0x180, s4, s3, $0x38;
	[tilespmem:$0x19400] =	vst v63  }
0x1f6: {  	s1 =	simm.s32 @!p0 $0x6000;
	s0 =	sadd.s32 @!p0 s26, s0  }
0x1f7: {  	[tilespmem:s1], [sflag:$0x1] =	stream.linear.gather @!p0 [hbm4b:s0+s5], $0x80, $0x38;
	[tilespmem:$0x19400] =	vst v63  }
0x1f8: {  	s2 =	simm.s32 @!p0 $0x6100;
	s1 =	sadd.s32 @!p0 $0x80, s0  }
0x1f9: {  	[tilespmem:s2], [sflag:$0x1] =	stream.linear.gather @!p0 [hbm4b:s1+s5], $0x80, $0x38;
	[tilespmem:$0x19400] =	vst v63  }
0x1fa: {  	s1 =	sadd.s32 @!p0 $0x100, s0;
	s2 =	simm.s32 @!p0 $0x6200  }
0x1fb: {  	[tilespmem:s2], [sflag:$0x1] =	stream.linear.gather @!p0 [hbm4b:s1+s5], $0x80, $0x38;
	[tilespmem:$0x19400] =	vst v63  }
0x1fc: {  	s0 =	sadd.s32 @!p0 $0x180, s0;
	s1 =	simm.s32 @!p0 $0x6300  }
0x1fd: {  	[tilespmem:s1], [sflag:$0x1] =	stream.linear.gather @!p0 [hbm4b:s0+s5], $0x80, $0x38;
	[tilespmem:$0x19400] =	vst v63  }
0x1fe: {  	s22 =	simm.s32 $0xFFFFFFFC;
	s2 =	simm.s32 $0x0;
	s1 =	simm.s32 $0x0  }
.LBB2_7:
0x1ff: {  	s5 =	sand.u32 $0xC00, s1  }
0x200: {  	s11 =	sand.u32 $0x40, s2;
	s30 =	sor.u32 $0x3000, s5  }
0x201: {  	s0 =	sor.u32 $0x3080, s5;
	s3 =	sor.u32 s11, s30  }
0x202: {  	s24 =	sor.u32 s11, s0;
	v0 =	vld [tilespmem:s3+$0x0]  }
0x203: {  	s31 =	sor.u32 $0x3100, s5;
	v1 =	vld [tilespmem:s24+$0x0]  }
0x204: {  	s25 =	sor.u32 s11, s31  }
0x205: {  	v2 =	vld [tilespmem:s25+$0x0];
	s3 =	sor.u32 $0x3180, s5  }
0x206: {  	s4 =	sor.u32 s11, s3  }
0x207: {  	v3 =	vld [tilespmem:s4+$0x0];
	s4 =	sor.u32 $0x3200, s5;
	v0 =	vmul.f32 $1.442695020e+00, v0  }
0x208: {  	s6 =	sor.u32 s11, s4;
	v1 =	vmul.f32 $1.442695020e+00, v1  }
0x209: {  	s9 =	sor.u32 $0x3280, s5;
	v44 =	vld [tilespmem:s6+$0x0];
	(erf) = vpow2.f32 v0  }
0x20a: {  	s26 =	sor.u32 s11, s9;
	v45 =	vmul.f32 $1.442695020e+00, v2;
	(erf) = vpow2.f32 v1  }
0x20b: {  	v46 =	vld [tilespmem:s26+$0x0];
	s26 =	sor.u32 $0x3300, s5  }
0x20c: {  	s28 =	sor.u32 s11, s26;
	v47 =	vmul.f32 $1.442695020e+00, v3;
	(erf) = vpow2.f32 v45  }
0x20d: {  	s10 =	sor.u32 $0x3380, s5;
	v48 =	vld [tilespmem:s28+$0x0]  }
0x20e: {  	s29 =	sor.u32 s11, s10;
	v0 =	vmul.f32 $1.442695020e+00, v44;
	(erf) = vpow2.f32 v47  }
0x20f: {  	v49 =	vld [tilespmem:s29+$0x0];
	s24 =	sor.u32 $0x4000, s5  }
0x210: {  	s7 =	sor.u32 s11, s24;
	v50 =	vmul.f32 $1.442695020e+00, v46;
	(erf) = vpow2.f32 v0  }
0x211: {  	s25 =	sor.u32 $0x4080, s5;
	v51 =	vld [tilespmem:s7+$0x0]  }
0x212: {  	s8 =	sor.u32 s11, s25;
	v52 =	vmul.f32 $1.442695020e+00, v48;
	v9 =	vpop (erf);
	(erf) = vpow2.f32 v50  }
0x213: {  	s21 =	sor.u32 $0x4100, s5;
	v53 =	vld [tilespmem:s8+$0x0];
	v11 =	vpop (erf)  }
0x214: {  	s12 =	sor.u32 s11, s21;
	v54 =	vmul.f32 $1.442695020e+00, v49;
	(erf) = vpow2.f32 v52;
	v55 =	vadd.f32 v11, v9  }
0x215: {  	s23 =	sor.u32 $0x4180, s5;
	v4 =	vld [tilespmem:s12+$0x0];
	v13 =	vpop (erf)  }
0x216: {  	s13 =	sor.u32 s11, s23;
	v57 =	vmul.f32 $1.442695020e+00, v51;
	(erf) = vpow2.f32 v54;
	v1 =	vadd.f32 v13, v55  }
0x217: {  	v58 =	vld [tilespmem:s13+$0x0];
	s29 =	sor.u32 $0x4200, s5;
	v8 =	vpop (erf)  }
0x218: {  	s14 =	sor.u32 s11, s29;
	v3 =	vmul.f32 $1.442695020e+00, v53;
	(erf) = vpow2.f32 v57;
	v1 =	vadd.f32 v8, v1  }
0x219: {  	v5 =	vld [tilespmem:s14+$0x0];
	s28 =	sor.u32 $0x4280, s5;
	v59 =	vpop (erf)  }
0x21a: {  	s19 =	sor.u32 s11, s28;
	v60 =	vmul.f32 $1.442695020e+00, v4;
	(erf) = vpow2.f32 v3;
	v1 =	vadd.f32 v59, v1  }
0x21b: {  	v61 =	vld [tilespmem:s19+$0x0];
	v22 =	vpop (erf)  }
0x21c: {  	s7 =	sor.u32 $0x4300, s5;
	v2 =	vmul.f32 $1.442695020e+00, v58;
	(erf) = vpow2.f32 v60;
	v1 =	vadd.f32 v22, v1  }
0x21d: {  	s20 =	sor.u32 s11, s7;
	v21 =	vpop (erf)  }
0x21e: {  	v6 =	vld [tilespmem:s20+$0x0];
	s19 =	sor.u32 $0x4380, s5;
	v62 =	vmul.f32 $1.442695020e+00, v5;
	(erf) = vpow2.f32 v2;
	v1 =	vadd.f32 v21, v1  }
0x21f: {  	s8 =	sor.u32 s11, s19;
	v20 =	vpop (erf)  }
0x220: {  	v63 =	vld [tilespmem:s8+$0x0];
	s8 =	sor.u32 $0x5000, s5;
	v10 =	vmul.f32 $1.442695020e+00, v61;
	(erf) = vpow2.f32 v62;
	v1 =	vadd.f32 v20, v1  }
0x221: {  	s12 =	sor.u32 s11, s8;
	v3 =	vpop (erf)  }
0x222: {  	s20 =	sor.u32 $0x5080, s5;
	v12 =	vld [tilespmem:s12+$0x0];
	(erf) = vpow2.f32 v10;
	v1 =	vadd.f32 v3, v1  }
0x223: {  	s13 =	sor.u32 s11, s20;
	v14 =	vmul.f32 $1.442695020e+00, v6;
	v19 =	vpop (erf)  }
0x224: {  	s6 =	sor.u32 $0x5100, s5;
	v15 =	vld [tilespmem:s13+$0x0];
	v1 =	vadd.f32 v19, v1  }
0x225: {  	s12 =	sor.u32 s11, s6;
	v5 =	vmul.f32 $1.442695020e+00, v63;
	(erf) = vpow2.f32 v14;
	v2 =	vpop (erf)  }
0x226: {  	v7 =	vld [tilespmem:s12+$0x0];
	v1 =	vadd.f32 v2, v1  }
0x227: {  	v4 =	vmul.f32 $1.442695020e+00, v12;
	(erf) = vpow2.f32 v5;
	v18 =	vpop (erf)  }
0x228: {  	v1 =	vadd.f32 v18, v1  }
0x229: {  	v23 =	vmul.f32 $1.442695020e+00, v15;
	(erf) = vpow2.f32 v4;
	v16 =	vpop (erf)  }
0x22a: {  	v1 =	vadd.f32 v16, v1  }
0x22b: {  	v24 =	vmul.f32 $1.442695020e+00, v7;
	(erf) = vpow2.f32 v23;
	v17 =	vpop (erf)  }
0x22c: {  	v1 =	vadd.f32 v17, v1  }
0x22d: {  	(erf) = vpow2.f32 v24  }
0x22e: {  	v12 =	vpop (erf)  }
0x22f: {  	v25 =	vadd.f32 v12, v1  }
0x230: {  	v1 =	vpop (erf)  }
0x231: {  	v4 =	vadd.f32 v1, v25  }
0x232: {  	v10 =	vpop (erf)  }
0x233: {  	s13 =	sor.u32 $0x10, s11;
	v4 =	vadd.f32 v10, v4  }
0x234: {  	s14 =	sor.u32 s13, s30;
	v6 =	vpop (erf)  }
0x235: {  	v26 =	vld [tilespmem:s14+$0x0];
	s14 =	sor.u32 s13, s0;
	v4 =	vadd.f32 v6, v4  }
0x236: {  	v27 =	vld [tilespmem:s14+$0x0];
	s14 =	sor.u32 s13, s31;
	v5 =	vpop (erf)  }
0x237: {  	v14 =	vld [tilespmem:s14+$0x0];
	s14 =	sor.u32 s13, s3;
	v4 =	vadd.f32 v5, v4  }
0x238: {  	s12 =	sor.u32 s13, s4;
	v15 =	vld [tilespmem:s14+$0x0]  }
0x239: {  	s5 =	sshrl.u32 s5, $0x2;
	v28 =	vld [tilespmem:s12+$0x0];
	(erf) = vrcp.f32 v4  }
0x23a: {  	s5 =	sor.u32 $0x6000, s5;
	v4 =	vmul.f32 $1.442695020e+00, v26  }
0x23b: {  	s14 =	sor.u32 s11, s5;
	v24 =	vmul.f32 $1.442695020e+00, v27  }
0x23c: {  	v14 =	vmul.f32 $1.442695020e+00, v14;
	(erf) = vpow2.f32 v4;
	v4 =	vld [tilespmem:s14+$0x80];
	s14 =	sor.u32 s13, s9  }
0x23d: {  	v30 =	vmul.f32 $1.442695020e+00, v15;
	(erf) = vpow2.f32 v24;
	v29 =	vld [tilespmem:s14+$0x0];
	s14 =	sor.u32 s13, s26  }
0x23e: {  	v32 =	vmul.f32 $1.442695020e+00, v28;
	(erf) = vpow2.f32 v14;
	v31 =	vld [tilespmem:s14+$0x0];
	s14 =	sor.u32 s13, s10  }
0x23f: {  	(erf) = vpow2.f32 v30;
	v25 =	vld [tilespmem:s14+$0x0];
	s14 =	sor.u32 s13, s24  }
0x240: {  	(erf) = vpow2.f32 v32;
	v36 =	vld [tilespmem:s14+$0x0]  }
0x241: {  	vm0 =	veq.s32 v4, $0x0;
	vm14 =	veq.s32 v4, $0x1;
	vm15 =	veq.s32 v4, $0x2  }
0x242: {  	s14 =	sor.u32 s13, s25;
	vm4 =	veq.s32 v4, $0x3;
	vm5 =	veq.s32 v4, $0x4;
	v24 =	vmul.f32 $1.442695020e+00, v29;
	v23 =	vpop (erf)  }
0x243: {  	v26 =	vld [tilespmem:s14+$0x0];
	vm6 =	veq.s32 v4, $0x5;
	v37 =	vmul.f32 $1.442695020e+00, v31;
	v7 =	vmul.f32 $2.048000000e+03, v23  }
0x244: {  	vm7 =	veq.s32 v4, $0x6;
	(erf) = vpow2.f32 v24;
	v25 =	vmul.f32 $1.442695020e+00, v25  }
0x245: {  	vm8 =	veq.s32 v4, $0x7;
	v14 =	vpop (erf);
	(erf) = vpow2.f32 v37;
	v23 =	vmul.f32 $1.442695020e+00, v36  }
0x246: {  	vm9 =	veq.s32 v4, $0x8;
	v9 =	vmul.f32 v7, v9;
	v11 =	vmul.f32 v7, v11  }
0x247: {  	vm1 =	veq.s32 v4, $0x9;
	v35 =	vmul.f32 v7, v13;
	v8 =	vmul.f32 v7, v8  }
0x248: {  	vm10 =	veq.s32 v4, $0xA;
	(erf) = vpow2.f32 v25;
	v45 =	vmul.f32 $1.442695020e+00, v26  }
0x249: {  	vm11 =	veq.s32 v4, $0xB;
	v0 =	vmul.f32 v7, v59;
	v22 =	vmul.f32 v7, v22  }
0x24a: {  	vm12 =	veq.s32 v4, $0xC;
	v21 =	vmul.f32 v7, v21;
	v20 =	vmul.f32 v7, v20  }
0x24b: {  	vm13 =	veq.s32 v4, $0xD;
	v3 =	vmul.f32 v7, v3;
	v19 =	vmul.f32 v7, v19  }
0x24c: {  	s14 =	sor.u32 s13, s21;
	v2 =	vmul.f32 v7, v2;
	v18 =	vmul.f32 v7, v18;
	v9 =	vmin.f32 v9, $2.046873660e+03  }
0x24d: {  	v41 =	vld [tilespmem:s14+$0x0];
	v16 =	vmul.f32 v7, v16;
	v12 =	vmul.f32 v7, v12;
	v9 =	vmax.f32 v9, $1.126399990e+00  }
0x24e: {  	s14 =	sor.u32 s13, s23;
	v1 =	vmul.f32 v7, v1;
	v39 =	vmin.f32 v35, $2.046873660e+03;
	v33 =	vsub.f32 $4.096000000e+03, v9  }
0x24f: {  	v28 =	vld [tilespmem:s14+$0x0];
	v10 =	vmul.f32 v7, v10;
	v34 =	vmin.f32 v11, $2.046873660e+03;
	v40 =	vmax.f32 v39, $1.126399990e+00  }
0x250: {  	v11 =	vpop (erf);
	v43 =	vsub.f32 $4.096000000e+03, v40;
	v54 =	vsel vm0, v33, v9;
	v9 =	vmax.f32 v34, $1.126399990e+00  }
0x251: {  	v6 =	vmul.f32 v7, v6;
	v27 =	vadd.f32 v11, v14;
	v38 =	vsub.f32 $4.096000000e+03, v9  }
0x252: {  	v5 =	vmul.f32 v7, v5;
	v15 =	vmul.f32 $1.442695020e+00, v41;
	v44 =	vmin.f32 v8, $2.046873660e+03;
	v13 =	vpop (erf)  }
0x253: {  	v42 =	vadd.f32 v13, v27;
	v55 =	vsel vm14, v38, v9;
	v9 =	vsel vm15, v43, v40  }
0x254: {  	v50 =	vmin.f32 v0, $2.046873660e+03;
	v51 =	vmul.f32 $1.442695020e+00, v28;
	v22 =	vmin.f32 v22, $2.046873660e+03;
	v8 =	vpop (erf)  }
0x255: {  	s14 =	sor.u32 s13, s29;
	v21 =	vmin.f32 v21, $2.046873660e+03;
	(erf) = vpow2.f32 v23;
	v24 =	vadd.f32 v8, v42  }
0x256: {  	v47 =	vld [tilespmem:s14+$0x0];
	v20 =	vmin.f32 v20, $2.046873660e+03;
	v41 =	vmin.f32 v3, $2.046873660e+03;
	v19 =	vmin.f32 v19, $2.046873660e+03;
	[tilespmem:$0x1FBB0] =	vst v9;
	v9 =	vpop (erf)  }
0x257: {  	s14 =	sor.u32 s13, s28;
	v2 =	vmin.f32 v2, $2.046873660e+03;
	(erf) = vpow2.f32 v45;
	v48 =	vadd.f32 v9, v24  }
0x258: {  	v29 =	vld [tilespmem:s14+$0x0];
	v18 =	vmin.f32 v18, $2.046873660e+03;
	v16 =	vmin.f32 v16, $2.046873660e+03;
	v12 =	vmin.f32 v12, $2.046873660e+03;
	v0 =	vpop (erf)  }
0x259: {  	s14 =	sor.u32 s13, s7;
	v1 =	vmin.f32 v1, $2.046873660e+03;
	(erf) = vpow2.f32 v15;
	v23 =	vadd.f32 v0, v48  }
0x25a: {  	v53 =	vld [tilespmem:s14+$0x0];
	v10 =	vmin.f32 v10, $2.046873660e+03;
	v5 =	vmin.f32 v5, $2.046873660e+03;
	v46 =	vmax.f32 v44, $1.126399990e+00;
	v26 =	vpop (erf)  }
0x25b: {  	s14 =	sor.u32 s13, s19;
	v57 =	vmul.f32 $1.442695020e+00, v47;
	(erf) = vpow2.f32 v51;
	v23 =	vadd.f32 v26, v23  }
0x25c: {  	v59 =	vld [tilespmem:s14+$0x0];
	v52 =	vmax.f32 v50, $1.126399990e+00;
	v22 =	vmax.f32 v22, $1.126399990e+00;
	v21 =	vmax.f32 v21, $1.126399990e+00;
	v38 =	vpop (erf)  }
0x25d: {  	s14 =	sor.u32 s13, s8;
	v60 =	vmul.f32 $1.442695020e+00, v29;
	(erf) = vpow2.f32 v57;
	v23 =	vadd.f32 v38, v23  }
0x25e: {  	v61 =	vld [tilespmem:s14+$0x0];
	v20 =	vmax.f32 v20, $1.126399990e+00;
	v44 =	vmax.f32 v41, $1.126399990e+00;
	v19 =	vmax.f32 v19, $1.126399990e+00;
	v27 =	vpop (erf)  }
0x25f: {  	s14 =	sor.u32 s13, s20;
	v62 =	vmul.f32 $1.442695020e+00, v53;
	(erf) = vpow2.f32 v60;
	v23 =	vadd.f32 v27, v23  }
0x260: {  	v31 =	vld [tilespmem:s14+$0x0];
	v2 =	vmax.f32 v2, $1.126399990e+00;
	v18 =	vmax.f32 v18, $1.126399990e+00;
	v50 =	vmul.f32 v7, v17;
	v29 =	vpop (erf)  }
0x261: {  	s14 =	sor.u32 s13, s6;
	v32 =	vmul.f32 $1.442695020e+00, v59;
	(erf) = vpow2.f32 v62;
	v23 =	vadd.f32 v29, v23  }
0x262: {  	v16 =	vmax.f32 v16, $1.126399990e+00;
	v1 =	vmax.f32 v1, $1.126399990e+00;
	v10 =	vmax.f32 v10, $1.126399990e+00;
	v33 =	vld [tilespmem:s14+$0x0];
	v28 =	vpop (erf)  }
0x263: {  	v34 =	vmul.f32 $1.442695020e+00, v61;
	(erf) = vpow2.f32 v32;
	v23 =	vadd.f32 v28, v23  }
0x264: {  	s13 =	sor.u32 s13, s5;
	v5 =	vmax.f32 v5, $1.126399990e+00;
	v49 =	vsub.f32 $4.096000000e+03, v46;
	v63 =	vsub.f32 $4.096000000e+03, v22;
	v30 =	vpop (erf)  }
0x265: {  	v7 =	vld [tilespmem:s13+$0x80];
	v36 =	vmul.f32 $1.442695020e+00, v31;
	(erf) = vpow2.f32 v34;
	v23 =	vadd.f32 v30, v23  }
0x266: {  	v58 =	vsub.f32 $4.096000000e+03, v52;
	v35 =	vsub.f32 $4.096000000e+03, v21;
	v22 =	vsel vm6, v63, v22;
	v31 =	vpop (erf)  }
0x267: {  	v37 =	vmul.f32 $1.442695020e+00, v33;
	(erf) = vpow2.f32 v36;
	v39 =	vadd.f32 v31, v23  }
0x268: {  	v21 =	vsel vm7, v35, v21;
	vm6 =	veq.s32 v4, $0x12;
	v61 =	vsub.f32 $4.096000000e+03, v1;
	v32 =	vpop (erf)  }
0x269: {  	v40 =	vsub.f32 $4.096000000e+03, v20;
	(erf) = vpow2.f32 v37;
	v42 =	vadd.f32 v32, v39  }
0x26a: {  	vm14 =	veq.s32 v4, $0xE;
	vm15 =	veq.s32 v4, $0xF;
	vm7 =	veq.s32 v7, $0x0;
	v33 =	vpop (erf)  }
0x26b: {  	v1 =	vsel vm15, v61, v1;
	vm15 =	veq.s32 v7, $0x8;
	v15 =	vadd.f32 v33, v42  }
0x26c: {  	v43 =	vsel vm8, v40, v20;
	vm8 =	veq.s32 v7, $0x1;
	v45 =	vsub.f32 $4.096000000e+03, v44;
	v34 =	vpop (erf)  }
0x26d: {  	s12 =	sor.u32 $0x20, s11;
	v24 =	vsel vm4, v49, v46;
	v46 =	vsub.f32 $4.096000000e+03, v19;
	v15 =	vadd.f32 v34, v15  }
0x26e: {  	s14 =	sor.u32 s12, s30;
	v49 =	vsub.f32 $4.096000000e+03, v18;
	vm4 =	veq.s32 v4, $0x10;
	[tilespmem:$0x1FBC0] =	vst v24;
	v24 =	vsel vm5, v58, v52;
	v37 =	vpop (erf)  }
0x26f: {  	v47 =	vsel vm9, v45, v44;
	v51 =	vsub.f32 $4.096000000e+03, v16;
	v58 =	vld [tilespmem:s14+$0x0];
	s14 =	sor.u32 s12, s0;
	v15 =	vadd.f32 v37, v15  }
0x270: {  	[tilespmem:$0x1FBF0] =	vst v21;
	vm5 =	veq.s32 v4, $0x11;
	vm9 =	veq.s32 v7, $0x2;
	v21 =	vsel vm1, v46, v19;
	v60 =	vld [tilespmem:s14+$0x0];
	s14 =	sor.u32 s12, s31;
	v35 =	vpop (erf)  }
0x271: {  	v48 =	vsub.f32 $4.096000000e+03, v2;
	v20 =	vsel vm11, v49, v18;
	v63 =	vld [tilespmem:s14+$0x0];
	s14 =	sor.u32 s12, s3;
	v15 =	vadd.f32 v35, v15  }
0x272: {  	[tilespmem:$0x1FBD0] =	vst v24;
	v57 =	vmax.f32 v12, $1.126399990e+00;
	v24 =	vmin.f32 v6, $2.046873660e+03;
	vm11 =	veq.s32 v7, $0x4;
	v23 =	vld [tilespmem:s14+$0x0];
	s14 =	sor.u32 s12, s4;
	v36 =	vpop (erf)  }
0x273: {  	v53 =	vsel vm12, v51, v16;
	v59 =	vsub.f32 $4.096000000e+03, v57;
	v40 =	vld [tilespmem:s14+$0x0];
	s14 =	sor.u32 s12, s9;
	v15 =	vadd.f32 v36, v15  }
0x274: {  	[tilespmem:$0x1FBE0] =	vst v22;
	v41 =	vmax.f32 v24, $1.126399990e+00;
	vm12 =	veq.s32 v7, $0x5;
	v22 =	vmul.f32 $1.442695020e+00, v58;
	v45 =	vld [tilespmem:s14+$0x0];
	s14 =	sor.u32 s12, s26  }
0x275: {  	[tilespmem:$0x1FC00] =	vst v43;
	v2 =	vsel vm10, v48, v2;
	v43 =	vsub.f32 $4.096000000e+03, v41;
	v49 =	vld [tilespmem:s14+$0x0];
	s14 =	sor.u32 s12, s10;
	(erf) = vrcp.f32 v15  }
0x276: {  	v48 =	vsub.f32 $4.096000000e+03, v5;
	v39 =	vmul.f32 $1.442695020e+00, v60;
	v58 =	vld [tilespmem:s14+$0x0];
	s14 =	sor.u32 s12, s24;
	(erf) = vpow2.f32 v22  }
0x277: {  	vm10 =	veq.s32 v7, $0x3;
	[tilespmem:$0x1FC20] =	vst v2;
	v2 =	vmin.f32 v50, $2.046873660e+03;
	v42 =	vmul.f32 $1.442695020e+00, v63;
	v61 =	vld [tilespmem:s14+$0x0];
	s14 =	sor.u32 s12, s25  }
0x278: {  	v2 =	vmax.f32 v2, $1.126399990e+00;
	v46 =	vmul.f32 $1.442695020e+00, v23;
	v23 =	vld [tilespmem:s14+$0x0];
	s14 =	sor.u32 s12, s21;
	(erf) = vpow2.f32 v39  }
0x279: {  	[tilespmem:$0x1FC10] =	vst v47;
	v47 =	vsel vm5, v43, v41;
	v52 =	vsub.f32 $4.096000000e+03, v2;
	(erf) = vpow2.f32 v42;
	v42 =	vld [tilespmem:s14+$0x0];
	s14 =	sor.u32 s12, s23  }
0x27a: {  	vm5 =	veq.s32 v7, $0xA;
	v62 =	vsub.f32 $4.096000000e+03, v10;
	(erf) = vpow2.f32 v46;
	v46 =	vld [tilespmem:s14+$0x0];
	s14 =	sor.u32 s12, s29  }
0x27b: {  	v2 =	vsel vm13, v52, v2;
	v51 =	vmul.f32 $1.442695020e+00, v40;
	v63 =	vmul.f32 $1.442695020e+00, v49;
	v49 =	vld [tilespmem:s14+$0x0]  }
0x27c: {  	[tilespmem:$0x1FC40] =	vst v2;
	v2 =	vsel vm14, v59, v57;
	v59 =	vmul.f32 $1.442695020e+00, v45;
	v24 =	vmul.f32 $1.442695020e+00, v58  }
0x27d: {  	v52 =	vsel vm6, v48, v5;
	v43 =	vmul.f32 $1.442695020e+00, v61;
	(erf) = vpow2.f32 v51  }
0x27e: {  	[tilespmem:$0x1FC80] =	vst v47;
	vm13 =	veq.s32 v7, $0x6;
	v47 =	vmul.f32 $1.442695020e+00, v23;
	(erf) = vpow2.f32 v59;
	v25 =	vpop (erf)  }
0x27f: {  	[tilespmem:$0x1FC60] =	vst v1;
	vm6 =	veq.s32 v7, $0xB;
	v1 =	vmul.f32 $2.048000000e+03, v25;
	v12 =	vpop (erf);
	(erf) = vpow2.f32 v63  }
0x280: {  	v18 =	vsel vm4, v62, v10;
	v61 =	vmul.f32 $1.442695020e+00, v49;
	(erf) = vpow2.f32 v24  }
0x281: {  	vm14 =	veq.s32 v7, $0x7;
	v44 =	vmul.f32 v1, v14;
	v57 =	vmul.f32 v1, v11  }
0x282: {  	vm4 =	veq.s32 v7, $0x9;
	v13 =	vmul.f32 v1, v13;
	v8 =	vmul.f32 v1, v8  }
0x283: {  	v9 =	vmul.f32 v1, v9;
	v0 =	vmul.f32 v1, v0;
	v50 =	vmin.f32 v44, $2.046873660e+03  }
0x284: {  	v4 =	vmin.f32 v57, $2.046873660e+03;
	v13 =	vmin.f32 v13, $2.046873660e+03;
	v8 =	vmin.f32 v8, $2.046873660e+03  }
0x285: {  	[tilespmem:$0x1FC90] =	vst v52;
	v52 =	vmin.f32 v9, $2.046873660e+03;
	v57 =	vmul.f32 $1.442695020e+00, v46;
	v0 =	vmin.f32 v0, $2.046873660e+03  }
0x286: {  	[tilespmem:$0x1FC30] =	vst v53;
	v53 =	vmax.f32 v50, $1.126399990e+00;
	v62 =	vmax.f32 v4, $1.126399990e+00;
	v41 =	vmax.f32 v13, $1.126399990e+00  }
0x287: {  	v8 =	vmax.f32 v8, $1.126399990e+00;
	v60 =	vsub.f32 $4.096000000e+03, v53;
	v22 =	vsub.f32 $4.096000000e+03, v62  }
0x288: {  	v0 =	vmax.f32 v0, $1.126399990e+00;
	v45 =	vsub.f32 $4.096000000e+03, v41;
	v59 =	vsub.f32 $4.096000000e+03, v8;
	v4 =	vpop (erf)  }
0x289: {  	v50 =	vmul.f32 $1.442695020e+00, v42;
	v24 =	vsub.f32 $4.096000000e+03, v0;
	v25 =	vadd.f32 v4, v12  }
0x28a: {  	v39 =	vsel vm7, v60, v53;
	v40 =	vsel vm8, v22, v62;
	v6 =	vpop (erf);
	v48 =	vsel vm9, v45, v41  }
0x28b: {  	[tilespmem:$0x1FC70] =	vst v18;
	v60 =	vmax.f32 v52, $1.126399990e+00;
	v18 =	vsel vm10, v59, v8;
	v44 =	vadd.f32 v6, v25  }
0x28c: {  	v0 =	vsel vm12, v24, v0;
	vm7 =	veq.s32 v7, $0xC;
	vm8 =	veq.s32 v7, $0xD;
	v10 =	vpop (erf)  }
0x28d: {  	s14 =	sor.u32 s12, s28;
	vm9 =	veq.s32 v7, $0xE;
	(erf) = vpow2.f32 v43;
	v13 =	vadd.f32 v10, v44  }
0x28e: {  	v53 =	vld [tilespmem:s14+$0x0];
	vm10 =	veq.s32 v7, $0xF;
	vm12 =	veq.s32 v7, $0x11;
	[tilespmem:$0x1FCC0] =	vst v48;
	v63 =	vsub.f32 $4.096000000e+03, v60;
	v48 =	vpop (erf)  }
0x28f: {  	s14 =	sor.u32 s12, s7;
	[tilespmem:$0x1FCD0] =	vst v18;
	v18 =	vmul.f32 v1, v33;
	(erf) = vpow2.f32 v47;
	v51 =	vadd.f32 v48, v13  }
0x290: {  	[tilespmem:$0x1FCA0] =	vst v39;
	v39 =	vld [tilespmem:s14+$0x0];
	v25 =	vmul.f32 v1, v26;
	v19 =	vsel vm11, v63, v60;
	v63 =	vmul.f32 v1, v27;
	v9 =	vpop (erf)  }
0x291: {  	[tilespmem:$0x1FCB0] =	vst v40;
	s14 =	sor.u32 s12, s19;
	v47 =	vmul.f32 v1, v30;
	(erf) = vpow2.f32 v50;
	v58 =	vadd.f32 v9, v51  }
0x292: {  	v40 =	vld [tilespmem:s14+$0x0];
	s14 =	sor.u32 s12, s8;
	vm11 =	veq.s32 v7, $0x10;
	[tilespmem:$0x1FCE0] =	vst v19;
	v50 =	vmin.f32 v25, $2.046873660e+03;
	v19 =	vmul.f32 v1, v34;
	v11 =	vpop (erf)  }
0x293: {  	v22 =	vld [tilespmem:s14+$0x0];
	s14 =	sor.u32 s12, s20;
	(erf) = vpow2.f32 v57;
	v17 =	vmul.f32 $1.442695020e+00, v53;
	v62 =	vadd.f32 v11, v58  }
0x294: {  	[tilespmem:$0x1FCF0] =	vst v0;
	v26 =	vld [tilespmem:s14+$0x0];
	s14 =	sor.u32 s12, s6;
	v0 =	vmax.f32 v50, $1.126399990e+00;
	v16 =	vmin.f32 v63, $2.046873660e+03;
	v50 =	vmin.f32 v47, $2.046873660e+03;
	v13 =	vpop (erf)  }
0x295: {  	v41 =	vld [tilespmem:s14+$0x0];
	v23 =	vmul.f32 $1.442695020e+00, v39;
	(erf) = vpow2.f32 v61;
	v14 =	vadd.f32 v13, v62  }
0x296: {  	v59 =	vsub.f32 $4.096000000e+03, v0;
	v39 =	vmul.f32 v1, v28;
	v28 =	vmul.f32 v1, v35;
	v44 =	vpop (erf)  }
0x297: {  	v49 =	vmul.f32 $1.442695020e+00, v40;
	(erf) = vpow2.f32 v17;
	v14 =	vadd.f32 v44, v14  }
0x298: {  	v51 =	vmul.f32 v1, v38;
	v52 =	vmul.f32 $1.442695020e+00, v22;
	v0 =	vsel vm13, v59, v0;
	v43 =	vpop (erf)  }
0x299: {  	v46 =	vmin.f32 v39, $2.046873660e+03;
	(erf) = vpow2.f32 v23;
	v14 =	vadd.f32 v43, v14  }
0x29a: {  	v57 =	vmin.f32 v51, $2.046873660e+03;
	v58 =	vmul.f32 $1.442695020e+00, v26;
	v5 =	vmul.f32 $1.442695020e+00, v41;
	v45 =	vpop (erf)  }
0x29b: {  	v26 =	vmax.f32 v16, $1.126399990e+00;
	(erf) = vpow2.f32 v49;
	v53 =	vadd.f32 v45, v14  }
0x29c: {  	v51 =	vmul.f32 v1, v31;
	v23 =	vmul.f32 v1, v29;
	v38 =	vpop (erf);
	v14 =	vmax.f32 v57, $1.126399990e+00  }
0x29d: {  	(erf) = vpow2.f32 v52;
	v22 =	vsub.f32 $4.096000000e+03, v14;
	v8 =	vadd.f32 v38, v53  }
0x29e: {  	v27 =	vsub.f32 $4.096000000e+03, v26;
	v29 =	vmin.f32 v23, $2.046873660e+03;
	v40 =	vpop (erf);
	(erf) = vpow2.f32 v58  }
0x29f: {  	s11 =	sor.u32 $0x30, s11;
	v25 =	vsel vm14, v22, v14;
	v14 =	vmax.f32 v29, $1.126399990e+00;
	v8 =	vadd.f32 v40, v8  }
0x2a0: {  	s14 =	sor.u32 s11, s30;
	[tilespmem:$0x1FD00] =	vst v0;
	v15 =	vmin.f32 v51, $2.046873660e+03;
	v0 =	vsel vm15, v27, v26;
	v62 =	vpop (erf);
	v41 =	vsub.f32 $4.096000000e+03, v14  }
0x2a1: {  	v49 =	vmax.f32 v46, $1.126399990e+00;
	v26 =	vld [tilespmem:s14+$0x0];
	(erf) = vpow2.f32 v5;
	v24 =	vadd.f32 v62, v8  }
0x2a2: {  	[tilespmem:$0x1FD20] =	vst v0;
	v42 =	vpop (erf);
	v0 =	vsel vm4, v41, v14;
	v8 =	vsub.f32 $4.096000000e+03, v49;
	v14 =	vmax.f32 v50, $1.126399990e+00  }
0x2a3: {  	[tilespmem:$0x1FC50] =	vst v2;
	s14 =	sor.u32 s11, s3;
	v57 =	vmax.f32 v15, $1.126399990e+00;
	v52 =	vsub.f32 $4.096000000e+03, v14;
	v2 =	vadd.f32 v42, v24  }
0x2a4: {  	v31 =	vmin.f32 v28, $2.046873660e+03;
	v33 =	vld [tilespmem:s14+$0x0];
	v60 =	vsub.f32 $4.096000000e+03, v57;
	v58 =	vpop (erf);
	[tilespmem:$0x1FD30] =	vst v0;
	v0 =	vsel vm5, v8, v49  }
0x2a5: {  	v34 =	vmax.f32 v31, $1.126399990e+00;
	[tilespmem:$0x1FD40] =	vst v0;
	v0 =	vsel vm6, v52, v14;
	v2 =	vadd.f32 v58, v2  }
0x2a6: {  	s0 =	sor.u32 s11, s0;
	v23 =	vmul.f32 v1, v37;
	v51 =	vmul.f32 $1.442695020e+00, v26;
	v61 =	vpop (erf);
	[tilespmem:$0x1FD50] =	vst v0;
	v0 =	vsel vm7, v60, v57  }
0x2a7: {  	s26 =	sor.u32 s11, s26;
	v46 =	vld [tilespmem:s0+$0x0];
	v53 =	vmul.f32 v1, v32;
	[tilespmem:$0x1FD60] =	vst v0;
	v0 =	vmin.f32 v19, $2.046873660e+03;
	v2 =	vadd.f32 v61, v2  }
0x2a8: {  	v1 =	vmul.f32 v1, v36;
	v22 =	vmin.f32 v18, $2.046873660e+03;
	v5 =	vpop (erf);
	v19 =	vld [tilespmem:s26+$0x0];
	s26 =	sor.u32 s11, s29;
	v0 =	vmax.f32 v0, $1.126399990e+00  }
0x2a9: {  	v18 =	vmul.f32 $1.442695020e+00, v33;
	[tilespmem:$0x1FD10] =	vst v25;
	v39 =	vld [tilespmem:s26+$0x0];
	v25 =	vsub.f32 $4.096000000e+03, v0;
	v2 =	vadd.f32 v5, v2  }
0x2aa: {  	s30 =	sor.u32 s11, s31;
	v1 =	vmin.f32 v1, $2.046873660e+03;
	v8 =	vmin.f32 v53, $2.046873660e+03;
	v49 =	vsub.f32 $4.096000000e+03, v34;
	v59 =	vpop (erf)  }
0x2ab: {  	v29 =	vld [tilespmem:s30+$0x0];
	s30 =	sor.u32 s12, s5;
	v8 =	vmax.f32 v8, $1.126399990e+00;
	v0 =	vsel vm10, v25, v0;
	v2 =	vadd.f32 v59, v2  }
0x2ac: {  	vm13 =	veq.s32 v7, $0x12;
	v35 =	vmax.f32 v1, $1.126399990e+00;
	v63 =	vsub.f32 $4.096000000e+03, v8;
	[tilespmem:$0x1FD90] =	vst v0;
	v0 =	vld [tilespmem:s30+$0x80]  }
0x2ad: {  	v47 =	vsub.f32 $4.096000000e+03, v35;
	v53 =	vsel vm12, v49, v34;
	(erf) = vrcp.f32 v2  }
0x2ae: {  	s3 =	sor.u32 s11, s4;
	v60 =	vmul.f32 $1.442695020e+00, v46;
	v14 =	vmul.f32 $1.442695020e+00, v39;
	v2 =	vsel vm8, v63, v8  }
0x2af: {  	s14 =	sor.u32 s11, s9;
	v52 =	vld [tilespmem:s3+$0x0];
	v57 =	vsel vm13, v47, v35;
	v8 =	vmin.f32 v23, $2.046873660e+03;
	[tilespmem:$0x1FD70] =	vst v2;
	v2 =	vmax.f32 v22, $1.126399990e+00  }
0x2b0: {  	s30 =	sor.u32 s11, s10;
	v63 =	vld [tilespmem:s14+$0x0];
	v8 =	vmax.f32 v8, $1.126399990e+00;
	(erf) = vpow2.f32 v51;
	v24 =	vsub.f32 $4.096000000e+03, v2  }
0x2b1: {  	v22 =	vld [tilespmem:s30+$0x0];
	v27 =	vsub.f32 $4.096000000e+03, v8;
	(erf) = vpow2.f32 v60;
	vm14 =	veq.s32 v0, $0x0  }
0x2b2: {  	s14 =	sor.u32 s11, s25;
	vm15 =	veq.s32 v0, $0x1;
	vm4 =	veq.s32 v0, $0x2;
	v2 =	vsel vm9, v24, v2  }
0x2b3: {  	v26 =	vld [tilespmem:s14+$0x0];
	vm5 =	veq.s32 v0, $0x3;
	vm6 =	veq.s32 v0, $0x4;
	[tilespmem:$0x1FD80] =	vst v2;
	v2 =	vmul.f32 $1.442695020e+00, v29  }
0x2b4: {  	vm7 =	veq.s32 v0, $0x5;
	vm8 =	veq.s32 v0, $0x6;
	v24 =	vmul.f32 $1.442695020e+00, v52  }
0x2b5: {  	vm10 =	veq.s32 v0, $0x8;
	v15 =	vmul.f32 $1.442695020e+00, v63;
	(erf) = vpow2.f32 v2  }
0x2b6: {  	vm12 =	veq.s32 v0, $0xA;
	v28 =	vmul.f32 $1.442695020e+00, v22;
	(erf) = vpow2.f32 v18;
	v32 =	vpop (erf)  }
0x2b7: {  	s28 =	sor.u32 s11, s28;
	vm13 =	veq.s32 v0, $0xB;
	(erf) = vpow2.f32 v24;
	v1 =	vmul.f32 $2.048000000e+03, v32  }
0x2b8: {  	v60 =	vld [tilespmem:s28+$0x0];
	v30 =	vsel vm11, v27, v8;
	v8 =	vmul.f32 $1.442695020e+00, v26;
	(erf) = vpow2.f32 v15  }
0x2b9: {  	vm9 =	veq.s32 v0, $0x7;
	v15 =	vpop (erf);
	v50 =	vmul.f32 v1, v12;
	v4 =	vmul.f32 v1, v4  }
0x2ba: {  	s3 =	sor.u32 s11, s24;
	vm11 =	veq.s32 v0, $0x9;
	v17 =	vpop (erf);
	v6 =	vmul.f32 v1, v6;
	v12 =	vmul.f32 $1.442695020e+00, v19  }
0x2bb: {  	s24 =	sor.u32 s11, s21;
	v25 =	vld [tilespmem:s3+$0x0];
	v10 =	vmul.f32 v1, v10;
	v33 =	vadd.f32 v17, v15;
	v34 =	vmul.f32 v1, v48  }
0x2bc: {  	[tilespmem:$0x1FDA0] =	vst v30;
	v30 =	vld [tilespmem:s24+$0x0];
	v9 =	vmul.f32 v1, v9;
	v11 =	vmul.f32 v1, v11;
	v7 =	vmin.f32 v50, $2.046873660e+03  }
0x2bd: {  	s25 =	sor.u32 s11, s23;
	v48 =	vmul.f32 $1.442695020e+00, v60;
	v13 =	vmul.f32 v1, v13;
	v7 =	vmax.f32 v7, $1.126399990e+00  }
0x2be: {  	v32 =	vld [tilespmem:s25+$0x0];
	v4 =	vmin.f32 v4, $2.046873660e+03;
	(erf) = vpow2.f32 v12;
	v23 =	vsub.f32 $4.096000000e+03, v7  }
0x2bf: {  	v6 =	vmin.f32 v6, $2.046873660e+03;
	v31 =	vmin.f32 v10, $2.046873660e+03;
	(erf) = vpow2.f32 v28;
	v18 =	vpop (erf)  }
0x2c0: {  	v36 =	vadd.f32 v18, v33;
	v46 =	vsel vm14, v23, v7;
	v7 =	vmul.f32 $1.442695020e+00, v25  }
0x2c1: {  	v37 =	vmin.f32 v34, $2.046873660e+03;
	v12 =	vmul.f32 $1.442695020e+00, v30;
	v9 =	vmin.f32 v9, $2.046873660e+03;
	v22 =	vpop (erf)  }
0x2c2: {  	[tilespmem:$0x1FDC0] =	vst v57;
	v11 =	vmin.f32 v11, $2.046873660e+03;
	v57 =	vadd.f32 v22, v36;
	(erf) = vpow2.f32 v7  }
0x2c3: {  	v4 =	vmax.f32 v4, $1.126399990e+00;
	v6 =	vmax.f32 v6, $1.126399990e+00;
	v10 =	vmul.f32 $1.442695020e+00, v32;
	v23 =	vpop (erf)  }
0x2c4: {  	v3 =	vmax.f32 v9, $1.126399990e+00;
	(erf) = vpow2.f32 v8;
	v63 =	vadd.f32 v23, v57  }
0x2c5: {  	v11 =	vmax.f32 v11, $1.126399990e+00;
	v32 =	vmin.f32 v13, $2.046873660e+03;
	v29 =	vsub.f32 $4.096000000e+03, v6;
	v24 =	vpop (erf)  }
0x2c6: {  	s29 =	sor.u32 s11, s7;
	v27 =	vsub.f32 $4.096000000e+03, v4;
	(erf) = vpow2.f32 v12;
	v12 =	vadd.f32 v24, v63  }
0x2c7: {  	v2 =	vld [tilespmem:s29+$0x0];
	v52 =	vsub.f32 $4.096000000e+03, v3;
	v30 =	vsub.f32 $4.096000000e+03, v11;
	v47 =	vsel vm4, v29, v6;
	v25 =	vpop (erf)  }
0x2c8: {  	s30 =	sor.u32 s11, s19;
	v6 =	vmax.f32 v31, $1.126399990e+00;
	(erf) = vpow2.f32 v10;
	v12 =	vadd.f32 v25, v12  }
0x2c9: {  	s7 =	sor.u32 s11, s8;
	s8 =	sor.u32 s11, s20;
	v41 =	vsel vm15, v27, v4;
	v4 =	vld [tilespmem:s30+$0x0];
	v60 =	vsel vm8, v30, v11;
	v35 =	vsub.f32 $4.096000000e+03, v6;
	v63 =	vpop (erf)  }
0x2ca: {  	v7 =	vld [tilespmem:s8+$0x0];
	v8 =	vmax.f32 v37, $1.126399990e+00;
	(erf) = vpow2.f32 v14;
	v12 =	vadd.f32 v63, v12  }
0x2cb: {  	v11 =	vmax.f32 v32, $1.126399990e+00;
	v49 =	vsel vm5, v35, v6;
	v6 =	vld [tilespmem:s7+$0x0];
	v50 =	vsub.f32 $4.096000000e+03, v8;
	v57 =	vpop (erf)  }
0x2cc: {  	v10 =	vmul.f32 $1.442695020e+00, v2;
	(erf) = vpow2.f32 v48;
	v31 =	vadd.f32 v57, v12  }
0x2cd: {  	v38 =	vmul.f32 v1, v38;
	v51 =	vsel vm6, v50, v8;
	v50 =	vsub.f32 $4.096000000e+03, v11;
	v27 =	vpop (erf)  }
0x2ce: {  	s20 =	sor.u32 s11, s6;
	v29 =	vmul.f32 $1.442695020e+00, v4;
	(erf) = vpow2.f32 v10;
	v10 =	vadd.f32 v27, v31  }
0x2cf: {  	v34 =	vld [tilespmem:s20+$0x0];
	v38 =	vmin.f32 v38, $2.046873660e+03;
	v39 =	vsel vm7, v52, v3;
	v48 =	vmul.f32 $1.442695020e+00, v7;
	v52 =	vpop (erf)  }
0x2d0: {  	v33 =	vmul.f32 $1.442695020e+00, v6;
	(erf) = vpow2.f32 v29;
	v10 =	vadd.f32 v52, v10  }
0x2d1: {  	v40 =	vmul.f32 v1, v40;
	v19 =	vmax.f32 v38, $1.126399990e+00;
	v37 =	vsel vm9, v50, v11;
	v50 =	vpop (erf)  }
0x2d2: {  	v28 =	vsub.f32 $4.096000000e+03, v19;
	(erf) = vpow2.f32 v33;
	v10 =	vadd.f32 v50, v10  }
0x2d3: {  	v26 =	vmul.f32 v1, v62;
	v40 =	vmin.f32 v40, $2.046873660e+03;
	(erf) = vpow2.f32 v48;
	v48 =	vpop (erf)  }
0x2d4: {  	v62 =	vsel vm13, v28, v19;
	v13 =	vmul.f32 $1.442695020e+00, v34;
	v10 =	vadd.f32 v48, v10  }
0x2d5: {  	vm14 =	veq.s32 v0, $0xC;
	v30 =	vmul.f32 v1, v42;
	v4 =	vmul.f32 v1, v45;
	v45 =	vpop (erf)  }
0x2d6: {  	vm15 =	veq.s32 v0, $0xD;
	(erf) = vpow2.f32 v13;
	v10 =	vadd.f32 v45, v10  }
0x2d7: {  	v32 =	vmul.f32 v1, v58;
	vm4 =	veq.s32 v0, $0xE;
	v35 =	vmul.f32 v1, v44;
	v44 =	vpop (erf)  }
0x2d8: {  	v19 =	vmul.f32 v1, v5;
	v28 =	vtrunc.f32 v54;
	v10 =	vadd.f32 v44, v10  }
0x2d9: {  	[tilespmem:$0x1FDB0] =	vst v53;
	vm7 =	veq.s32 v0, $0x11;
	v53 =	vmin.f32 v35, $2.046873660e+03;
	v2 =	vmul.f32 v1, v43;
	v43 =	vpop (erf)  }
0x2da: {  	vm5 =	veq.s32 v0, $0xF;
	v11 =	vmax.f32 v53, $1.126399990e+00;
	v10 =	vadd.f32 v43, v10  }
0x2db: {  	v7 =	vmin.f32 v4, $2.046873660e+03;
	v4 =	vmin.f32 v32, $2.046873660e+03;
	v3 =	vsub.f32 $4.096000000e+03, v11;
	v38 =	vpop (erf)  }
0x2dc: {  	vm6 =	veq.s32 v0, $0x10;
	v4 =	vmax.f32 v4, $1.126399990e+00;
	v10 =	vadd.f32 v38, v10  }
0x2dd: {  	v53 =	vmax.f32 v40, $1.126399990e+00;
	v14 =	vsub.f32 $4.096000000e+03, v4;
	v36 =	vsel vm10, v3, v11;
	v40 =	vpop (erf)  }
0x2de: {  	v29 =	vsub.f32 $4.096000000e+03, v53;
	v11 =	vmin.f32 v30, $2.046873660e+03;
	v10 =	vadd.f32 v40, v10  }
0x2df: {  	v30 =	vmin.f32 v19, $2.046873660e+03;
	v12 =	vmin.f32 v2, $2.046873660e+03;
	v2 =	vmin.f32 v26, $2.046873660e+03;
	v42 =	vpop (erf)  }
0x2e0: {  	v6 =	vmax.f32 v12, $1.126399990e+00;
	v12 =	vmax.f32 v7, $1.126399990e+00;
	v10 =	vadd.f32 v42, v10  }
0x2e1: {  	v26 =	vmul.f32 v1, v59;
	v2 =	vmax.f32 v2, $1.126399990e+00;
	v16 =	vsub.f32 $4.096000000e+03, v12  }
0x2e2: {  	v54 =	vld [tilespmem:$0x1FBB0];
	v33 =	vsel vm14, v29, v53;
	v31 =	vsub.f32 $4.096000000e+03, v2;
	(erf) = vrcp.f32 v10  }
0x2e3: {  	v53 =	vcvt.f32.s32 v28;
	v28 =	vld [tilespmem:$0x1FC00];
	v34 =	vsel vm12, v16, v12;
	v12 =	vmul.f32 v1, v61  }
0x2e4: {  	v29 =	vtrunc.f32 v55;
	v55 =	vld [tilespmem:$0x1FBC0];
	v58 =	vsel vm15, v31, v2;
	v2 =	vmax.f32 v11, $1.126399990e+00  }
0x2e5: {  	v61 =	vsel vm5, v14, v4;
	v14 =	vld [tilespmem:$0x1FBE0];
	v13 =	vsub.f32 $4.096000000e+03, v2;
	v3 =	vmin.f32 v12, $2.046873660e+03  }
0x2e6: {  	v19 =	vld [tilespmem:$0x1FBF0];
	v9 =	vsub.f32 $4.096000000e+03, v6;
	v59 =	vcvt.f32.s32 v29;
	v3 =	vmax.f32 v3, $1.126399990e+00  }
0x2e7: {  	v1 =	vtrunc.f32 v54;
	v31 =	vsel vm4, v13, v2;
	v13 =	vld [tilespmem:$0x1FBD0];
	v16 =	vsub.f32 $4.096000000e+03, v3  }
0x2e8: {  	s31 =	simm.s32 $0x6400;
	v35 =	vsel vm11, v9, v6;
	v6 =	vcvt.f32.s32 v1;
	v29 =	vtrunc.f32 v28;
	v28 =	vld [tilespmem:$0x1FC30]  }
0x2e9: {  	v1 =	vtrunc.f32 v55;
	[tilespmem:v53+s31+$0x0] =	vst.idx.add.s32.msk $0xffff, v56;
	v32 =	vsel vm6, v16, v3;
	v3 =	vmax.f32 v30, $1.126399990e+00  }
0x2ea: {  	s24 =	sor.u32 s11, s5;
	v2 =	vmin.f32 v26, $2.046873660e+03;
	v53 =	vld [tilespmem:$0x1FCD0];
	v16 =	vtrunc.f32 v14;
	v12 =	vsub.f32 $4.096000000e+03, v3  }
0x2eb: {  	s4 =	simm.s32 $0x7400;
	v7 =	vcvt.f32.s32 v1;
	v9 =	vmax.f32 v2, $1.126399990e+00;
	v2 =	vld [tilespmem:s24+$0x80];
	v11 =	vcvt.f32.s32 v16;
	v26 =	vpop (erf)  }
0x2ec: {  	[tilespmem:v59+s4+$0x0] =	vst.idx.add.s32.msk $0xffff, v56;
	v1 =	vtrunc.f32 v13;
	v30 =	vsel vm7, v12, v3;
	v3 =	vmul.f32 $2.048000000e+03, v26  }
0x2ed: {  	v16 =	vld [tilespmem:$0x1FC10];
	v8 =	vcvt.f32.s32 v1;
	v1 =	vtrunc.f32 v19  }
0x2ee: {  	v19 =	vtrunc.f32 v21;
	v21 =	vld [tilespmem:$0x1FC20];
	v15 =	vmul.f32 v3, v15  }
0x2ef: {  	s9 =	simm.s32 $0x8400;
	vm8 =	veq.s32 v0, $0x12;
	v59 =	vld [tilespmem:$0x1FCE0]  }
0x2f0: {  	s10 =	simm.s32 $0x9400;
	v55 =	vcvt.f32.s32 v29;
	[tilespmem:v6+s9+$0x0] =	vst.idx.add.s32.msk $0xffff, v56;
	v10 =	vsub.f32 $4.096000000e+03, v9;
	v15 =	vmin.f32 v15, $2.046873660e+03  }
0x2f1: {  	[tilespmem:v7+s10+$0x0] =	vst.idx.add.s32.msk $0xffff, v56;
	v4 =	vcvt.f32.s32 v1;
	v54 =	vcvt.f32.s32 v19;
	v15 =	vmax.f32 v15, $1.126399990e+00  }
0x2f2: {  	v19 =	vld [tilespmem:$0x1FC50];
	v0 =	vtrunc.f32 v16;
	v29 =	vsel vm8, v10, v9;
	v10 =	vsub.f32 $4.096000000e+03, v15  }
0x2f3: {  	vm9 =	veq.s32 v2, $0x0;
	v5 =	vcvt.f32.s32 v0;
	v0 =	vtrunc.f32 v21;
	v21 =	vld [tilespmem:$0x1FC70]  }
0x2f4: {  	v9 =	vcvt.f32.s32 v0;
	v0 =	vtrunc.f32 v28;
	v28 =	vsel vm9, v10, v15;
	v15 =	vld [tilespmem:$0x1FC40]  }
0x2f5: {  	s30 =	simm.s32 $0xA400;
	v26 =	vtrunc.f32 v20;
	v20 =	vld [tilespmem:$0x1FC60]  }
0x2f6: {  	[tilespmem:v8+s30+$0x0] =	vst.idx.add.s32.msk $0xffff, v56  }
0x2f7: {  	s29 =	simm.s32 $0xB400;
	v8 =	vld [tilespmem:$0x1FD10]  }
0x2f8: {  	s28 =	simm.s32 $0xC400;
	[tilespmem:v11+s29+$0x0] =	vst.idx.add.s32.msk $0xffff, v56;
	v13 =	vcvt.f32.s32 v0;
	v0 =	vtrunc.f32 v19  }
0x2f9: {  	[tilespmem:v4+s28+$0x0] =	vst.idx.add.s32.msk $0xffff, v56;
	v17 =	vmul.f32 v3, v17;
	v16 =	vtrunc.f32 v15  }
0x2fa: {  	v15 =	vcvt.f32.s32 v0;
	v0 =	vtrunc.f32 v20;
	v20 =	vld [tilespmem:$0x1FC80]  }
0x2fb: {  	s26 =	simm.s32 $0xD400;
	v1 =	vtrunc.f32 v21;
	v21 =	vld [tilespmem:$0x1FC90]  }
0x2fc: {  	[tilespmem:v55+s26+$0x0] =	vst.idx.add.s32.msk $0xffff, v56;
	v17 =	vmin.f32 v17, $2.046873660e+03  }
0x2fd: {  	s25 =	simm.s32 $0xE400;
	vm10 =	veq.s32 v2, $0x1;
	v55 =	vld [tilespmem:$0x1FD30];
	v18 =	vmul.f32 v3, v18;
	v17 =	vmax.f32 v17, $1.126399990e+00  }
0x2fe: {  	[tilespmem:v5+s25+$0x0] =	vst.idx.add.s32.msk $0xffff, v56;
	v8 =	vtrunc.f32 v8;
	v12 =	vcvt.f32.s32 v26;
	v26 =	vsub.f32 $4.096000000e+03, v17  }
0x2ff: {  	v19 =	vcvt.f32.s32 v1;
	v18 =	vmin.f32 v18, $2.046873660e+03;
	v1 =	vtrunc.f32 v20;
	v20 =	vld [tilespmem:$0x1FCA0]  }
0x300: {  	s12 =	simm.s32 $0xF400;
	v18 =	vmax.f32 v18, $1.126399990e+00;
	v26 =	vsel vm10, v26, v17;
	v17 =	vtrunc.f32 v21;
	v21 =	vld [tilespmem:$0x1FCB0]  }
0x301: {  	[tilespmem:v54+s12+$0x0] =	vst.idx.add.s32.msk $0xffff, v56;
	v10 =	vcvt.f32.s32 v16;
	v16 =	vcvt.f32.s32 v1;
	v1 =	vsub.f32 $4.096000000e+03, v18  }
0x302: {  	s13 =	simm.s32 $0x10400;
	vm11 =	veq.s32 v2, $0x2;
	v11 =	vmul.f32 v3, v23;
	v23 =	vld [tilespmem:$0x1FD20];
	v14 =	vcvt.f32.s32 v0  }
0x303: {  	[tilespmem:v9+s13+$0x0] =	vst.idx.add.s32.msk $0xffff, v56;
	v18 =	vsel vm11, v1, v18;
	v1 =	vtrunc.f32 v53;
	v53 =	vtrunc.f32 v59  }
0x304: {  	v6 =	vcvt.f32.s32 v53;
	v53 =	vld [tilespmem:$0x1FCF0];
	v0 =	vtrunc.f32 v20  }
0x305: {  	v59 =	vld [tilespmem:$0x1FD00];
	v20 =	vcvt.f32.s32 v0;
	v0 =	vtrunc.f32 v21  }
0x306: {  	v22 =	vmul.f32 v3, v22;
	v21 =	vcvt.f32.s32 v0;
	v0 =	vld [tilespmem:$0x1FCC0]  }
0x307: {  	s14 =	simm.s32 $0x11400;
	v4 =	vcvt.f32.s32 v8;
	v8 =	vtrunc.f32 v23;
	v23 =	vld [tilespmem:$0x1FD40]  }
0x308: {  	s19 =	simm.s32 $0x12400;
	v22 =	vmin.f32 v22, $2.046873660e+03;
	[tilespmem:v12+s14+$0x0] =	vst.idx.add.s32.msk $0xffff, v56  }
0x309: {  	s21 =	simm.s32 $0x13400;
	v22 =	vmax.f32 v22, $1.126399990e+00;
	[tilespmem:v13+s19+$0x0] =	vst.idx.add.s32.msk $0xffff, v56;
	v7 =	vtrunc.f32 v53  }
0x30a: {  	s23 =	simm.s32 $0x14400;
	[tilespmem:v10+s21+$0x0] =	vst.idx.add.s32.msk $0xffff, v56;
	v53 =	vtrunc.f32 v59;
	v59 =	vcvt.f32.s32 v7;
	v7 =	vsub.f32 $4.096000000e+03, v22  }
0x30b: {  	vm12 =	veq.s32 v2, $0x3;
	[tilespmem:v15+s23+$0x0] =	vst.idx.add.s32.msk $0xffff, v56;
	v0 =	vtrunc.f32 v0  }
0x30c: {  	v7 =	vsel vm12, v7, v22;
	v22 =	vcvt.f32.s32 v8;
	v8 =	vtrunc.f32 v55;
	v55 =	vld [tilespmem:$0x1FD50]  }
0x30d: {  	v46 =	vtrunc.f32 v46;
	[tilespmem:v14+s15+$0x0] =	vst.idx.add.s32.msk $0xffff, v56;
	v0 =	vcvt.f32.s32 v0  }
0x30e: {  	v37 =	vtrunc.f32 v37;
	v11 =	vmin.f32 v11, $2.046873660e+03;
	v1 =	vcvt.f32.s32 v1;
	[tilespmem:v19+s16+$0x0] =	vst.idx.add.s32.msk $0xffff, v56  }
0x30f: {  	v36 =	vtrunc.f32 v36;
	v33 =	vtrunc.f32 v33;
	v11 =	vmax.f32 v11, $1.126399990e+00;
	[tilespmem:v20+s31+$0x0] =	vst.idx.add.s32.msk $0xffff, v56  }
0x310: {  	v54 =	vsub.f32 $4.096000000e+03, v11;
	v5 =	vcvt.f32.s32 v8;
	v8 =	vtrunc.f32 v23;
	[tilespmem:v21+s4+$0x0] =	vst.idx.add.s32.msk $0xffff, v56  }
0x311: {  	vm13 =	veq.s32 v2, $0x4;
	v23 =	vcvt.f32.s32 v8;
	v8 =	vtrunc.f32 v55;
	v55 =	vld [tilespmem:$0x1FD70]  }
0x312: {  	v33 =	vcvt.f32.s32 v33;
	v9 =	vcvt.f32.s32 v8;
	v8 =	vsel vm13, v54, v11;
	v54 =	vld [tilespmem:$0x1FD60]  }
0x313: {  	v35 =	vtrunc.f32 v35;
	v53 =	vcvt.f32.s32 v53;
	[tilespmem:v0+s9+$0x0] =	vst.idx.add.s32.msk $0xffff, v56  }
0x314: {  	v34 =	vtrunc.f32 v34;
	v31 =	vtrunc.f32 v31;
	[tilespmem:v1+s10+$0x0] =	vst.idx.add.s32.msk $0xffff, v56  }
0x315: {  	v24 =	vmul.f32 v3, v24;
	v25 =	vmul.f32 v3, v25;
	[tilespmem:v6+s30+$0x0] =	vst.idx.add.s32.msk $0xffff, v56  }
0x316: {  	vm14 =	veq.s32 v2, $0x5;
	v63 =	vmul.f32 v3, v63;
	v12 =	vtrunc.f32 v55;
	v55 =	vld [tilespmem:$0x1FD90]  }
0x317: {  	vm15 =	veq.s32 v2, $0x6;
	v27 =	vmul.f32 v3, v27;
	v11 =	vtrunc.f32 v54;
	v54 =	vld [tilespmem:$0x1FD80]  }
0x318: {  	vm4 =	veq.s32 v2, $0x7;
	v17 =	vcvt.f32.s32 v17;
	v18 =	vtrunc.f32 v18;
	[tilespmem:v59+s29+$0x0] =	vst.idx.add.s32.msk $0xffff, v56  }
0x319: {  	v13 =	vmin.f32 v24, $2.046873660e+03;
	v26 =	vtrunc.f32 v26;
	v18 =	vcvt.f32.s32 v18;
	[tilespmem:v53+s28+$0x0] =	vst.idx.add.s32.msk $0xffff, v56  }
0x31a: {  	v21 =	vmin.f32 v63, $2.046873660e+03;
	v63 =	vtrunc.f32 v62;
	v7 =	vtrunc.f32 v7;
	[tilespmem:v4+s26+$0x0] =	vst.idx.add.s32.msk $0xffff, v56  }
0x31b: {  	v13 =	vmax.f32 v13, $1.126399990e+00;
	v7 =	vcvt.f32.s32 v7;
	v8 =	vtrunc.f32 v8;
	[tilespmem:v22+s25+$0x0] =	vst.idx.add.s32.msk $0xffff, v56  }
0x31c: {  	v24 =	vtrunc.f32 v55;
	v55 =	vld [tilespmem:$0x1FDA0];
	v10 =	vtrunc.f32 v54;
	v54 =	vsub.f32 $4.096000000e+03, v13  }
0x31d: {  	vm5 =	veq.s32 v2, $0x8;
	v8 =	vcvt.f32.s32 v8;
	v15 =	vcvt.f32.s32 v24;
	v24 =	vld [tilespmem:$0x1FDB0]  }
0x31e: {  	v12 =	vcvt.f32.s32 v12;
	v11 =	vcvt.f32.s32 v11;
	v13 =	vsel vm14, v54, v13;
	v54 =	vld [tilespmem:$0x1FDC0]  }
0x31f: {  	vm6 =	veq.s32 v2, $0x9;
	v22 =	vcvt.f32.s32 v37;
	v37 =	vtrunc.f32 v61;
	[tilespmem:v5+s12+$0x0] =	vst.idx.add.s32.msk $0xffff, v56  }
0x320: {  	vm7 =	veq.s32 v2, $0xA;
	[tilespmem:v23+s13+$0x0] =	vst.idx.add.s32.msk $0xffff, v56;
	v23 =	vcvt.f32.s32 v35;
	v10 =	vcvt.f32.s32 v10  }
0x321: {  	vm8 =	veq.s32 v2, $0xB;
	[tilespmem:v16+s17+$0x0] =	vst.idx.add.s32.msk $0xffff, v56;
	v35 =	vtrunc.f32 v58;
	v14 =	vtrunc.f32 v55  }
0x322: {  	[tilespmem:v17+s18+$0x0] =	vst.idx.add.s32.msk $0xffff, v56;
	v55 =	vmin.f32 v25, $2.046873660e+03;
	v14 =	vcvt.f32.s32 v14;
	v19 =	vtrunc.f32 v24  }
0x323: {  	[tilespmem:v9+s14+$0x0] =	vst.idx.add.s32.msk $0xffff, v56;
	v24 =	vmax.f32 v55, $1.126399990e+00;
	v16 =	vcvt.f32.s32 v19;
	v19 =	vtrunc.f32 v54  }
0x324: {  	[tilespmem:v11+s19+$0x0] =	vst.idx.add.s32.msk $0xffff, v56;
	v55 =	vsub.f32 $4.096000000e+03, v24;
	v54 =	vtrunc.f32 v41;
	v17 =	vcvt.f32.s32 v19  }
0x325: {  	v27 =	vmin.f32 v27, $2.046873660e+03;
	[tilespmem:v12+s21+$0x0] =	vst.idx.add.s32.msk $0xffff, v56;
	v41 =	vtrunc.f32 v47;
	v19 =	vcvt.f32.s32 v46  }
0x326: {  	[tilespmem:v10+s23+$0x0] =	vst.idx.add.s32.msk $0xffff, v56;
	v20 =	vcvt.f32.s32 v54;
	v0 =	vsel vm15, v55, v24;
	v55 =	vmul.f32 v3, v57  }
0x327: {  	v27 =	vmax.f32 v27, $1.126399990e+00;
	v46 =	vtrunc.f32 v49;
	v1 =	vcvt.f32.s32 v41;
	[tilespmem:v15+s15+$0x0] =	vst.idx.add.s32.msk $0xffff, v56  }
0x328: {  	v24 =	vcvt.f32.s32 v46;
	v57 =	vmin.f32 v55, $2.046873660e+03;
	v55 =	vtrunc.f32 v28;
	[tilespmem:v14+s16+$0x0] =	vst.idx.add.s32.msk $0xffff, v56  }
0x329: {  	vm9 =	veq.s32 v2, $0xC;
	v47 =	vtrunc.f32 v51;
	v58 =	vcvt.f32.s32 v55;
	[tilespmem:v16+s17+$0x0] =	vst.idx.add.s32.msk $0xffff, v56  }
0x32a: {  	vm10 =	veq.s32 v2, $0xD;
	v61 =	vcvt.f32.s32 v26;
	v6 =	vcvt.f32.s32 v47;
	[tilespmem:v17+s18+$0x0] =	vst.idx.add.s32.msk $0xffff, v56  }
0x32b: {  	v21 =	vmax.f32 v21, $1.126399990e+00;
	v5 =	vcvt.f32.s32 v36;
	v49 =	vtrunc.f32 v39;
	[tilespmem:v19+s31+$0x0] =	vst.idx.add.s32.msk $0xffff, v56  }
0x32c: {  	v9 =	vcvt.f32.s32 v34;
	v51 =	vsub.f32 $4.096000000e+03, v21;
	v25 =	vcvt.f32.s32 v49;
	[tilespmem:v20+s4+$0x0] =	vst.idx.add.s32.msk $0xffff, v56  }
0x32d: {  	vm11 =	veq.s32 v2, $0xE;
	v12 =	vcvt.f32.s32 v63;
	v54 =	vtrunc.f32 v60;
	[tilespmem:v1+s9+$0x0] =	vst.idx.add.s32.msk $0xffff, v56  }
0x32e: {  	v13 =	vtrunc.f32 v13;
	v4 =	vsel vm4, v51, v21;
	v21 =	vcvt.f32.s32 v54;
	[tilespmem:v24+s10+$0x0] =	vst.idx.add.s32.msk $0xffff, v56  }
0x32f: {  	v36 =	vsub.f32 $4.096000000e+03, v27;
	v13 =	vcvt.f32.s32 v13;
	v10 =	vcvt.f32.s32 v35;
	[tilespmem:v58+s31+$0x0] =	vst.idx.add.s32.msk $0xffff, v56  }
0x330: {  	vm12 =	veq.s32 v2, $0xF;
	v15 =	vcvt.f32.s32 v31;
	v39 =	vmul.f32 v3, v52;
	[tilespmem:v6+s30+$0x0] =	vst.idx.add.s32.msk $0xffff, v56  }
0x331: {  	v41 =	vsel vm6, v36, v27;
	v47 =	vtrunc.f32 v30;
	v52 =	vtrunc.f32 v29;
	[tilespmem:v61+s4+$0x0] =	vst.idx.add.s32.msk $0xffff, v56  }
0x332: {  	vm13 =	veq.s32 v2, $0x10;
	v27 =	vmul.f32 v3, v48;
	v36 =	vmul.f32 v3, v45;
	[tilespmem:v25+s29+$0x0] =	vst.idx.add.s32.msk $0xffff, v56  }
0x333: {  	vm14 =	veq.s32 v2, $0x11;
	v48 =	vmul.f32 v3, v43;
	v46 =	vtrunc.f32 v32;
	[tilespmem:v18+s9+$0x0] =	vst.idx.add.s32.msk $0xffff, v56  }
0x334: {  	vm15 =	veq.s32 v2, $0x12;
	v51 =	vcvt.f32.s32 v47;
	v54 =	vcvt.f32.s32 v52;
	[tilespmem:v21+s28+$0x0] =	vst.idx.add.s32.msk $0xffff, v56  }
0x335: {  	v0 =	vtrunc.f32 v0;
	v32 =	vtrunc.f32 v41;
	v49 =	vmin.f32 v39, $2.046873660e+03;
	[tilespmem:v7+s10+$0x0] =	vst.idx.add.s32.msk $0xffff, v56  }
0x336: {  	v0 =	vcvt.f32.s32 v0;
	v4 =	vtrunc.f32 v4;
	v29 =	vmin.f32 v27, $2.046873660e+03;
	[tilespmem:v22+s26+$0x0] =	vst.idx.add.s32.msk $0xffff, v56  }
0x337: {  	v39 =	vcvt.f32.s32 v32;
	v45 =	vmin.f32 v36, $2.046873660e+03;
	v59 =	vmax.f32 v57, $1.126399990e+00;
	[tilespmem:v8+s30+$0x0] =	vst.idx.add.s32.msk $0xffff, v56  }
0x338: {  	v14 =	vcvt.f32.s32 v37;
	v4 =	vcvt.f32.s32 v4;
	v60 =	vsub.f32 $4.096000000e+03, v59;
	[tilespmem:v5+s25+$0x0] =	vst.idx.add.s32.msk $0xffff, v56  }
0x339: {  	v53 =	vmax.f32 v49, $1.126399990e+00;
	v17 =	vcvt.f32.s32 v46;
	v46 =	vmul.f32 v3, v44;
	[tilespmem:v13+s29+$0x0] =	vst.idx.add.s32.msk $0xffff, v56  }
0x33a: {  	v31 =	vmax.f32 v29, $1.126399990e+00;
	v11 =	vsel vm5, v60, v59;
	v59 =	vmul.f32 v3, v50;
	[tilespmem:v23+s12+$0x0] =	vst.idx.add.s32.msk $0xffff, v56  }
0x33b: {  	v47 =	vmax.f32 v45, $1.126399990e+00;
	v57 =	vsub.f32 $4.096000000e+03, v53;
	v16 =	vmin.f32 v46, $2.046873660e+03;
	[tilespmem:v9+s13+$0x0] =	vst.idx.add.s32.msk $0xffff, v56  }
0x33c: {  	v34 =	vsub.f32 $4.096000000e+03, v31;
	v62 =	vmin.f32 v59, $2.046873660e+03;
	v16 =	vmax.f32 v16, $1.126399990e+00;
	[tilespmem:v12+s14+$0x0] =	vst.idx.add.s32.msk $0xffff, v56  }
0x33d: {  	v60 =	vsel vm7, v57, v53;
	v63 =	vmax.f32 v62, $1.126399990e+00;
	v49 =	vsub.f32 $4.096000000e+03, v16;
	[tilespmem:v33+s19+$0x0] =	vst.idx.add.s32.msk $0xffff, v56  }
0x33e: {  	v37 =	vsel vm9, v34, v31;
	v57 =	vmul.f32 v3, v40;
	v26 =	vsub.f32 $4.096000000e+03, v63;
	[tilespmem:v10+s21+$0x0] =	vst.idx.add.s32.msk $0xffff, v56  }
0x33f: {  	v30 =	vtrunc.f32 v11;
	v35 =	vtrunc.f32 v60;
	v52 =	vsel vm11, v49, v16;
	[tilespmem:v15+s23+$0x0] =	vst.idx.add.s32.msk $0xffff, v56  }
0x340: {  	v41 =	vcvt.f32.s32 v35;
	v28 =	vsel vm8, v26, v63;
	v6 =	vtrunc.f32 v52;
	[tilespmem:v14+s15+$0x0] =	vst.idx.add.s32.msk $0xffff, v56  }
0x341: {  	v59 =	vmin.f32 v57, $2.046873660e+03;
	v5 =	vtrunc.f32 v28;
	v6 =	vcvt.f32.s32 v6;
	[tilespmem:v17+s16+$0x0] =	vst.idx.add.s32.msk $0xffff, v56  }
0x342: {  	v13 =	vmax.f32 v59, $1.126399990e+00;
	v5 =	vcvt.f32.s32 v5;
	v9 =	vcvt.f32.s32 v30;
	[tilespmem:v51+s17+$0x0] =	vst.idx.add.s32.msk $0xffff, v56  }
0x343: {  	v61 =	vsub.f32 $4.096000000e+03, v13;
	v10 =	vtrunc.f32 v37;
	[tilespmem:v54+s18+$0x0] =	vst.idx.add.s32.msk $0xffff, v56;
	v54 =	vmul.f32 v3, v38  }
0x344: {  	v15 =	vsub.f32 $4.096000000e+03, v47;
	v10 =	vcvt.f32.s32 v10;
	v17 =	vmin.f32 v48, $2.046873660e+03  }
0x345: {  	v51 =	vmax.f32 v17, $1.126399990e+00;
	v3 =	vmul.f32 v3, v42;
	v58 =	vmin.f32 v54, $2.046873660e+03  }
0x346: {  	v14 =	vsel vm10, v15, v47;
	v53 =	vsub.f32 $4.096000000e+03, v51;
	v8 =	vmax.f32 v58, $1.126399990e+00  }
0x347: {  	[tilespmem:v0+s28+$0x0] =	vst.idx.add.s32.msk $0xffff, v56;
	v50 =	vtrunc.f32 v14;
	v3 =	vmin.f32 v3, $2.046873660e+03;
	v60 =	vsub.f32 $4.096000000e+03, v8  }
0x348: {  	[tilespmem:v4+s26+$0x0] =	vst.idx.add.s32.msk $0xffff, v56;
	v1 =	vcvt.f32.s32 v50;
	v55 =	vsel vm12, v53, v51;
	v3 =	vmax.f32 v3, $1.126399990e+00  }
0x349: {  	[tilespmem:v9+s25+$0x0] =	vst.idx.add.s32.msk $0xffff, v56;
	v7 =	vtrunc.f32 v55;
	v62 =	vsub.f32 $4.096000000e+03, v3;
	v0 =	vsel vm13, v60, v8  }
0x34a: {  	v4 =	vsel vm14, v61, v13;
	[tilespmem:v39+s12+$0x0] =	vst.idx.add.s32.msk $0xffff, v56;
	v7 =	vcvt.f32.s32 v7;
	v0 =	vtrunc.f32 v0  }
0x34b: {  	v63 =	vtrunc.f32 v4;
	[tilespmem:v41+s13+$0x0] =	vst.idx.add.s32.msk $0xffff, v56;
	v3 =	vsel vm15, v62, v3;
	v0 =	vcvt.f32.s32 v0  }
0x34c: {  	v2 =	vcvt.f32.s32 v63;
	[tilespmem:v5+s14+$0x0] =	vst.idx.add.s32.msk $0xffff, v56;
	v3 =	vtrunc.f32 v3  }
0x34d: {  	s22 =	sadd.s32 $0x4, s22;
	[tilespmem:v10+s19+$0x0] =	vst.idx.add.s32.msk $0xffff, v56;
	v3 =	vcvt.f32.s32 v3  }
0x34e: {  	p0 =	slt.u32 s22, $0x1C;
	[tilespmem:v1+s21+$0x0] =	vst.idx.add.s32.msk $0xffff, v56  }
.Ltmp2:
0x34f: {  	[tilespmem:v6+s23+$0x0] =	vst.idx.add.s32.msk $0xffff, v56;
	(pc) =	sbr.rel @p0 .LBB2_7-.Ltmp2, $4  }
0x350: {  	[tilespmem:v7+s15+$0x0] =	vst.idx.add.s32.msk $0xffff, v56  }
0x351: {  	[tilespmem:v0+s16+$0x0] =	vst.idx.add.s32.msk $0xffff, v56  }
0x352: {  	[tilespmem:v2+s17+$0x0] =	vst.idx.add.s32.msk $0xffff, v56  }
0x353: {  	s2 =	sadd.s32 $0x40, s2;
	s1 =	sadd.s32 $0x200, s1;
	[tilespmem:v3+s18+$0x0] =	vst.idx.add.s32.msk $0xffff, v56  }
0x354: {  	s1 =	rddreg [dreg:$0x1a]  }
0x355: {  	s1 =	sadd.s32 $0x1, s1  }
0x356: {  	p0 =	sne.s32 s1, $0x20  }
.Ltmp3:
0x357: {  	s14 =	rddreg [dreg:$0x0];
	(pc) =	sbr.rel @p0 .LBB2_4-.Ltmp3, $4  }
0x358: {  	s26 =	rddreg [dreg:$0x1]  }
0x359: {  	s28 =	rddreg [dreg:$0x5]  }
0x35a: {  	s29 =	rddreg [dreg:$0x6]  }
0x35b: {  	s30 =	rddreg [dreg:$0x7]  }
0x35c: {  	s0 =	rddreg [dreg:$0xa]  }
0x35d: {  	s1 =	simm.s32 $0x80;
	s3 =	simm.s32 $0x400;
	s24 =	simm.s32 $0x3  }
0x35e: {  	[hbm4b:s0+s1] =	stream.strided.scatter [tilespmem:s31], [sflag:$0x3], $0x13000, s3, s1, $0x38;
	[tilespmem:$0x19400] =	vst v63  }
0x35f: {  	_ =	swait.ge [sflag:s24], $0x13000  }
0x360: {  	s7 =	rddreg [dreg:$0x4]  }
0x361: {  	s25 =	rddreg [dreg:$0xb];
	s7 =	sadd.s32 $0x1, s7  }
0x362: {  	p0 =	sne.s32 s7, s25  }
.Ltmp4:
0x363: {  	_ = 	snop;
	(pc) =	sbr.rel @p0 .LBB2_1-.Ltmp4, $3  }
0x364: {  	_ =	sdelay $0x1  }
0x365: {  	[sflag:s24] =	ssyncset.done $0x0  }
0x366: {  	v0 =	vimm.s32 $0x0;
	[sflag:s24] =	ssyncadd.s32 $0xFFFED000  }
0x367: {  	_ =	sfence.sel $0x180000  }
0x368: {  	[bflag:$0x0] =	sbarrier.arrive $0xFFFF  }
0x369: {  	_ =	strace $0x90000047  }
0x36a: {  	s0 =	stileid.u32;
	[bflag:$0x2] =	sbarrier.arrive $0xFFFF  }
0x36b: {  	p0 =	sne.s32 s0, $0x0;
	s0 =	rddreg [dreg:$0x3]  }
0x36c: {  	s0 =	sadd.s32 @!p0 $0x100000, s0  }
0x36d: {  	[sflag:s0] =	ssyncadd.tile.s32 @!p0 $0x1;
	_ =	shalt  }
.Lfunc_end2:
_tile_overlayer_lowered:
.L_overlay_start_2:
0x36e: {  	(tag) =	ssettag $0x2  }
0x36f: {  	s0 =	rddreg [dreg:$0x0];
	s2 =	stileid.u32  }
0x370: {  	s1 =	rddreg [dreg:$0x1];
	p0 =	sne.s32 s2, $0x0  }
0x371: {  	s3 =	rddreg [dreg:$0x2];
	[bflag:$0x3] =	sbarrier.arrive $0xFFFF;
	s2 =	simm.s32 @!p0 $0x1C03  }
0x372: {  	[timem:s3], [sflag:s2] =	dma.local @!p0 [hbm:s0], s1  }
0x373: {  	s0 =	simm.s32 @!p0 $0x3  }
0x374: {  	_ =	swait.ge @!p0 [sflag:s0], s1  }
0x375: {  	s1 =	ssub.s32 @!p0 $0x0, s1;
	[sflag:s0] =	ssyncset.done @!p0 $0x0  }
0x376: {  	[sflag:s0] =	ssyncadd.s32 @!p0 s1  }
0x377: {  	[bflag:$0x3] =	sbarrier.arrive $0xFFFF  }
0x378: {  	_ =	shalt  }

</sc_bundles>
